<compile_context>
chip_gen: v7x
topology: tpu7x:2x2x1
jax: 0.10.2.dev20260603
libtpu: 0.0.44.dev20260713+nightly
codegen_flags: <defaults>
</compile_context>

<pallas_src>
import functools

import numpy as np
import jax
import jax.numpy as jnp
from jax import lax
from jax.experimental import pallas as pl
from jax.experimental.pallas import tpu as pltpu
from jax.experimental.pallas import tpu_sc as plsc

N = 10000
E = 320000
D = 128
F1 = 64
F2 = 32
F3 = 32
TN = 16
BINS = 16

NC = 2
NS = 16
NPAD = 10240
RPT = NPAD // NS
K = 80
EPT = E // NS
CHUNKS = EPT // K



FW = 128
NB = 4


@functools.lru_cache(maxsize=None)
def _sc_scatter_rows():
    mesh = plsc.VectorSubcoreMesh(
        core_axis_name="c", subcore_axis_name="s", num_cores=NC,
        num_subcores=NS)

    @functools.partial(
        pl.kernel,
        out_type=jax.ShapeDtypeStruct((NC * NPAD, FW), jnp.float32),
        mesh=mesh,
        scratch_types=[
            pltpu.VMEM((K,), jnp.int32),
            pltpu.VMEM((K,), jnp.int32),
            pltpu.VMEM((K,), jnp.int32),
            pltpu.VMEM((K,), jnp.int32),
            pltpu.VMEM((K, FW), jnp.float32),
            pltpu.VMEM((K, FW), jnp.float32),
            pltpu.VMEM_SHARED((NPAD, FW), jnp.float32),
            pltpu.SemaphoreType.DMA,
            pltpu.SemaphoreType.DMA,
        ],
    )
    def k(src_hbm, dst_hbm, table_hbm, zeros_hbm, out_hbm,
          srcA, dstA, srcB, dstB, rows0, rows1, acc_sh, sem0, sem1):
        c = lax.axis_index("c")
        s = lax.axis_index("s")
        base = c * NPAD + s * RPT
        pltpu.sync_copy(zeros_hbm, acc_sh.at[pl.ds(s * RPT, RPT)])
        plsc.subcore_barrier()
        ebase = c * E + s * EPT
        pltpu.sync_copy(src_hbm.at[pl.ds(ebase, K)], srcA)
        pltpu.sync_copy(dst_hbm.at[pl.ds(ebase, K)], dstA)
        pltpu.async_copy(table_hbm.at[srcA], rows0, sem0)

        def body(j, carry):
            i1 = 2 * j + 1
            pltpu.sync_copy(src_hbm.at[pl.ds(ebase + i1 * K, K)], srcB)
            pltpu.sync_copy(dst_hbm.at[pl.ds(ebase + i1 * K, K)], dstB)
            pltpu.async_copy(table_hbm.at[srcB], rows1, sem1)
            pltpu.make_async_copy(table_hbm.at[srcA], rows0, sem0).wait()
            pltpu.sync_copy(rows0, acc_sh.at[dstA], add=True)

            @pl.when(i1 + 1 < CHUNKS)
            def _():
                pltpu.sync_copy(
                    src_hbm.at[pl.ds(ebase + (i1 + 1) * K, K)], srcA)
                pltpu.sync_copy(
                    dst_hbm.at[pl.ds(ebase + (i1 + 1) * K, K)], dstA)
                pltpu.async_copy(table_hbm.at[srcA], rows0, sem0)

            pltpu.make_async_copy(table_hbm.at[srcB], rows1, sem1).wait()
            pltpu.sync_copy(rows1, acc_sh.at[dstB], add=True)
            return carry

        lax.fori_loop(0, CHUNKS // 2, body, 0)
        plsc.subcore_barrier()
        pltpu.sync_copy(
            acc_sh.at[pl.ds(s * RPT, RPT)], out_hbm.at[pl.ds(base, RPT)])

    return k


@functools.lru_cache(maxsize=None)
def _sc_degree():
    mesh = plsc.VectorSubcoreMesh(
        core_axis_name="c", subcore_axis_name="s", num_cores=NC,
        num_subcores=NS)

    @functools.partial(
        pl.kernel,
        out_type=jax.ShapeDtypeStruct((NC * NPAD,), jnp.float32),
        mesh=mesh,
        scratch_types=[
            pltpu.VMEM((K,), jnp.int32),
            pltpu.VMEM((K,), jnp.int32),
            pltpu.VMEM((K,), jnp.float32),
            pltpu.VMEM_SHARED((NPAD,), jnp.float32),
            pltpu.SemaphoreType.DMA,
            pltpu.SemaphoreType.DMA,
        ],
    )
    def k(dst_hbm, ones_hbm, zeros_hbm, out_hbm, dstA, dstB, ones_v, acc_sh,
          semA, semB):
        c = lax.axis_index("c")
        s = lax.axis_index("s")
        pltpu.sync_copy(zeros_hbm, acc_sh.at[pl.ds(s * RPT, RPT)])
        pltpu.sync_copy(ones_hbm, ones_v)
        plsc.subcore_barrier()
        ebase = c * E + s * EPT
        pltpu.sync_copy(dst_hbm.at[pl.ds(ebase, K)], dstA)

        def body(j, carry):
            i1 = 2 * j + 1
            pltpu.sync_copy(dst_hbm.at[pl.ds(ebase + i1 * K, K)], dstB)
            pltpu.async_copy(ones_v, acc_sh.at[dstA], semA, add=True)
            pltpu.async_copy(ones_v, acc_sh.at[dstB], semB, add=True)
            pltpu.make_async_copy(ones_v, acc_sh.at[dstA], semA).wait()

            @pl.when(i1 + 1 < CHUNKS)
            def _():
                pltpu.sync_copy(
                    dst_hbm.at[pl.ds(ebase + (i1 + 1) * K, K)], dstA)

            pltpu.make_async_copy(ones_v, acc_sh.at[dstB], semB).wait()
            return carry

        lax.fori_loop(0, CHUNKS // 2, body, 0)
        plsc.subcore_barrier()
        pltpu.sync_copy(
            acc_sh.at[pl.ds(s * RPT, RPT)],
            out_hbm.at[pl.ds(c * NPAD + s * RPT, RPT)])

    return k



def _tc_matmul(X, W):
    M, F = X.shape[0], W.shape[1]

    def body(x_ref, w_ref, xw_ref):
        xw_ref[...] = jnp.dot(x_ref[...], w_ref[...],
                              preferred_element_type=jnp.float32)

    return pl.pallas_call(
        body, out_shape=jax.ShapeDtypeStruct((M, F), jnp.float32),
    )(X, W)


def _tc_scale(xw, cnt):
    M, F = xw.shape

    def body(x_ref, c_ref, xw_ref, dinv_ref):
        dinv = lax.rsqrt(c_ref[...] + 1.0)
        xw_ref[...] = x_ref[...] * dinv
        dinv_ref[...] = dinv

    return pl.pallas_call(
        body,
        out_shape=(jax.ShapeDtypeStruct((M, F), jnp.float32),
                   jax.ShapeDtypeStruct((M, 1), jnp.float32)),
    )(xw, cnt)


def _tc_mid(acc, xwp, dinv, b, Wn):
    M, Fn = acc.shape[0], Wn.shape[1]

    def body(a_ref, x_ref, d_ref, b_ref, w_ref, o_ref):
        d = d_ref[...]
        h = jnp.maximum(d * (a_ref[...] + x_ref[...]) + b_ref[...], 0.0)
        o_ref[...] = jnp.dot(h, w_ref[...],
                             preferred_element_type=jnp.float32) * d

    return pl.pallas_call(
        body, out_shape=jax.ShapeDtypeStruct((M, Fn), jnp.float32),
    )(acc, xwp, dinv, b, Wn)


def _tc_last(acc, xwp, dinv, b):
    M, F = acc.shape

    def body(a_ref, x_ref, d_ref, b_ref, o_ref):
        a = d_ref[...] * (a_ref[...] + x_ref[...]) + b_ref[...]
        row = lax.broadcasted_iota(jnp.int32, (M, 1), 0)
        keep = (row % NPAD) < N
        o_ref[...] = jnp.where(keep, a, 0.0)

    return pl.pallas_call(
        body, out_shape=jax.ShapeDtypeStruct((M, F), jnp.float32),
    )(acc, xwp, dinv, b)


_HB = 1024
_HG = NPAD // _HB


def _tc_minmax(a1, a2t):

    def body(a1_ref, a2_ref, lo_ref, hi_ref):
        i = pl.program_id(0)
        j = pl.program_id(1)
        s = jnp.dot(a1_ref[...], a2_ref[...],
                    preferred_element_type=jnp.float32)
        rmask = (lax.broadcasted_iota(jnp.int32, (_HB, 1), 0) + i * _HB) < N
        cmask = (lax.broadcasted_iota(jnp.int32, (1, _HB), 1) + j * _HB) < N
        m = jnp.logical_and(rmask, cmask)
        lo_t = jnp.min(jnp.where(m, s, jnp.inf), keepdims=True)
        hi_t = jnp.max(jnp.where(m, s, -jnp.inf), keepdims=True)

        @pl.when(jnp.logical_and(i == 0, j == 0))
        def _():
            lo_ref[...] = lo_t
            hi_ref[...] = hi_t

        @pl.when(jnp.logical_or(i != 0, j != 0))
        def _():
            lo_ref[...] = jnp.minimum(lo_ref[...], lo_t)
            hi_ref[...] = jnp.maximum(hi_ref[...], hi_t)

    return pl.pallas_call(
        body,
        grid=(_HG, _HG),
        in_specs=[pl.BlockSpec((_HB, F3), lambda i, j: (i, 0)),
                  pl.BlockSpec((F3, _HB), lambda i, j: (0, j))],
        out_specs=(pl.BlockSpec((1, 1), lambda i, j: (0, 0)),
                   pl.BlockSpec((1, 1), lambda i, j: (0, 0))),
        out_shape=(jax.ShapeDtypeStruct((1, 1), jnp.float32),
                   jax.ShapeDtypeStruct((1, 1), jnp.float32)),
    )(a1, a2t)


_STRIDE = 1


def _tc_bins(a1s, a2t, lo, hi):
    MR = a1s.shape[0]
    NR = N // _STRIDE
    GR = MR // _HB
    steps = GR * _HG

    def body(a1_ref, a2_ref, lo_ref, hi_ref, cum_ref):
        i = pl.program_id(0)
        j = pl.program_id(1)
        lo_v = lo_ref[0, 0]
        scale = BINS / jnp.maximum(hi_ref[0, 0] - lo_v, 1e-30)
        s = jnp.dot(a1_ref[...], a2_ref[...],
                    preferred_element_type=jnp.float32)
        q = (s - lo_v) * scale
        rmask = (lax.broadcasted_iota(jnp.int32, (_HB, 1), 0) + i * _HB) < NR
        cmask = (lax.broadcasted_iota(jnp.int32, (1, _HB), 1) + j * _HB) < N
        q = jnp.where(jnp.logical_and(rmask, cmask), q, -1.0)
        lanes = lax.broadcasted_iota(jnp.int32, (1, BINS), 1)
        total = jnp.where(lanes == 0, np.float32(N) * N / steps, 0.0)
        for b in range(1, BINS):
            cb = jnp.sum(jnp.where(q >= np.float32(b), 1.0, 0.0))
            total = total + jnp.where(lanes == b, np.float32(_STRIDE) * cb,
                                      0.0)

        @pl.when(jnp.logical_and(i == 0, j == 0))
        def _():
            cum_ref[...] = total

        @pl.when(jnp.logical_or(i != 0, j != 0))
        def _():
            cum_ref[...] = cum_ref[...] + total

    return pl.pallas_call(
        body,
        grid=(GR, _HG),
        in_specs=[pl.BlockSpec((_HB, F3), lambda i, j: (i, 0)),
                  pl.BlockSpec((F3, _HB), lambda i, j: (0, j)),
                  pl.BlockSpec((1, 1), lambda i, j: (0, 0)),
                  pl.BlockSpec((1, 1), lambda i, j: (0, 0))],
        out_specs=pl.BlockSpec((1, BINS), lambda i, j: (0, 0)),
        out_shape=jax.ShapeDtypeStruct((1, BINS), jnp.float32),
    )(a1s, a2t, lo, hi)


def _tc_head(a1, a2, cum, att_W, Bf, Km, Tm, Dm, Wb, tn_bias,
             fcWa, fcWb, fc_b, sc_W, sc_b, ones):

    def body(a1_ref, a2_ref, cum_ref, aw_ref, bf_ref, km_ref, tm_ref, dm_ref,
             wb_ref, tb_ref, fa_ref, fb_ref, fbias_ref, sw_ref, sb_ref,
             ones_ref, o_ref):
        def att(x):
            xa = jnp.dot(x, aw_ref[...], preferred_element_type=jnp.float32)
            su = lax.dot_general(xa, ones_ref[...], (((0,), (0,)), ((), ())),
                                 preferred_element_type=jnp.float32)
            tg = jnp.tanh(su * (1.0 / N))
            sig = jax.nn.sigmoid(
                jnp.dot(x, tg, preferred_element_type=jnp.float32))
            return lax.dot_general(x, sig, (((0,), (0,)), ((), ())),
                                   preferred_element_type=jnp.float32)

        p1 = att(a1_ref[...])
        p2 = att(a2_ref[...])
        v = jnp.dot(bf_ref[...], p1, preferred_element_type=jnp.float32)
        p2rep = jnp.dot(tm_ref[...], p2, preferred_element_type=jnp.float32)
        w = v * p2rep
        score = lax.dot_general(km_ref[...], w, (((0,), (0,)), ((), ())),
                                preferred_element_type=jnp.float32)
        comb = jnp.concatenate([p1, p2], axis=0)
        block = jnp.dot(wb_ref[...], comb,
                        preferred_element_type=jnp.float32)
        tnv = jnp.maximum(score + block + tb_ref[...], 0.0)
        binsv = jnp.dot(cum_ref[...], dm_ref[...],
                        preferred_element_type=jnp.float32)
        binsv = jnp.minimum(binsv, 16777216.0)
        h = binsv / jnp.sum(binsv)
        z = (lax.dot_general(tnv, fa_ref[...], (((0,), (0,)), ((), ())),
                             preferred_element_type=jnp.float32)
             + jnp.dot(h, fb_ref[...], preferred_element_type=jnp.float32)
             + fbias_ref[...])
        z = jnp.maximum(z, 0.0)
        o_ref[...] = jax.nn.sigmoid(
            jnp.dot(z, sw_ref[...], preferred_element_type=jnp.float32)
            + sb_ref[...])

    return pl.pallas_call(
        body, out_shape=jax.ShapeDtypeStruct((1, 1), jnp.float32),
    )(a1, a2, cum, att_W, Bf, Km, Tm, Dm, Wb, tn_bias,
      fcWa, fcWb, fc_b, sc_W, sc_b, ones)



def _head_consts():
    km = np.repeat(np.eye(TN, dtype=np.float32), F3, axis=0)
    tm = np.tile(np.eye(F3, dtype=np.float32), (TN, 1))
    dm = np.eye(BINS, dtype=np.float32)
    for jj in range(BINS - 1):
        dm[jj + 1, jj] = -1.0
    return jnp.asarray(km), jnp.asarray(tm), jnp.asarray(dm)



def kernel(features_1, features_2, edge_index_1, edge_index_2,
           W1, b1, W2, b2, W3, b3, att_W, tn_W, tn_Wb, tn_bias,
           fc_W, fc_b, sc_W, sc_b):
    pad = NPAD - N
    X = jnp.concatenate([
        features_1, jnp.zeros((pad, D), jnp.float32),
        features_2, jnp.zeros((pad, D), jnp.float32)], axis=0)
    SRC = jnp.concatenate([edge_index_1[0], edge_index_2[0] + NPAD])
    DST = jnp.concatenate([edge_index_1[1], edge_index_2[1]])

    zf = jnp.zeros((RPT, FW), jnp.float32)
    z1 = jnp.zeros((RPT,), jnp.float32)
    ones_k = jnp.ones((K,), jnp.float32)

    def padw(w, bb):
        wp = jnp.zeros((FW, FW), jnp.float32).at[:w.shape[0], :w.shape[1]].set(w)
        bp = jnp.zeros((1, FW), jnp.float32).at[0, :bb.shape[0]].set(bb)
        return wp, bp

    W1p, b1p = padw(W1, b1)
    W2p, b2p = padw(W2, b2)
    W3p, b3p = padw(W3, b3)

    scatter = _sc_scatter_rows()
    cnt = _sc_degree()(DST, ones_k, z1).reshape(NC * NPAD, 1)
    xw1_raw = _tc_matmul(X, W1p)
    xw1, dinv = _tc_scale(xw1_raw, cnt)
    acc1 = scatter(SRC, DST, xw1, zf)
    xw2 = _tc_mid(acc1, xw1, dinv, b1p, W2p)
    acc2 = scatter(SRC, DST, xw2, zf)
    xw3 = _tc_mid(acc2, xw2, dinv, b2p, W3p)
    acc3 = scatter(SRC, DST, xw3, zf)
    a = _tc_last(acc3, xw3, dinv, b3p)

    a1 = a[:NPAD, :F3]
    a2 = a[NPAD:, :F3]
    a2t = a2.T
    lo, hi = _tc_minmax(a1, a2t)
    cum = _tc_bins(a1[::_STRIDE], a2t, lo, hi)

    km, tm, dm = _head_consts()
    Bf = jnp.transpose(tn_W, (2, 1, 0)).reshape(TN * F3, F3)
    ones_n = jnp.ones((NPAD, 1), jnp.float32)
    return _tc_head(a1, a2, cum, att_W, Bf, km, tm, dm, tn_Wb, tn_bias,
                    fc_W[:TN], fc_W[TN:], fc_b.reshape(1, -1),
                    sc_W, sc_b.reshape(1, 1), ones_n)

# --- scband reference (transcript-rebuilt; emitter-appended) ---
"""Pipeline reference for scband-ca-tsim-33732673143503 (READ-ONLY COPY).

The authoritative reference and input builder live on the scoring server;
editing this copy changes nothing except your own understanding.
"""

import jax, jax.numpy as jnp
import numpy as np

N = 10000
E = 320000
D = 128
F1 = 64
F2 = 32
F3 = 32
TN = 16
BINS = 16
BN = 16

def setup_inputs(seed: int = 0):
    key = jax.random.key(seed)
    ks = jax.random.split(key, 24)
    s = 0.05
    inp = {}
    inp["features_1"] = jax.random.normal(ks[0], (N, D), dtype=jnp.float32)
    inp["features_2"] = jax.random.normal(ks[1], (N, D), dtype=jnp.float32)
    inp["edge_index_1"] = jax.random.randint(ks[2], (2, E), 0, N, dtype=jnp.int32)
    inp["edge_index_2"] = jax.random.randint(ks[3], (2, E), 0, N, dtype=jnp.int32)
    inp["W1"] = jax.random.normal(ks[4], (D, F1), dtype=jnp.float32) * s
    inp["b1"] = jnp.zeros((F1,), dtype=jnp.float32)
    inp["W2"] = jax.random.normal(ks[5], (F1, F2), dtype=jnp.float32) * s
    inp["b2"] = jnp.zeros((F2,), dtype=jnp.float32)
    inp["W3"] = jax.random.normal(ks[6], (F2, F3), dtype=jnp.float32) * s
    inp["b3"] = jnp.zeros((F3,), dtype=jnp.float32)
    inp["att_W"] = jax.random.normal(ks[7], (F3, F3), dtype=jnp.float32) * s
    inp["tn_W"] = jax.random.normal(ks[8], (F3, F3, TN), dtype=jnp.float32) * s
    inp["tn_Wb"] = jax.random.normal(ks[9], (TN, 2 * F3), dtype=jnp.float32) * s
    inp["tn_bias"] = jnp.zeros((TN, 1), dtype=jnp.float32)
    inp["fc_W"] = jax.random.normal(ks[10], (TN + BINS, BN), dtype=jnp.float32) * s
    inp["fc_b"] = jnp.zeros((BN,), dtype=jnp.float32)
    inp["sc_W"] = jax.random.normal(ks[11], (BN, 1), dtype=jnp.float32) * s
    inp["sc_b"] = jnp.zeros((1,), dtype=jnp.float32)
    return inp

def gcn_conv(x, ei, W, b):
    n = x.shape[0]
    loop = jnp.arange(n, dtype=ei.dtype)
    src = jnp.concatenate([ei[0], loop])
    dst = jnp.concatenate([ei[1], loop])
    deg = jnp.zeros((n,), dtype=x.dtype).at[dst].add(1.0)
    dinv = jax.lax.rsqrt(deg)
    norm = (dinv[src] * dinv[dst])[:, None]
    xw = x @ W
    out = jnp.zeros((n, W.shape[1]), dtype=x.dtype).at[dst].add(xw[src] * norm)
    return out + b

def conv_pass(x, ei, W1, b1, W2, b2, W3, b3):
    x = jax.nn.relu(gcn_conv(x, ei, W1, b1))
    x = jax.nn.relu(gcn_conv(x, ei, W2, b2))
    return gcn_conv(x, ei, W3, b3)

def attention(x, Wa):
    tg = jnp.tanh(jnp.mean(x @ Wa, axis=0))
    sig = jax.nn.sigmoid(x @ tg[:, None])
    return x.T @ sig

def tensor_network(e1, e2, Wt, Wb, bt):
    scoring = (e1.T @ Wt.reshape(F3, F3 * TN)).reshape(F3, TN)
    scoring = scoring.T @ e2
    combined = jnp.concatenate([e1, e2], axis=0)
    block = Wb @ combined
    return jax.nn.relu(scoring + block + bt)

def calc_hist(a1, a2t):
    s = jax.lax.stop_gradient(a1 @ a2t).reshape(-1)
    h, _ = jnp.histogram(s, bins=BINS)
    h = h.astype(jnp.float32)
    h = h / jnp.sum(h)
    return h.reshape(1, -1)

def reference(features_1, features_2, edge_index_1, edge_index_2, W1, b1, W2, b2, W3, b3, att_W, tn_W, tn_Wb, tn_bias, fc_W, fc_b, sc_W, sc_b):
    a1 = conv_pass(features_1, edge_index_1, W1, b1, W2, b2, W3, b3)
    a2 = conv_pass(features_2, edge_index_2, W1, b1, W2, b2, W3, b3)
    hist = calc_hist(a1, a2.T)
    p1 = attention(a1, att_W)
    p2 = attention(a2, att_W)
    sc = tensor_network(p1, p2, tn_W, tn_Wb, tn_bias).T
    sc = jnp.concatenate([sc, hist], axis=1).reshape(1, -1)
    sc = jax.nn.relu(sc @ fc_W + fc_b)
    return jax.nn.sigmoid(sc @ sc_W + sc_b)

if __name__ == "__main__":
    import jax
    _d = setup_inputs()
    print(jax.jit(kernel)(*tuple(_d.values())))

</pallas_src>

<mosaic_0001>
#map = affine_map<(d0, d1) -> (0)>
module attributes {stable_mosaic.version = 14 : i64} {
  func.func @k(%arg0: i32, %arg1: i32, %arg2: memref<640000xi32, #tpu.memory_space<hbm>>, %arg3: memref<80xf32, #tpu.memory_space<hbm>>, %arg4: memref<640xf32, #tpu.memory_space<hbm>>, %arg5: memref<20480xf32, #tpu.memory_space<hbm>>, %arg6: memref<80xi32, #tpu.memory_space<vmem>>, %arg7: memref<80xi32, #tpu.memory_space<vmem>>, %arg8: memref<80xf32, #tpu.memory_space<vmem>>, %arg9: memref<10240xf32, #tpu.memory_space<vmem_shared>>, %arg10: memref<!tpu.dma_semaphore, #tpu.memory_space<semaphore_mem>>, %arg11: memref<!tpu.dma_semaphore, #tpu.memory_space<semaphore_mem>>) attributes {dimension_semantics = [#tpu.dimension_semantics<core_parallel>, #tpu.dimension_semantics<subcore_parallel>], iteration_bounds = array<i64: 2, 16>, scalar_prefetch = 0 : i64, scratch_operands = 6 : i64, tpu.core_type = #tpu.core_type<sc_vector_subcore>, window_params = [{transform_indices = #map}, {transform_indices = #map}, {transform_indices = #map}, {transform_indices = #map}]} {
    %mul3A = arith.constant 640 : i32
    %mul3A_0 = arith.muli %arg1, %mul3A : i32
    "tpu.region"() ({
      %run_scoped3A = tpu.sem_alloc : memref<!tpu.dma_semaphore, #tpu.memory_space<semaphore_mem>>
      %dma_start3A = tpu.memref_slice %arg9[%mul3A_0] : memref<10240xf32, #tpu.memory_space<vmem_shared>> -> memref<640xf32, #tpu.memory_space<vmem_shared>>
      tpu.enqueue_dma source(%arg4 : memref<640xf32, #tpu.memory_space<hbm>>) target(%dma_start3A : memref<640xf32, #tpu.memory_space<vmem_shared>>) target_semaphore(%run_scoped3A : memref<!tpu.dma_semaphore, #tpu.memory_space<semaphore_mem>>)
      %dma_wait3A = tpu.memref_slice %arg9[%mul3A_0] : memref<10240xf32, #tpu.memory_space<vmem_shared>> -> memref<640xf32, #tpu.memory_space<vmem_shared>>
      tpu.wait_dma2 semaphore(%run_scoped3A : memref<!tpu.dma_semaphore, #tpu.memory_space<semaphore_mem>>) src(%arg4 : memref<640xf32, #tpu.memory_space<hbm>>) dst(%dma_wait3A : memref<640xf32, #tpu.memory_space<vmem_shared>>)
      tpu.yield
    }) : () -> ()
    "tpu.region"() ({
      %run_scoped3A = tpu.sem_alloc : memref<!tpu.dma_semaphore, #tpu.memory_space<semaphore_mem>>
      tpu.enqueue_dma source(%arg3 : memref<80xf32, #tpu.memory_space<hbm>>) target(%arg8 : memref<80xf32, #tpu.memory_space<vmem>>) target_semaphore(%run_scoped3A : memref<!tpu.dma_semaphore, #tpu.memory_space<semaphore_mem>>)
      tpu.wait_dma2 semaphore(%run_scoped3A : memref<!tpu.dma_semaphore, #tpu.memory_space<semaphore_mem>>) src(%arg3 : memref<80xf32, #tpu.memory_space<hbm>>) dst(%arg8 : memref<80xf32, #tpu.memory_space<vmem>>)
      tpu.yield
    }) : () -> ()
    %barrier3A = arith.constant 0 : index
    tpu.barrier barrier_id(%barrier3A)
    %mul3A_1 = arith.constant 320000 : i32
    %mul3A_2 = arith.muli %arg0, %mul3A_1 : i32
    %mul3A_3 = arith.constant 20000 : i32
    %mul3A_4 = arith.muli %arg1, %mul3A_3 : i32
    %add3A = arith.addi %mul3A_2, %mul3A_4 : i32
    "tpu.region"() ({
      %run_scoped3A = tpu.sem_alloc : memref<!tpu.dma_semaphore, #tpu.memory_space<semaphore_mem>>
      %dma_start3A = tpu.memref_slice %arg2[%add3A] : memref<640000xi32, #tpu.memory_space<hbm>> -> memref<80xi32, #tpu.memory_space<hbm>>
      %dma_start3A_18 = tpu.memref_slice %arg2[%add3A] : memref<640000xi32, #tpu.memory_space<hbm>> -> memref<80xi32, #tpu.memory_space<hbm>>
      tpu.enqueue_dma source(%dma_start3A_18 : memref<80xi32, #tpu.memory_space<hbm>>) target(%arg6 : memref<80xi32, #tpu.memory_space<vmem>>) target_semaphore(%run_scoped3A : memref<!tpu.dma_semaphore, #tpu.memory_space<semaphore_mem>>)
      %dma_wait3A = tpu.memref_slice %arg2[%add3A] : memref<640000xi32, #tpu.memory_space<hbm>> -> memref<80xi32, #tpu.memory_space<hbm>>
      %dma_wait3A_19 = tpu.memref_slice %arg2[%add3A] : memref<640000xi32, #tpu.memory_space<hbm>> -> memref<80xi32, #tpu.memory_space<hbm>>
      tpu.wait_dma2 semaphore(%run_scoped3A : memref<!tpu.dma_semaphore, #tpu.memory_space<semaphore_mem>>) src(%dma_wait3A_19 : memref<80xi32, #tpu.memory_space<hbm>>) dst(%arg6 : memref<80xi32, #tpu.memory_space<vmem>>)
      tpu.yield
    }) : () -> ()
    %scan3A = arith.constant 0 : i32
    %scan3A_5 = arith.constant 0 : i32
    %scan3A_6 = arith.constant 125 : i32
    %scan3A_7 = arith.addi %scan3A_5, %scan3A_6 : i32
    %scan3A_8 = arith.constant 1 : i32
    scf.for %scan3A_18 = %scan3A_5 to %scan3A_7 step %scan3A_8  : i32 {
      %mul3A_19 = arith.constant 2 : i32
      %mul3A_20 = arith.muli %mul3A_19, %scan3A_18 : i32
      %add3A_21 = arith.constant 1 : i32
      %add3A_22 = arith.addi %mul3A_20, %add3A_21 : i32
      %mul3A_23 = arith.constant 80 : i32
      %mul3A_24 = arith.muli %add3A_22, %mul3A_23 : i32
      %add3A_25 = arith.addi %add3A, %mul3A_24 : i32
      "tpu.region"() ({
        %run_scoped3A = tpu.sem_alloc : memref<!tpu.dma_semaphore, #tpu.memory_space<semaphore_mem>>
        %dma_start3A_36 = tpu.memref_slice %arg2[%add3A_25] : memref<640000xi32, #tpu.memory_space<hbm>> -> memref<80xi32, #tpu.memory_space<hbm>>
        %dma_start3A_37 = tpu.memref_slice %arg2[%add3A_25] : memref<640000xi32, #tpu.memory_space<hbm>> -> memref<80xi32, #tpu.memory_space<hbm>>
        tpu.enqueue_dma source(%dma_start3A_37 : memref<80xi32, #tpu.memory_space<hbm>>) target(%arg7 : memref<80xi32, #tpu.memory_space<vmem>>) target_semaphore(%run_scoped3A : memref<!tpu.dma_semaphore, #tpu.memory_space<semaphore_mem>>)
        %dma_wait3A_38 = tpu.memref_slice %arg2[%add3A_25] : memref<640000xi32, #tpu.memory_space<hbm>> -> memref<80xi32, #tpu.memory_space<hbm>>
        %dma_wait3A_39 = tpu.memref_slice %arg2[%add3A_25] : memref<640000xi32, #tpu.memory_space<hbm>> -> memref<80xi32, #tpu.memory_space<hbm>>
        tpu.wait_dma2 semaphore(%run_scoped3A : memref<!tpu.dma_semaphore, #tpu.memory_space<semaphore_mem>>) src(%dma_wait3A_39 : memref<80xi32, #tpu.memory_space<hbm>>) dst(%arg7 : memref<80xi32, #tpu.memory_space<vmem>>)
        tpu.yield
      }) : () -> ()
      %dma_start3A = arith.constant 0 : i32
      %dma_start3A_26 = tpu.memref_slice %arg9[%dma_start3A] : memref<10240xf32, #tpu.memory_space<vmem_shared>> -> memref<10240xf32, #tpu.memory_space<vmem_shared>>
      tpu.enqueue_indirect_dma source(%arg8 : memref<80xf32, #tpu.memory_space<vmem>>) target(%dma_start3A_26 : memref<10240xf32, #tpu.memory_space<vmem_shared>>) offsets(%arg6 : memref<80xi32, #tpu.memory_space<vmem>>) semaphore(%arg10 : memref<!tpu.dma_semaphore, #tpu.memory_space<semaphore_mem>>) {add = true}
      %dma_start3A_27 = arith.constant 0 : i32
      %dma_start3A_28 = tpu.memref_slice %arg9[%dma_start3A_27] : memref<10240xf32, #tpu.memory_space<vmem_shared>> -> memref<10240xf32, #tpu.memory_space<vmem_shared>>
      tpu.enqueue_indirect_dma source(%arg8 : memref<80xf32, #tpu.memory_space<vmem>>) target(%dma_start3A_28 : memref<10240xf32, #tpu.memory_space<vmem_shared>>) offsets(%arg7 : memref<80xi32, #tpu.memory_space<vmem>>) semaphore(%arg11 : memref<!tpu.dma_semaphore, #tpu.memory_space<semaphore_mem>>) {add = true}
      %dma_wait3A = arith.constant 0 : i32
      %dma_wait3A_29 = tpu.memref_slice %arg9[%dma_wait3A] : memref<10240xf32, #tpu.memory_space<vmem_shared>> -> memref<10240xf32, #tpu.memory_space<vmem_shared>>
      tpu.wait_indirect_dma semaphore(%arg10 : memref<!tpu.dma_semaphore, #tpu.memory_space<semaphore_mem>>) src(%arg8 : memref<80xf32, #tpu.memory_space<vmem>>) dst(%dma_wait3A_29 : memref<10240xf32, #tpu.memory_space<vmem_shared>>)
      %add3A_30 = arith.constant 1 : i32
      %add3A_31 = arith.addi %add3A_22, %add3A_30 : i32
      %lt3A = arith.constant 250 : i32
      %lt3A_32 = arith.cmpi slt, %add3A_31, %lt3A : i32
      %convert_element_type3A = arith.extui %lt3A_32 : i1 to i32
      %cond3A = arith.constant 0 : i32
      %cond3A_33 = arith.cmpi ne, %convert_element_type3A, %cond3A : i32
      scf.if %cond3A_33 {
        %add3A_36 = arith.constant 1 : i32
        %add3A_37 = arith.addi %add3A_22, %add3A_36 : i32
        %mul3A_38 = arith.constant 80 : i32
        %mul3A_39 = arith.muli %add3A_37, %mul3A_38 : i32
        %add3A_40 = arith.addi %add3A, %mul3A_39 : i32
        "tpu.region"() ({
          %run_scoped3A = tpu.sem_alloc : memref<!tpu.dma_semaphore, #tpu.memory_space<semaphore_mem>>
          %dma_start3A_41 = tpu.memref_slice %arg2[%add3A_40] : memref<640000xi32, #tpu.memory_space<hbm>> -> memref<80xi32, #tpu.memory_space<hbm>>
          %dma_start3A_42 = tpu.memref_slice %arg2[%add3A_40] : memref<640000xi32, #tpu.memory_space<hbm>> -> memref<80xi32, #tpu.memory_space<hbm>>
          tpu.enqueue_dma source(%dma_start3A_42 : memref<80xi32, #tpu.memory_space<hbm>>) target(%arg6 : memref<80xi32, #tpu.memory_space<vmem>>) target_semaphore(%run_scoped3A : memref<!tpu.dma_semaphore, #tpu.memory_space<semaphore_mem>>)
          %dma_wait3A_43 = tpu.memref_slice %arg2[%add3A_40] : memref<640000xi32, #tpu.memory_space<hbm>> -> memref<80xi32, #tpu.memory_space<hbm>>
          %dma_wait3A_44 = tpu.memref_slice %arg2[%add3A_40] : memref<640000xi32, #tpu.memory_space<hbm>> -> memref<80xi32, #tpu.memory_space<hbm>>
          tpu.wait_dma2 semaphore(%run_scoped3A : memref<!tpu.dma_semaphore, #tpu.memory_space<semaphore_mem>>) src(%dma_wait3A_44 : memref<80xi32, #tpu.memory_space<hbm>>) dst(%arg6 : memref<80xi32, #tpu.memory_space<vmem>>)
          tpu.yield
        }) : () -> ()
      } else {
      }
      %dma_wait3A_34 = arith.constant 0 : i32
      %dma_wait3A_35 = tpu.memref_slice %arg9[%dma_wait3A_34] : memref<10240xf32, #tpu.memory_space<vmem_shared>> -> memref<10240xf32, #tpu.memory_space<vmem_shared>>
      tpu.wait_indirect_dma semaphore(%arg11 : memref<!tpu.dma_semaphore, #tpu.memory_space<semaphore_mem>>) src(%arg8 : memref<80xf32, #tpu.memory_space<vmem>>) dst(%dma_wait3A_35 : memref<10240xf32, #tpu.memory_space<vmem_shared>>)
    }
    %scan3A_9 = arith.constant 125 : i32
    %barrier3A_10 = arith.constant 0 : index
    tpu.barrier barrier_id(%barrier3A_10)
    %mul3A_11 = arith.constant 640 : i32
    %mul3A_12 = arith.muli %arg1, %mul3A_11 : i32
    %mul3A_13 = arith.constant 10240 : i32
    %mul3A_14 = arith.muli %arg0, %mul3A_13 : i32
    %mul3A_15 = arith.constant 640 : i32
    %mul3A_16 = arith.muli %arg1, %mul3A_15 : i32
    %add3A_17 = arith.addi %mul3A_14, %mul3A_16 : i32
    "tpu.region"() ({
      %run_scoped3A = tpu.sem_alloc : memref<!tpu.dma_semaphore, #tpu.memory_space<semaphore_mem>>
      %dma_start3A = tpu.memref_slice %arg5[%add3A_17] : memref<20480xf32, #tpu.memory_space<hbm>> -> memref<640xf32, #tpu.memory_space<hbm>>
      %dma_start3A_18 = tpu.memref_slice %arg9[%mul3A_12] : memref<10240xf32, #tpu.memory_space<vmem_shared>> -> memref<640xf32, #tpu.memory_space<vmem_shared>>
      tpu.enqueue_dma source(%dma_start3A_18 : memref<640xf32, #tpu.memory_space<vmem_shared>>) target(%dma_start3A : memref<640xf32, #tpu.memory_space<hbm>>) target_semaphore(%run_scoped3A : memref<!tpu.dma_semaphore, #tpu.memory_space<semaphore_mem>>)
      %dma_wait3A = tpu.memref_slice %arg5[%add3A_17] : memref<20480xf32, #tpu.memory_space<hbm>> -> memref<640xf32, #tpu.memory_space<hbm>>
      %dma_wait3A_19 = tpu.memref_slice %arg9[%mul3A_12] : memref<10240xf32, #tpu.memory_space<vmem_shared>> -> memref<640xf32, #tpu.memory_space<vmem_shared>>
      tpu.wait_dma2 semaphore(%run_scoped3A : memref<!tpu.dma_semaphore, #tpu.memory_space<semaphore_mem>>) src(%dma_wait3A_19 : memref<640xf32, #tpu.memory_space<vmem_shared>>) dst(%dma_wait3A : memref<640xf32, #tpu.memory_space<hbm>>)
      tpu.yield
    }) : () -> ()
    return
  }
}

#map = affine_map<(d0, d1) -> (0)>
#map1 = affine_map<(d0, d1) -> (0, 0)>
module attributes {stable_mosaic.version = 14 : i64} {
  func.func @k(%arg0: i32, %arg1: i32, %arg2: memref<640000xi32, #tpu.memory_space<hbm>>, %arg3: memref<640000xi32, #tpu.memory_space<hbm>>, %arg4: memref<20480x128xf32, #tpu.memory_space<hbm>>, %arg5: memref<640x128xf32, #tpu.memory_space<hbm>>, %arg6: memref<20480x128xf32, #tpu.memory_space<hbm>>, %arg7: memref<80xi32, #tpu.memory_space<vmem>>, %arg8: memref<80xi32, #tpu.memory_space<vmem>>, %arg9: memref<80xi32, #tpu.memory_space<vmem>>, %arg10: memref<80xi32, #tpu.memory_space<vmem>>, %arg11: memref<80x128xf32, #tpu.memory_space<vmem>>, %arg12: memref<80x128xf32, #tpu.memory_space<vmem>>, %arg13: memref<10240x128xf32, #tpu.memory_space<vmem_shared>>, %arg14: memref<!tpu.dma_semaphore, #tpu.memory_space<semaphore_mem>>, %arg15: memref<!tpu.dma_semaphore, #tpu.memory_space<semaphore_mem>>) attributes {dimension_semantics = [#tpu.dimension_semantics<core_parallel>, #tpu.dimension_semantics<subcore_parallel>], iteration_bounds = array<i64: 2, 16>, scalar_prefetch = 0 : i64, scratch_operands = 9 : i64, tpu.core_type = #tpu.core_type<sc_vector_subcore>, window_params = [{transform_indices = #map}, {transform_indices = #map}, {transform_indices = #map1}, {transform_indices = #map1}, {transform_indices = #map1}]} {
    %mul3A = arith.constant 10240 : i32
    %mul3A_0 = arith.muli %arg0, %mul3A : i32
    %mul3A_1 = arith.constant 640 : i32
    %mul3A_2 = arith.muli %arg1, %mul3A_1 : i32
    %add3A = arith.addi %mul3A_0, %mul3A_2 : i32
    %mul3A_3 = arith.constant 640 : i32
    %mul3A_4 = arith.muli %arg1, %mul3A_3 : i32
    "tpu.region"() ({
      %run_scoped3A = tpu.sem_alloc : memref<!tpu.dma_semaphore, #tpu.memory_space<semaphore_mem>>
      %dma_start3A_20 = arith.constant 0 : i32
      %dma_start3A_21 = tpu.memref_slice %arg13[%mul3A_4, %dma_start3A_20] : memref<10240x128xf32, #tpu.memory_space<vmem_shared>> -> memref<640x128xf32, #tpu.memory_space<vmem_shared>>
      tpu.enqueue_dma source(%arg5 : memref<640x128xf32, #tpu.memory_space<hbm>>) target(%dma_start3A_21 : memref<640x128xf32, #tpu.memory_space<vmem_shared>>) target_semaphore(%run_scoped3A : memref<!tpu.dma_semaphore, #tpu.memory_space<semaphore_mem>>)
      %dma_wait3A = arith.constant 0 : i32
      %dma_wait3A_22 = tpu.memref_slice %arg13[%mul3A_4, %dma_wait3A] : memref<10240x128xf32, #tpu.memory_space<vmem_shared>> -> memref<640x128xf32, #tpu.memory_space<vmem_shared>>
      tpu.wait_dma2 semaphore(%run_scoped3A : memref<!tpu.dma_semaphore, #tpu.memory_space<semaphore_mem>>) src(%arg5 : memref<640x128xf32, #tpu.memory_space<hbm>>) dst(%dma_wait3A_22 : memref<640x128xf32, #tpu.memory_space<vmem_shared>>)
      tpu.yield
    }) : () -> ()
    %barrier3A = arith.constant 0 : index
    tpu.barrier barrier_id(%barrier3A)
    %mul3A_5 = arith.constant 320000 : i32
    %mul3A_6 = arith.muli %arg0, %mul3A_5 : i32
    %mul3A_7 = arith.constant 20000 : i32
    %mul3A_8 = arith.muli %arg1, %mul3A_7 : i32
    %add3A_9 = arith.addi %mul3A_6, %mul3A_8 : i32
    "tpu.region"() ({
      %run_scoped3A = tpu.sem_alloc : memref<!tpu.dma_semaphore, #tpu.memory_space<semaphore_mem>>
      %dma_start3A_20 = tpu.memref_slice %arg2[%add3A_9] : memref<640000xi32, #tpu.memory_space<hbm>> -> memref<80xi32, #tpu.memory_space<hbm>>
      %dma_start3A_21 = tpu.memref_slice %arg2[%add3A_9] : memref<640000xi32, #tpu.memory_space<hbm>> -> memref<80xi32, #tpu.memory_space<hbm>>
      tpu.enqueue_dma source(%dma_start3A_21 : memref<80xi32, #tpu.memory_space<hbm>>) target(%arg7 : memref<80xi32, #tpu.memory_space<vmem>>) target_semaphore(%run_scoped3A : memref<!tpu.dma_semaphore, #tpu.memory_space<semaphore_mem>>)
      %dma_wait3A = tpu.memref_slice %arg2[%add3A_9] : memref<640000xi32, #tpu.memory_space<hbm>> -> memref<80xi32, #tpu.memory_space<hbm>>
      %dma_wait3A_22 = tpu.memref_slice %arg2[%add3A_9] : memref<640000xi32, #tpu.memory_space<hbm>> -> memref<80xi32, #tpu.memory_space<hbm>>
      tpu.wait_dma2 semaphore(%run_scoped3A : memref<!tpu.dma_semaphore, #tpu.memory_space<semaphore_mem>>) src(%dma_wait3A_22 : memref<80xi32, #tpu.memory_space<hbm>>) dst(%arg7 : memref<80xi32, #tpu.memory_space<vmem>>)
      tpu.yield
    }) : () -> ()
    "tpu.region"() ({
      %run_scoped3A = tpu.sem_alloc : memref<!tpu.dma_semaphore, #tpu.memory_space<semaphore_mem>>
      %dma_start3A_20 = tpu.memref_slice %arg3[%add3A_9] : memref<640000xi32, #tpu.memory_space<hbm>> -> memref<80xi32, #tpu.memory_space<hbm>>
      %dma_start3A_21 = tpu.memref_slice %arg3[%add3A_9] : memref<640000xi32, #tpu.memory_space<hbm>> -> memref<80xi32, #tpu.memory_space<hbm>>
      tpu.enqueue_dma source(%dma_start3A_21 : memref<80xi32, #tpu.memory_space<hbm>>) target(%arg8 : memref<80xi32, #tpu.memory_space<vmem>>) target_semaphore(%run_scoped3A : memref<!tpu.dma_semaphore, #tpu.memory_space<semaphore_mem>>)
      %dma_wait3A = tpu.memref_slice %arg3[%add3A_9] : memref<640000xi32, #tpu.memory_space<hbm>> -> memref<80xi32, #tpu.memory_space<hbm>>
      %dma_wait3A_22 = tpu.memref_slice %arg3[%add3A_9] : memref<640000xi32, #tpu.memory_space<hbm>> -> memref<80xi32, #tpu.memory_space<hbm>>
      tpu.wait_dma2 semaphore(%run_scoped3A : memref<!tpu.dma_semaphore, #tpu.memory_space<semaphore_mem>>) src(%dma_wait3A_22 : memref<80xi32, #tpu.memory_space<hbm>>) dst(%arg8 : memref<80xi32, #tpu.memory_space<vmem>>)
      tpu.yield
    }) : () -> ()
    %dma_start3A = arith.constant 0 : i32
    %dma_start3A_10 = arith.constant 0 : i32
    %dma_start3A_11 = tpu.memref_slice %arg4[%dma_start3A, %dma_start3A_10] : memref<20480x128xf32, #tpu.memory_space<hbm>> -> memref<20480x128xf32, #tpu.memory_space<hbm>>
    tpu.enqueue_indirect_dma source(%dma_start3A_11 : memref<20480x128xf32, #tpu.memory_space<hbm>>) target(%arg11 : memref<80x128xf32, #tpu.memory_space<vmem>>) offsets(%arg7 : memref<80xi32, #tpu.memory_space<vmem>>) semaphore(%arg14 : memref<!tpu.dma_semaphore, #tpu.memory_space<semaphore_mem>>)
    %scan3A = arith.constant 0 : i32
    %scan3A_12 = arith.constant 0 : i32
    %scan3A_13 = arith.constant 125 : i32
    %scan3A_14 = arith.addi %scan3A_12, %scan3A_13 : i32
    %scan3A_15 = arith.constant 1 : i32
    scf.for %scan3A_20 = %scan3A_12 to %scan3A_14 step %scan3A_15  : i32 {
      %mul3A_21 = arith.constant 2 : i32
      %mul3A_22 = arith.muli %mul3A_21, %scan3A_20 : i32
      %add3A_23 = arith.constant 1 : i32
      %add3A_24 = arith.addi %mul3A_22, %add3A_23 : i32
      %mul3A_25 = arith.constant 80 : i32
      %mul3A_26 = arith.muli %add3A_24, %mul3A_25 : i32
      %add3A_27 = arith.addi %add3A_9, %mul3A_26 : i32
      "tpu.region"() ({
        %run_scoped3A = tpu.sem_alloc : memref<!tpu.dma_semaphore, #tpu.memory_space<semaphore_mem>>
        %dma_start3A_43 = tpu.memref_slice %arg2[%add3A_27] : memref<640000xi32, #tpu.memory_space<hbm>> -> memref<80xi32, #tpu.memory_space<hbm>>
        %dma_start3A_44 = tpu.memref_slice %arg2[%add3A_27] : memref<640000xi32, #tpu.memory_space<hbm>> -> memref<80xi32, #tpu.memory_space<hbm>>
        tpu.enqueue_dma source(%dma_start3A_44 : memref<80xi32, #tpu.memory_space<hbm>>) target(%arg9 : memref<80xi32, #tpu.memory_space<vmem>>) target_semaphore(%run_scoped3A : memref<!tpu.dma_semaphore, #tpu.memory_space<semaphore_mem>>)
        %dma_wait3A_45 = tpu.memref_slice %arg2[%add3A_27] : memref<640000xi32, #tpu.memory_space<hbm>> -> memref<80xi32, #tpu.memory_space<hbm>>
        %dma_wait3A_46 = tpu.memref_slice %arg2[%add3A_27] : memref<640000xi32, #tpu.memory_space<hbm>> -> memref<80xi32, #tpu.memory_space<hbm>>
        tpu.wait_dma2 semaphore(%run_scoped3A : memref<!tpu.dma_semaphore, #tpu.memory_space<semaphore_mem>>) src(%dma_wait3A_46 : memref<80xi32, #tpu.memory_space<hbm>>) dst(%arg9 : memref<80xi32, #tpu.memory_space<vmem>>)
        tpu.yield
      }) : () -> ()
      %mul3A_28 = arith.constant 80 : i32
      %mul3A_29 = arith.muli %add3A_24, %mul3A_28 : i32
      %add3A_30 = arith.addi %add3A_9, %mul3A_29 : i32
      "tpu.region"() ({
        %run_scoped3A = tpu.sem_alloc : memref<!tpu.dma_semaphore, #tpu.memory_space<semaphore_mem>>
        %dma_start3A_43 = tpu.memref_slice %arg3[%add3A_30] : memref<640000xi32, #tpu.memory_space<hbm>> -> memref<80xi32, #tpu.memory_space<hbm>>
        %dma_start3A_44 = tpu.memref_slice %arg3[%add3A_30] : memref<640000xi32, #tpu.memory_space<hbm>> -> memref<80xi32, #tpu.memory_space<hbm>>
        tpu.enqueue_dma source(%dma_start3A_44 : memref<80xi32, #tpu.memory_space<hbm>>) target(%arg10 : memref<80xi32, #tpu.memory_space<vmem>>) target_semaphore(%run_scoped3A : memref<!tpu.dma_semaphore, #tpu.memory_space<semaphore_mem>>)
        %dma_wait3A_45 = tpu.memref_slice %arg3[%add3A_30] : memref<640000xi32, #tpu.memory_space<hbm>> -> memref<80xi32, #tpu.memory_space<hbm>>
        %dma_wait3A_46 = tpu.memref_slice %arg3[%add3A_30] : memref<640000xi32, #tpu.memory_space<hbm>> -> memref<80xi32, #tpu.memory_space<hbm>>
        tpu.wait_dma2 semaphore(%run_scoped3A : memref<!tpu.dma_semaphore, #tpu.memory_space<semaphore_mem>>) src(%dma_wait3A_46 : memref<80xi32, #tpu.memory_space<hbm>>) dst(%arg10 : memref<80xi32, #tpu.memory_space<vmem>>)
        tpu.yield
      }) : () -> ()
      %dma_start3A_31 = arith.constant 0 : i32
      %dma_start3A_32 = arith.constant 0 : i32
      %dma_start3A_33 = tpu.memref_slice %arg4[%dma_start3A_31, %dma_start3A_32] : memref<20480x128xf32, #tpu.memory_space<hbm>> -> memref<20480x128xf32, #tpu.memory_space<hbm>>
      tpu.enqueue_indirect_dma source(%dma_start3A_33 : memref<20480x128xf32, #tpu.memory_space<hbm>>) target(%arg12 : memref<80x128xf32, #tpu.memory_space<vmem>>) offsets(%arg9 : memref<80xi32, #tpu.memory_space<vmem>>) semaphore(%arg15 : memref<!tpu.dma_semaphore, #tpu.memory_space<semaphore_mem>>)
      %dma_wait3A = arith.constant 0 : i32
      %dma_wait3A_34 = arith.constant 0 : i32
      %dma_wait3A_35 = tpu.memref_slice %arg4[%dma_wait3A, %dma_wait3A_34] : memref<20480x128xf32, #tpu.memory_space<hbm>> -> memref<20480x128xf32, #tpu.memory_space<hbm>>
      tpu.wait_indirect_dma semaphore(%arg14 : memref<!tpu.dma_semaphore, #tpu.memory_space<semaphore_mem>>) src(%dma_wait3A_35 : memref<20480x128xf32, #tpu.memory_space<hbm>>) dst(%arg11 : memref<80x128xf32, #tpu.memory_space<vmem>>)
      "tpu.region"() ({
        %run_scoped3A = tpu.sem_alloc : memref<!tpu.dma_semaphore, #tpu.memory_space<semaphore_mem>>
        %dma_start3A_43 = arith.constant 0 : i32
        %dma_start3A_44 = arith.constant 0 : i32
        %dma_start3A_45 = tpu.memref_slice %arg13[%dma_start3A_43, %dma_start3A_44] : memref<10240x128xf32, #tpu.memory_space<vmem_shared>> -> memref<10240x128xf32, #tpu.memory_space<vmem_shared>>
        tpu.enqueue_indirect_dma source(%arg11 : memref<80x128xf32, #tpu.memory_space<vmem>>) target(%dma_start3A_45 : memref<10240x128xf32, #tpu.memory_space<vmem_shared>>) offsets(%arg8 : memref<80xi32, #tpu.memory_space<vmem>>) semaphore(%run_scoped3A : memref<!tpu.dma_semaphore, #tpu.memory_space<semaphore_mem>>) {add = true}
        %dma_wait3A_46 = arith.constant 0 : i32
        %dma_wait3A_47 = arith.constant 0 : i32
        %dma_wait3A_48 = tpu.memref_slice %arg13[%dma_wait3A_46, %dma_wait3A_47] : memref<10240x128xf32, #tpu.memory_space<vmem_shared>> -> memref<10240x128xf32, #tpu.memory_space<vmem_shared>>
        tpu.wait_indirect_dma semaphore(%run_scoped3A : memref<!tpu.dma_semaphore, #tpu.memory_space<semaphore_mem>>) src(%arg11 : memref<80x128xf32, #tpu.memory_space<vmem>>) dst(%dma_wait3A_48 : memref<10240x128xf32, #tpu.memory_space<vmem_shared>>)
        tpu.yield
      }) : () -> ()
      %add3A_36 = arith.constant 1 : i32
      %add3A_37 = arith.addi %add3A_24, %add3A_36 : i32
      %lt3A = arith.constant 250 : i32
      %lt3A_38 = arith.cmpi slt, %add3A_37, %lt3A : i32
      %convert_element_type3A = arith.extui %lt3A_38 : i1 to i32
      %cond3A = arith.constant 0 : i32
      %cond3A_39 = arith.cmpi ne, %convert_element_type3A, %cond3A : i32
      scf.if %cond3A_39 {
        %add3A_43 = arith.constant 1 : i32
        %add3A_44 = arith.addi %add3A_24, %add3A_43 : i32
        %mul3A_45 = arith.constant 80 : i32
        %mul3A_46 = arith.muli %add3A_44, %mul3A_45 : i32
        %add3A_47 = arith.addi %add3A_9, %mul3A_46 : i32
        "tpu.region"() ({
          %run_scoped3A = tpu.sem_alloc : memref<!tpu.dma_semaphore, #tpu.memory_space<semaphore_mem>>
          %dma_start3A_56 = tpu.memref_slice %arg2[%add3A_47] : memref<640000xi32, #tpu.memory_space<hbm>> -> memref<80xi32, #tpu.memory_space<hbm>>
          %dma_start3A_57 = tpu.memref_slice %arg2[%add3A_47] : memref<640000xi32, #tpu.memory_space<hbm>> -> memref<80xi32, #tpu.memory_space<hbm>>
          tpu.enqueue_dma source(%dma_start3A_57 : memref<80xi32, #tpu.memory_space<hbm>>) target(%arg7 : memref<80xi32, #tpu.memory_space<vmem>>) target_semaphore(%run_scoped3A : memref<!tpu.dma_semaphore, #tpu.memory_space<semaphore_mem>>)
          %dma_wait3A_58 = tpu.memref_slice %arg2[%add3A_47] : memref<640000xi32, #tpu.memory_space<hbm>> -> memref<80xi32, #tpu.memory_space<hbm>>
          %dma_wait3A_59 = tpu.memref_slice %arg2[%add3A_47] : memref<640000xi32, #tpu.memory_space<hbm>> -> memref<80xi32, #tpu.memory_space<hbm>>
          tpu.wait_dma2 semaphore(%run_scoped3A : memref<!tpu.dma_semaphore, #tpu.memory_space<semaphore_mem>>) src(%dma_wait3A_59 : memref<80xi32, #tpu.memory_space<hbm>>) dst(%arg7 : memref<80xi32, #tpu.memory_space<vmem>>)
          tpu.yield
        }) : () -> ()
        %add3A_48 = arith.constant 1 : i32
        %add3A_49 = arith.addi %add3A_24, %add3A_48 : i32
        %mul3A_50 = arith.constant 80 : i32
        %mul3A_51 = arith.muli %add3A_49, %mul3A_50 : i32
        %add3A_52 = arith.addi %add3A_9, %mul3A_51 : i32
        "tpu.region"() ({
          %run_scoped3A = tpu.sem_alloc : memref<!tpu.dma_semaphore, #tpu.memory_space<semaphore_mem>>
          %dma_start3A_56 = tpu.memref_slice %arg3[%add3A_52] : memref<640000xi32, #tpu.memory_space<hbm>> -> memref<80xi32, #tpu.memory_space<hbm>>
          %dma_start3A_57 = tpu.memref_slice %arg3[%add3A_52] : memref<640000xi32, #tpu.memory_space<hbm>> -> memref<80xi32, #tpu.memory_space<hbm>>
          tpu.enqueue_dma source(%dma_start3A_57 : memref<80xi32, #tpu.memory_space<hbm>>) target(%arg8 : memref<80xi32, #tpu.memory_space<vmem>>) target_semaphore(%run_scoped3A : memref<!tpu.dma_semaphore, #tpu.memory_space<semaphore_mem>>)
          %dma_wait3A_58 = tpu.memref_slice %arg3[%add3A_52] : memref<640000xi32, #tpu.memory_space<hbm>> -> memref<80xi32, #tpu.memory_space<hbm>>
          %dma_wait3A_59 = tpu.memref_slice %arg3[%add3A_52] : memref<640000xi32, #tpu.memory_space<hbm>> -> memref<80xi32, #tpu.memory_space<hbm>>
          tpu.wait_dma2 semaphore(%run_scoped3A : memref<!tpu.dma_semaphore, #tpu.memory_space<semaphore_mem>>) src(%dma_wait3A_59 : memref<80xi32, #tpu.memory_space<hbm>>) dst(%arg8 : memref<80xi32, #tpu.memory_space<vmem>>)
          tpu.yield
        }) : () -> ()
        %dma_start3A_53 = arith.constant 0 : i32
        %dma_start3A_54 = arith.constant 0 : i32
        %dma_start3A_55 = tpu.memref_slice %arg4[%dma_start3A_53, %dma_start3A_54] : memref<20480x128xf32, #tpu.memory_space<hbm>> -> memref<20480x128xf32, #tpu.memory_space<hbm>>
        tpu.enqueue_indirect_dma source(%dma_start3A_55 : memref<20480x128xf32, #tpu.memory_space<hbm>>) target(%arg11 : memref<80x128xf32, #tpu.memory_space<vmem>>) offsets(%arg7 : memref<80xi32, #tpu.memory_space<vmem>>) semaphore(%arg14 : memref<!tpu.dma_semaphore, #tpu.memory_space<semaphore_mem>>)
      } else {
      }
      %dma_wait3A_40 = arith.constant 0 : i32
      %dma_wait3A_41 = arith.constant 0 : i32
      %dma_wait3A_42 = tpu.memref_slice %arg4[%dma_wait3A_40, %dma_wait3A_41] : memref<20480x128xf32, #tpu.memory_space<hbm>> -> memref<20480x128xf32, #tpu.memory_space<hbm>>
      tpu.wait_indirect_dma semaphore(%arg15 : memref<!tpu.dma_semaphore, #tpu.memory_space<semaphore_mem>>) src(%dma_wait3A_42 : memref<20480x128xf32, #tpu.memory_space<hbm>>) dst(%arg12 : memref<80x128xf32, #tpu.memory_space<vmem>>)
      "tpu.region"() ({
        %run_scoped3A = tpu.sem_alloc : memref<!tpu.dma_semaphore, #tpu.memory_space<semaphore_mem>>
        %dma_start3A_43 = arith.constant 0 : i32
        %dma_start3A_44 = arith.constant 0 : i32
        %dma_start3A_45 = tpu.memref_slice %arg13[%dma_start3A_43, %dma_start3A_44] : memref<10240x128xf32, #tpu.memory_space<vmem_shared>> -> memref<10240x128xf32, #tpu.memory_space<vmem_shared>>
        tpu.enqueue_indirect_dma source(%arg12 : memref<80x128xf32, #tpu.memory_space<vmem>>) target(%dma_start3A_45 : memref<10240x128xf32, #tpu.memory_space<vmem_shared>>) offsets(%arg10 : memref<80xi32, #tpu.memory_space<vmem>>) semaphore(%run_scoped3A : memref<!tpu.dma_semaphore, #tpu.memory_space<semaphore_mem>>) {add = true}
        %dma_wait3A_46 = arith.constant 0 : i32
        %dma_wait3A_47 = arith.constant 0 : i32
        %dma_wait3A_48 = tpu.memref_slice %arg13[%dma_wait3A_46, %dma_wait3A_47] : memref<10240x128xf32, #tpu.memory_space<vmem_shared>> -> memref<10240x128xf32, #tpu.memory_space<vmem_shared>>
        tpu.wait_indirect_dma semaphore(%run_scoped3A : memref<!tpu.dma_semaphore, #tpu.memory_space<semaphore_mem>>) src(%arg12 : memref<80x128xf32, #tpu.memory_space<vmem>>) dst(%dma_wait3A_48 : memref<10240x128xf32, #tpu.memory_space<vmem_shared>>)
        tpu.yield
      }) : () -> ()
    }
    %scan3A_16 = arith.constant 125 : i32
    %barrier3A_17 = arith.constant 0 : index
    tpu.barrier barrier_id(%barrier3A_17)
    %mul3A_18 = arith.constant 640 : i32
    %mul3A_19 = arith.muli %arg1, %mul3A_18 : i32
    "tpu.region"() ({
      %run_scoped3A = tpu.sem_alloc : memref<!tpu.dma_semaphore, #tpu.memory_space<semaphore_mem>>
      %dma_start3A_20 = arith.constant 0 : i32
      %dma_start3A_21 = tpu.memref_slice %arg6[%add3A, %dma_start3A_20] : memref<20480x128xf32, #tpu.memory_space<hbm>> -> memref<640x128xf32, #tpu.memory_space<hbm>>
      %dma_start3A_22 = arith.constant 0 : i32
      %dma_start3A_23 = tpu.memref_slice %arg13[%mul3A_19, %dma_start3A_22] : memref<10240x128xf32, #tpu.memory_space<vmem_shared>> -> memref<640x128xf32, #tpu.memory_space<vmem_shared>>
      tpu.enqueue_dma source(%dma_start3A_23 : memref<640x128xf32, #tpu.memory_space<vmem_shared>>) target(%dma_start3A_21 : memref<640x128xf32, #tpu.memory_space<hbm>>) target_semaphore(%run_scoped3A : memref<!tpu.dma_semaphore, #tpu.memory_space<semaphore_mem>>)
      %dma_wait3A = arith.constant 0 : i32
      %dma_wait3A_24 = tpu.memref_slice %arg6[%add3A, %dma_wait3A] : memref<20480x128xf32, #tpu.memory_space<hbm>> -> memref<640x128xf32, #tpu.memory_space<hbm>>
      %dma_wait3A_25 = arith.constant 0 : i32
      %dma_wait3A_26 = tpu.memref_slice %arg13[%mul3A_19, %dma_wait3A_25] : memref<10240x128xf32, #tpu.memory_space<vmem_shared>> -> memref<640x128xf32, #tpu.memory_space<vmem_shared>>
      tpu.wait_dma2 semaphore(%run_scoped3A : memref<!tpu.dma_semaphore, #tpu.memory_space<semaphore_mem>>) src(%dma_wait3A_26 : memref<640x128xf32, #tpu.memory_space<vmem_shared>>) dst(%dma_wait3A_24 : memref<640x128xf32, #tpu.memory_space<hbm>>)
      tpu.yield
    }) : () -> ()
    return
  }
}

#map = affine_map<(d0, d1) -> (0)>
#map1 = affine_map<(d0, d1) -> (0, 0)>
module attributes {stable_mosaic.version = 14 : i64} {
  func.func @k(%arg0: i32, %arg1: i32, %arg2: memref<640000xi32, #tpu.memory_space<hbm>>, %arg3: memref<640000xi32, #tpu.memory_space<hbm>>, %arg4: memref<20480x128xf32, #tpu.memory_space<hbm>>, %arg5: memref<640x128xf32, #tpu.memory_space<hbm>>, %arg6: memref<20480x128xf32, #tpu.memory_space<hbm>>, %arg7: memref<80xi32, #tpu.memory_space<vmem>>, %arg8: memref<80xi32, #tpu.memory_space<vmem>>, %arg9: memref<80xi32, #tpu.memory_space<vmem>>, %arg10: memref<80xi32, #tpu.memory_space<vmem>>, %arg11: memref<80x128xf32, #tpu.memory_space<vmem>>, %arg12: memref<80x128xf32, #tpu.memory_space<vmem>>, %arg13: memref<10240x128xf32, #tpu.memory_space<vmem_shared>>, %arg14: memref<!tpu.dma_semaphore, #tpu.memory_space<semaphore_mem>>, %arg15: memref<!tpu.dma_semaphore, #tpu.memory_space<semaphore_mem>>) attributes {dimension_semantics = [#tpu.dimension_semantics<core_parallel>, #tpu.dimension_semantics<subcore_parallel>], iteration_bounds = array<i64: 2, 16>, scalar_prefetch = 0 : i64, scratch_operands = 9 : i64, tpu.core_type = #tpu.core_type<sc_vector_subcore>, window_params = [{transform_indices = #map}, {transform_indices = #map}, {transform_indices = #map1}, {transform_indices = #map1}, {transform_indices = #map1}]} {
    %mul3A = arith.constant 10240 : i32
    %mul3A_0 = arith.muli %arg0, %mul3A : i32
    %mul3A_1 = arith.constant 640 : i32
    %mul3A_2 = arith.muli %arg1, %mul3A_1 : i32
    %add3A = arith.addi %mul3A_0, %mul3A_2 : i32
    %mul3A_3 = arith.constant 640 : i32
    %mul3A_4 = arith.muli %arg1, %mul3A_3 : i32
    "tpu.region"() ({
      %run_scoped3A = tpu.sem_alloc : memref<!tpu.dma_semaphore, #tpu.memory_space<semaphore_mem>>
      %dma_start3A_20 = arith.constant 0 : i32
      %dma_start3A_21 = tpu.memref_slice %arg13[%mul3A_4, %dma_start3A_20] : memref<10240x128xf32, #tpu.memory_space<vmem_shared>> -> memref<640x128xf32, #tpu.memory_space<vmem_shared>>
      tpu.enqueue_dma source(%arg5 : memref<640x128xf32, #tpu.memory_space<hbm>>) target(%dma_start3A_21 : memref<640x128xf32, #tpu.memory_space<vmem_shared>>) target_semaphore(%run_scoped3A : memref<!tpu.dma_semaphore, #tpu.memory_space<semaphore_mem>>)
      %dma_wait3A = arith.constant 0 : i32
      %dma_wait3A_22 = tpu.memref_slice %arg13[%mul3A_4, %dma_wait3A] : memref<10240x128xf32, #tpu.memory_space<vmem_shared>> -> memref<640x128xf32, #tpu.memory_space<vmem_shared>>
      tpu.wait_dma2 semaphore(%run_scoped3A : memref<!tpu.dma_semaphore, #tpu.memory_space<semaphore_mem>>) src(%arg5 : memref<640x128xf32, #tpu.memory_space<hbm>>) dst(%dma_wait3A_22 : memref<640x128xf32, #tpu.memory_space<vmem_shared>>)
      tpu.yield
    }) : () -> ()
    %barrier3A = arith.constant 0 : index
    tpu.barrier barrier_id(%barrier3A)
    %mul3A_5 = arith.constant 320000 : i32
    %mul3A_6 = arith.muli %arg0, %mul3A_5 : i32
    %mul3A_7 = arith.constant 20000 : i32
    %mul3A_8 = arith.muli %arg1, %mul3A_7 : i32
    %add3A_9 = arith.addi %mul3A_6, %mul3A_8 : i32
    "tpu.region"() ({
      %run_scoped3A = tpu.sem_alloc : memref<!tpu.dma_semaphore, #tpu.memory_space<semaphore_mem>>
      %dma_start3A_20 = tpu.memref_slice %arg2[%add3A_9] : memref<640000xi32, #tpu.memory_space<hbm>> -> memref<80xi32, #tpu.memory_space<hbm>>
      %dma_start3A_21 = tpu.memref_slice %arg2[%add3A_9] : memref<640000xi32, #tpu.memory_space<hbm>> -> memref<80xi32, #tpu.memory_space<hbm>>
      tpu.enqueue_dma source(%dma_start3A_21 : memref<80xi32, #tpu.memory_space<hbm>>) target(%arg7 : memref<80xi32, #tpu.memory_space<vmem>>) target_semaphore(%run_scoped3A : memref<!tpu.dma_semaphore, #tpu.memory_space<semaphore_mem>>)
      %dma_wait3A = tpu.memref_slice %arg2[%add3A_9] : memref<640000xi32, #tpu.memory_space<hbm>> -> memref<80xi32, #tpu.memory_space<hbm>>
      %dma_wait3A_22 = tpu.memref_slice %arg2[%add3A_9] : memref<640000xi32, #tpu.memory_space<hbm>> -> memref<80xi32, #tpu.memory_space<hbm>>
      tpu.wait_dma2 semaphore(%run_scoped3A : memref<!tpu.dma_semaphore, #tpu.memory_space<semaphore_mem>>) src(%dma_wait3A_22 : memref<80xi32, #tpu.memory_space<hbm>>) dst(%arg7 : memref<80xi32, #tpu.memory_space<vmem>>)
      tpu.yield
    }) : () -> ()
    "tpu.region"() ({
      %run_scoped3A = tpu.sem_alloc : memref<!tpu.dma_semaphore, #tpu.memory_space<semaphore_mem>>
      %dma_start3A_20 = tpu.memref_slice %arg3[%add3A_9] : memref<640000xi32, #tpu.memory_space<hbm>> -> memref<80xi32, #tpu.memory_space<hbm>>
      %dma_start3A_21 = tpu.memref_slice %arg3[%add3A_9] : memref<640000xi32, #tpu.memory_space<hbm>> -> memref<80xi32, #tpu.memory_space<hbm>>
      tpu.enqueue_dma source(%dma_start3A_21 : memref<80xi32, #tpu.memory_space<hbm>>) target(%arg8 : memref<80xi32, #tpu.memory_space<vmem>>) target_semaphore(%run_scoped3A : memref<!tpu.dma_semaphore, #tpu.memory_space<semaphore_mem>>)
      %dma_wait3A = tpu.memref_slice %arg3[%add3A_9] : memref<640000xi32, #tpu.memory_space<hbm>> -> memref<80xi32, #tpu.memory_space<hbm>>
      %dma_wait3A_22 = tpu.memref_slice %arg3[%add3A_9] : memref<640000xi32, #tpu.memory_space<hbm>> -> memref<80xi32, #tpu.memory_space<hbm>>
      tpu.wait_dma2 semaphore(%run_scoped3A : memref<!tpu.dma_semaphore, #tpu.memory_space<semaphore_mem>>) src(%dma_wait3A_22 : memref<80xi32, #tpu.memory_space<hbm>>) dst(%arg8 : memref<80xi32, #tpu.memory_space<vmem>>)
      tpu.yield
    }) : () -> ()
    %dma_start3A = arith.constant 0 : i32
    %dma_start3A_10 = arith.constant 0 : i32
    %dma_start3A_11 = tpu.memref_slice %arg4[%dma_start3A, %dma_start3A_10] : memref<20480x128xf32, #tpu.memory_space<hbm>> -> memref<20480x128xf32, #tpu.memory_space<hbm>>
    tpu.enqueue_indirect_dma source(%dma_start3A_11 : memref<20480x128xf32, #tpu.memory_space<hbm>>) target(%arg11 : memref<80x128xf32, #tpu.memory_space<vmem>>) offsets(%arg7 : memref<80xi32, #tpu.memory_space<vmem>>) semaphore(%arg14 : memref<!tpu.dma_semaphore, #tpu.memory_space<semaphore_mem>>)
    %scan3A = arith.constant 0 : i32
    %scan3A_12 = arith.constant 0 : i32
    %scan3A_13 = arith.constant 125 : i32
    %scan3A_14 = arith.addi %scan3A_12, %scan3A_13 : i32
    %scan3A_15 = arith.constant 1 : i32
    scf.for %scan3A_20 = %scan3A_12 to %scan3A_14 step %scan3A_15  : i32 {
      %mul3A_21 = arith.constant 2 : i32
      %mul3A_22 = arith.muli %mul3A_21, %scan3A_20 : i32
      %add3A_23 = arith.constant 1 : i32
      %add3A_24 = arith.addi %mul3A_22, %add3A_23 : i32
      %mul3A_25 = arith.constant 80 : i32
      %mul3A_26 = arith.muli %add3A_24, %mul3A_25 : i32
      %add3A_27 = arith.addi %add3A_9, %mul3A_26 : i32
      "tpu.region"() ({
        %run_scoped3A = tpu.sem_alloc : memref<!tpu.dma_semaphore, #tpu.memory_space<semaphore_mem>>
        %dma_start3A_43 = tpu.memref_slice %arg2[%add3A_27] : memref<640000xi32, #tpu.memory_space<hbm>> -> memref<80xi32, #tpu.memory_space<hbm>>
        %dma_start3A_44 = tpu.memref_slice %arg2[%add3A_27] : memref<640000xi32, #tpu.memory_space<hbm>> -> memref<80xi32, #tpu.memory_space<hbm>>
        tpu.enqueue_dma source(%dma_start3A_44 : memref<80xi32, #tpu.memory_space<hbm>>) target(%arg9 : memref<80xi32, #tpu.memory_space<vmem>>) target_semaphore(%run_scoped3A : memref<!tpu.dma_semaphore, #tpu.memory_space<semaphore_mem>>)
        %dma_wait3A_45 = tpu.memref_slice %arg2[%add3A_27] : memref<640000xi32, #tpu.memory_space<hbm>> -> memref<80xi32, #tpu.memory_space<hbm>>
        %dma_wait3A_46 = tpu.memref_slice %arg2[%add3A_27] : memref<640000xi32, #tpu.memory_space<hbm>> -> memref<80xi32, #tpu.memory_space<hbm>>
        tpu.wait_dma2 semaphore(%run_scoped3A : memref<!tpu.dma_semaphore, #tpu.memory_space<semaphore_mem>>) src(%dma_wait3A_46 : memref<80xi32, #tpu.memory_space<hbm>>) dst(%arg9 : memref<80xi32, #tpu.memory_space<vmem>>)
        tpu.yield
      }) : () -> ()
      %mul3A_28 = arith.constant 80 : i32
      %mul3A_29 = arith.muli %add3A_24, %mul3A_28 : i32
      %add3A_30 = arith.addi %add3A_9, %mul3A_29 : i32
      "tpu.region"() ({
        %run_scoped3A = tpu.sem_alloc : memref<!tpu.dma_semaphore, #tpu.memory_space<semaphore_mem>>
        %dma_start3A_43 = tpu.memref_slice %arg3[%add3A_30] : memref<640000xi32, #tpu.memory_space<hbm>> -> memref<80xi32, #tpu.memory_space<hbm>>
        %dma_start3A_44 = tpu.memref_slice %arg3[%add3A_30] : memref<640000xi32, #tpu.memory_space<hbm>> -> memref<80xi32, #tpu.memory_space<hbm>>
        tpu.enqueue_dma source(%dma_start3A_44 : memref<80xi32, #tpu.memory_space<hbm>>) target(%arg10 : memref<80xi32, #tpu.memory_space<vmem>>) target_semaphore(%run_scoped3A : memref<!tpu.dma_semaphore, #tpu.memory_space<semaphore_mem>>)
        %dma_wait3A_45 = tpu.memref_slice %arg3[%add3A_30] : memref<640000xi32, #tpu.memory_space<hbm>> -> memref<80xi32, #tpu.memory_space<hbm>>
        %dma_wait3A_46 = tpu.memref_slice %arg3[%add3A_30] : memref<640000xi32, #tpu.memory_space<hbm>> -> memref<80xi32, #tpu.memory_space<hbm>>
        tpu.wait_dma2 semaphore(%run_scoped3A : memref<!tpu.dma_semaphore, #tpu.memory_space<semaphore_mem>>) src(%dma_wait3A_46 : memref<80xi32, #tpu.memory_space<hbm>>) dst(%arg10 : memref<80xi32, #tpu.memory_space<vmem>>)
        tpu.yield
      }) : () -> ()
      %dma_start3A_31 = arith.constant 0 : i32
      %dma_start3A_32 = arith.constant 0 : i32
      %dma_start3A_33 = tpu.memref_slice %arg4[%dma_start3A_31, %dma_start3A_32] : memref<20480x128xf32, #tpu.memory_space<hbm>> -> memref<20480x128xf32, #tpu.memory_space<hbm>>
      tpu.enqueue_indirect_dma source(%dma_start3A_33 : memref<20480x128xf32, #tpu.memory_space<hbm>>) target(%arg12 : memref<80x128xf32, #tpu.memory_space<vmem>>) offsets(%arg9 : memref<80xi32, #tpu.memory_space<vmem>>) semaphore(%arg15 : memref<!tpu.dma_semaphore, #tpu.memory_space<semaphore_mem>>)
      %dma_wait3A = arith.constant 0 : i32
      %dma_wait3A_34 = arith.constant 0 : i32
      %dma_wait3A_35 = tpu.memref_slice %arg4[%dma_wait3A, %dma_wait3A_34] : memref<20480x128xf32, #tpu.memory_space<hbm>> -> memref<20480x128xf32, #tpu.memory_space<hbm>>
      tpu.wait_indirect_dma semaphore(%arg14 : memref<!tpu.dma_semaphore, #tpu.memory_space<semaphore_mem>>) src(%dma_wait3A_35 : memref<20480x128xf32, #tpu.memory_space<hbm>>) dst(%arg11 : memref<80x128xf32, #tpu.memory_space<vmem>>)
      "tpu.region"() ({
        %run_scoped3A = tpu.sem_alloc : memref<!tpu.dma_semaphore, #tpu.memory_space<semaphore_mem>>
        %dma_start3A_43 = arith.constant 0 : i32
        %dma_start3A_44 = arith.constant 0 : i32
        %dma_start3A_45 = tpu.memref_slice %arg13[%dma_start3A_43, %dma_start3A_44] : memref<10240x128xf32, #tpu.memory_space<vmem_shared>> -> memref<10240x128xf32, #tpu.memory_space<vmem_shared>>
        tpu.enqueue_indirect_dma source(%arg11 : memref<80x128xf32, #tpu.memory_space<vmem>>) target(%dma_start3A_45 : memref<10240x128xf32, #tpu.memory_space<vmem_shared>>) offsets(%arg8 : memref<80xi32, #tpu.memory_space<vmem>>) semaphore(%run_scoped3A : memref<!tpu.dma_semaphore, #tpu.memory_space<semaphore_mem>>) {add = true}
        %dma_wait3A_46 = arith.constant 0 : i32
        %dma_wait3A_47 = arith.constant 0 : i32
        %dma_wait3A_48 = tpu.memref_slice %arg13[%dma_wait3A_46, %dma_wait3A_47] : memref<10240x128xf32, #tpu.memory_space<vmem_shared>> -> memref<10240x128xf32, #tpu.memory_space<vmem_shared>>
        tpu.wait_indirect_dma semaphore(%run_scoped3A : memref<!tpu.dma_semaphore, #tpu.memory_space<semaphore_mem>>) src(%arg11 : memref<80x128xf32, #tpu.memory_space<vmem>>) dst(%dma_wait3A_48 : memref<10240x128xf32, #tpu.memory_space<vmem_shared>>)
        tpu.yield
      }) : () -> ()
      %add3A_36 = arith.constant 1 : i32
      %add3A_37 = arith.addi %add3A_24, %add3A_36 : i32
      %lt3A = arith.constant 250 : i32
      %lt3A_38 = arith.cmpi slt, %add3A_37, %lt3A : i32
      %convert_element_type3A = arith.extui %lt3A_38 : i1 to i32
      %cond3A = arith.constant 0 : i32
      %cond3A_39 = arith.cmpi ne, %convert_element_type3A, %cond3A : i32
      scf.if %cond3A_39 {
        %add3A_43 = arith.constant 1 : i32
        %add3A_44 = arith.addi %add3A_24, %add3A_43 : i32
        %mul3A_45 = arith.constant 80 : i32
        %mul3A_46 = arith.muli %add3A_44, %mul3A_45 : i32
        %add3A_47 = arith.addi %add3A_9, %mul3A_46 : i32
        "tpu.region"() ({
          %run_scoped3A = tpu.sem_alloc : memref<!tpu.dma_semaphore, #tpu.memory_space<semaphore_mem>>
          %dma_start3A_56 = tpu.memref_slice %arg2[%add3A_47] : memref<640000xi32, #tpu.memory_space<hbm>> -> memref<80xi32, #tpu.memory_space<hbm>>
          %dma_start3A_57 = tpu.memref_slice %arg2[%add3A_47] : memref<640000xi32, #tpu.memory_space<hbm>> -> memref<80xi32, #tpu.memory_space<hbm>>
          tpu.enqueue_dma source(%dma_start3A_57 : memref<80xi32, #tpu.memory_space<hbm>>) target(%arg7 : memref<80xi32, #tpu.memory_space<vmem>>) target_semaphore(%run_scoped3A : memref<!tpu.dma_semaphore, #tpu.memory_space<semaphore_mem>>)
          %dma_wait3A_58 = tpu.memref_slice %arg2[%add3A_47] : memref<640000xi32, #tpu.memory_space<hbm>> -> memref<80xi32, #tpu.memory_space<hbm>>
          %dma_wait3A_59 = tpu.memref_slice %arg2[%add3A_47] : memref<640000xi32, #tpu.memory_space<hbm>> -> memref<80xi32, #tpu.memory_space<hbm>>
          tpu.wait_dma2 semaphore(%run_scoped3A : memref<!tpu.dma_semaphore, #tpu.memory_space<semaphore_mem>>) src(%dma_wait3A_59 : memref<80xi32, #tpu.memory_space<hbm>>) dst(%arg7 : memref<80xi32, #tpu.memory_space<vmem>>)
          tpu.yield
        }) : () -> ()
        %add3A_48 = arith.constant 1 : i32
        %add3A_49 = arith.addi %add3A_24, %add3A_48 : i32
        %mul3A_50 = arith.constant 80 : i32
        %mul3A_51 = arith.muli %add3A_49, %mul3A_50 : i32
        %add3A_52 = arith.addi %add3A_9, %mul3A_51 : i32
        "tpu.region"() ({
          %run_scoped3A = tpu.sem_alloc : memref<!tpu.dma_semaphore, #tpu.memory_space<semaphore_mem>>
          %dma_start3A_56 = tpu.memref_slice %arg3[%add3A_52] : memref<640000xi32, #tpu.memory_space<hbm>> -> memref<80xi32, #tpu.memory_space<hbm>>
          %dma_start3A_57 = tpu.memref_slice %arg3[%add3A_52] : memref<640000xi32, #tpu.memory_space<hbm>> -> memref<80xi32, #tpu.memory_space<hbm>>
          tpu.enqueue_dma source(%dma_start3A_57 : memref<80xi32, #tpu.memory_space<hbm>>) target(%arg8 : memref<80xi32, #tpu.memory_space<vmem>>) target_semaphore(%run_scoped3A : memref<!tpu.dma_semaphore, #tpu.memory_space<semaphore_mem>>)
          %dma_wait3A_58 = tpu.memref_slice %arg3[%add3A_52] : memref<640000xi32, #tpu.memory_space<hbm>> -> memref<80xi32, #tpu.memory_space<hbm>>
          %dma_wait3A_59 = tpu.memref_slice %arg3[%add3A_52] : memref<640000xi32, #tpu.memory_space<hbm>> -> memref<80xi32, #tpu.memory_space<hbm>>
          tpu.wait_dma2 semaphore(%run_scoped3A : memref<!tpu.dma_semaphore, #tpu.memory_space<semaphore_mem>>) src(%dma_wait3A_59 : memref<80xi32, #tpu.memory_space<hbm>>) dst(%arg8 : memref<80xi32, #tpu.memory_space<vmem>>)
          tpu.yield
        }) : () -> ()
        %dma_start3A_53 = arith.constant 0 : i32
        %dma_start3A_54 = arith.constant 0 : i32
        %dma_start3A_55 = tpu.memref_slice %arg4[%dma_start3A_53, %dma_start3A_54] : memref<20480x128xf32, #tpu.memory_space<hbm>> -> memref<20480x128xf32, #tpu.memory_space<hbm>>
        tpu.enqueue_indirect_dma source(%dma_start3A_55 : memref<20480x128xf32, #tpu.memory_space<hbm>>) target(%arg11 : memref<80x128xf32, #tpu.memory_space<vmem>>) offsets(%arg7 : memref<80xi32, #tpu.memory_space<vmem>>) semaphore(%arg14 : memref<!tpu.dma_semaphore, #tpu.memory_space<semaphore_mem>>)
      } else {
      }
      %dma_wait3A_40 = arith.constant 0 : i32
      %dma_wait3A_41 = arith.constant 0 : i32
      %dma_wait3A_42 = tpu.memref_slice %arg4[%dma_wait3A_40, %dma_wait3A_41] : memref<20480x128xf32, #tpu.memory_space<hbm>> -> memref<20480x128xf32, #tpu.memory_space<hbm>>
      tpu.wait_indirect_dma semaphore(%arg15 : memref<!tpu.dma_semaphore, #tpu.memory_space<semaphore_mem>>) src(%dma_wait3A_42 : memref<20480x128xf32, #tpu.memory_space<hbm>>) dst(%arg12 : memref<80x128xf32, #tpu.memory_space<vmem>>)
      "tpu.region"() ({
        %run_scoped3A = tpu.sem_alloc : memref<!tpu.dma_semaphore, #tpu.memory_space<semaphore_mem>>
        %dma_start3A_43 = arith.constant 0 : i32
        %dma_start3A_44 = arith.constant 0 : i32
        %dma_start3A_45 = tpu.memref_slice %arg13[%dma_start3A_43, %dma_start3A_44] : memref<10240x128xf32, #tpu.memory_space<vmem_shared>> -> memref<10240x128xf32, #tpu.memory_space<vmem_shared>>
        tpu.enqueue_indirect_dma source(%arg12 : memref<80x128xf32, #tpu.memory_space<vmem>>) target(%dma_start3A_45 : memref<10240x128xf32, #tpu.memory_space<vmem_shared>>) offsets(%arg10 : memref<80xi32, #tpu.memory_space<vmem>>) semaphore(%run_scoped3A : memref<!tpu.dma_semaphore, #tpu.memory_space<semaphore_mem>>) {add = true}
        %dma_wait3A_46 = arith.constant 0 : i32
        %dma_wait3A_47 = arith.constant 0 : i32
        %dma_wait3A_48 = tpu.memref_slice %arg13[%dma_wait3A_46, %dma_wait3A_47] : memref<10240x128xf32, #tpu.memory_space<vmem_shared>> -> memref<10240x128xf32, #tpu.memory_space<vmem_shared>>
        tpu.wait_indirect_dma semaphore(%run_scoped3A : memref<!tpu.dma_semaphore, #tpu.memory_space<semaphore_mem>>) src(%arg12 : memref<80x128xf32, #tpu.memory_space<vmem>>) dst(%dma_wait3A_48 : memref<10240x128xf32, #tpu.memory_space<vmem_shared>>)
        tpu.yield
      }) : () -> ()
    }
    %scan3A_16 = arith.constant 125 : i32
    %barrier3A_17 = arith.constant 0 : index
    tpu.barrier barrier_id(%barrier3A_17)
    %mul3A_18 = arith.constant 640 : i32
    %mul3A_19 = arith.muli %arg1, %mul3A_18 : i32
    "tpu.region"() ({
      %run_scoped3A = tpu.sem_alloc : memref<!tpu.dma_semaphore, #tpu.memory_space<semaphore_mem>>
      %dma_start3A_20 = arith.constant 0 : i32
      %dma_start3A_21 = tpu.memref_slice %arg6[%add3A, %dma_start3A_20] : memref<20480x128xf32, #tpu.memory_space<hbm>> -> memref<640x128xf32, #tpu.memory_space<hbm>>
      %dma_start3A_22 = arith.constant 0 : i32
      %dma_start3A_23 = tpu.memref_slice %arg13[%mul3A_19, %dma_start3A_22] : memref<10240x128xf32, #tpu.memory_space<vmem_shared>> -> memref<640x128xf32, #tpu.memory_space<vmem_shared>>
      tpu.enqueue_dma source(%dma_start3A_23 : memref<640x128xf32, #tpu.memory_space<vmem_shared>>) target(%dma_start3A_21 : memref<640x128xf32, #tpu.memory_space<hbm>>) target_semaphore(%run_scoped3A : memref<!tpu.dma_semaphore, #tpu.memory_space<semaphore_mem>>)
      %dma_wait3A = arith.constant 0 : i32
      %dma_wait3A_24 = tpu.memref_slice %arg6[%add3A, %dma_wait3A] : memref<20480x128xf32, #tpu.memory_space<hbm>> -> memref<640x128xf32, #tpu.memory_space<hbm>>
      %dma_wait3A_25 = arith.constant 0 : i32
      %dma_wait3A_26 = tpu.memref_slice %arg13[%mul3A_19, %dma_wait3A_25] : memref<10240x128xf32, #tpu.memory_space<vmem_shared>> -> memref<640x128xf32, #tpu.memory_space<vmem_shared>>
      tpu.wait_dma2 semaphore(%run_scoped3A : memref<!tpu.dma_semaphore, #tpu.memory_space<semaphore_mem>>) src(%dma_wait3A_26 : memref<640x128xf32, #tpu.memory_space<vmem_shared>>) dst(%dma_wait3A_24 : memref<640x128xf32, #tpu.memory_space<hbm>>)
      tpu.yield
    }) : () -> ()
    return
  }
}

#map = affine_map<(d0, d1) -> (0)>
#map1 = affine_map<(d0, d1) -> (0, 0)>
module attributes {stable_mosaic.version = 14 : i64} {
  func.func @k(%arg0: i32, %arg1: i32, %arg2: memref<640000xi32, #tpu.memory_space<hbm>>, %arg3: memref<640000xi32, #tpu.memory_space<hbm>>, %arg4: memref<20480x128xf32, #tpu.memory_space<hbm>>, %arg5: memref<640x128xf32, #tpu.memory_space<hbm>>, %arg6: memref<20480x128xf32, #tpu.memory_space<hbm>>, %arg7: memref<80xi32, #tpu.memory_space<vmem>>, %arg8: memref<80xi32, #tpu.memory_space<vmem>>, %arg9: memref<80xi32, #tpu.memory_space<vmem>>, %arg10: memref<80xi32, #tpu.memory_space<vmem>>, %arg11: memref<80x128xf32, #tpu.memory_space<vmem>>, %arg12: memref<80x128xf32, #tpu.memory_space<vmem>>, %arg13: memref<10240x128xf32, #tpu.memory_space<vmem_shared>>, %arg14: memref<!tpu.dma_semaphore, #tpu.memory_space<semaphore_mem>>, %arg15: memref<!tpu.dma_semaphore, #tpu.memory_space<semaphore_mem>>) attributes {dimension_semantics = [#tpu.dimension_semantics<core_parallel>, #tpu.dimension_semantics<subcore_parallel>], iteration_bounds = array<i64: 2, 16>, scalar_prefetch = 0 : i64, scratch_operands = 9 : i64, tpu.core_type = #tpu.core_type<sc_vector_subcore>, window_params = [{transform_indices = #map}, {transform_indices = #map}, {transform_indices = #map1}, {transform_indices = #map1}, {transform_indices = #map1}]} {
    %mul3A = arith.constant 10240 : i32
    %mul3A_0 = arith.muli %arg0, %mul3A : i32
    %mul3A_1 = arith.constant 640 : i32
    %mul3A_2 = arith.muli %arg1, %mul3A_1 : i32
    %add3A = arith.addi %mul3A_0, %mul3A_2 : i32
    %mul3A_3 = arith.constant 640 : i32
    %mul3A_4 = arith.muli %arg1, %mul3A_3 : i32
    "tpu.region"() ({
      %run_scoped3A = tpu.sem_alloc : memref<!tpu.dma_semaphore, #tpu.memory_space<semaphore_mem>>
      %dma_start3A_20 = arith.constant 0 : i32
      %dma_start3A_21 = tpu.memref_slice %arg13[%mul3A_4, %dma_start3A_20] : memref<10240x128xf32, #tpu.memory_space<vmem_shared>> -> memref<640x128xf32, #tpu.memory_space<vmem_shared>>
      tpu.enqueue_dma source(%arg5 : memref<640x128xf32, #tpu.memory_space<hbm>>) target(%dma_start3A_21 : memref<640x128xf32, #tpu.memory_space<vmem_shared>>) target_semaphore(%run_scoped3A : memref<!tpu.dma_semaphore, #tpu.memory_space<semaphore_mem>>)
      %dma_wait3A = arith.constant 0 : i32
      %dma_wait3A_22 = tpu.memref_slice %arg13[%mul3A_4, %dma_wait3A] : memref<10240x128xf32, #tpu.memory_space<vmem_shared>> -> memref<640x128xf32, #tpu.memory_space<vmem_shared>>
      tpu.wait_dma2 semaphore(%run_scoped3A : memref<!tpu.dma_semaphore, #tpu.memory_space<semaphore_mem>>) src(%arg5 : memref<640x128xf32, #tpu.memory_space<hbm>>) dst(%dma_wait3A_22 : memref<640x128xf32, #tpu.memory_space<vmem_shared>>)
      tpu.yield
    }) : () -> ()
    %barrier3A = arith.constant 0 : index
    tpu.barrier barrier_id(%barrier3A)
    %mul3A_5 = arith.constant 320000 : i32
    %mul3A_6 = arith.muli %arg0, %mul3A_5 : i32
    %mul3A_7 = arith.constant 20000 : i32
    %mul3A_8 = arith.muli %arg1, %mul3A_7 : i32
    %add3A_9 = arith.addi %mul3A_6, %mul3A_8 : i32
    "tpu.region"() ({
      %run_scoped3A = tpu.sem_alloc : memref<!tpu.dma_semaphore, #tpu.memory_space<semaphore_mem>>
      %dma_start3A_20 = tpu.memref_slice %arg2[%add3A_9] : memref<640000xi32, #tpu.memory_space<hbm>> -> memref<80xi32, #tpu.memory_space<hbm>>
      %dma_start3A_21 = tpu.memref_slice %arg2[%add3A_9] : memref<640000xi32, #tpu.memory_space<hbm>> -> memref<80xi32, #tpu.memory_space<hbm>>
      tpu.enqueue_dma source(%dma_start3A_21 : memref<80xi32, #tpu.memory_space<hbm>>) target(%arg7 : memref<80xi32, #tpu.memory_space<vmem>>) target_semaphore(%run_scoped3A : memref<!tpu.dma_semaphore, #tpu.memory_space<semaphore_mem>>)
      %dma_wait3A = tpu.memref_slice %arg2[%add3A_9] : memref<640000xi32, #tpu.memory_space<hbm>> -> memref<80xi32, #tpu.memory_space<hbm>>
      %dma_wait3A_22 = tpu.memref_slice %arg2[%add3A_9] : memref<640000xi32, #tpu.memory_space<hbm>> -> memref<80xi32, #tpu.memory_space<hbm>>
      tpu.wait_dma2 semaphore(%run_scoped3A : memref<!tpu.dma_semaphore, #tpu.memory_space<semaphore_mem>>) src(%dma_wait3A_22 : memref<80xi32, #tpu.memory_space<hbm>>) dst(%arg7 : memref<80xi32, #tpu.memory_space<vmem>>)
      tpu.yield
    }) : () -> ()
    "tpu.region"() ({
      %run_scoped3A = tpu.sem_alloc : memref<!tpu.dma_semaphore, #tpu.memory_space<semaphore_mem>>
      %dma_start3A_20 = tpu.memref_slice %arg3[%add3A_9] : memref<640000xi32, #tpu.memory_space<hbm>> -> memref<80xi32, #tpu.memory_space<hbm>>
      %dma_start3A_21 = tpu.memref_slice %arg3[%add3A_9] : memref<640000xi32, #tpu.memory_space<hbm>> -> memref<80xi32, #tpu.memory_space<hbm>>
      tpu.enqueue_dma source(%dma_start3A_21 : memref<80xi32, #tpu.memory_space<hbm>>) target(%arg8 : memref<80xi32, #tpu.memory_space<vmem>>) target_semaphore(%run_scoped3A : memref<!tpu.dma_semaphore, #tpu.memory_space<semaphore_mem>>)
      %dma_wait3A = tpu.memref_slice %arg3[%add3A_9] : memref<640000xi32, #tpu.memory_space<hbm>> -> memref<80xi32, #tpu.memory_space<hbm>>
      %dma_wait3A_22 = tpu.memref_slice %arg3[%add3A_9] : memref<640000xi32, #tpu.memory_space<hbm>> -> memref<80xi32, #tpu.memory_space<hbm>>
      tpu.wait_dma2 semaphore(%run_scoped3A : memref<!tpu.dma_semaphore, #tpu.memory_space<semaphore_mem>>) src(%dma_wait3A_22 : memref<80xi32, #tpu.memory_space<hbm>>) dst(%arg8 : memref<80xi32, #tpu.memory_space<vmem>>)
      tpu.yield
    }) : () -> ()
    %dma_start3A = arith.constant 0 : i32
    %dma_start3A_10 = arith.constant 0 : i32
    %dma_start3A_11 = tpu.memref_slice %arg4[%dma_start3A, %dma_start3A_10] : memref<20480x128xf32, #tpu.memory_space<hbm>> -> memref<20480x128xf32, #tpu.memory_space<hbm>>
    tpu.enqueue_indirect_dma source(%dma_start3A_11 : memref<20480x128xf32, #tpu.memory_space<hbm>>) target(%arg11 : memref<80x128xf32, #tpu.memory_space<vmem>>) offsets(%arg7 : memref<80xi32, #tpu.memory_space<vmem>>) semaphore(%arg14 : memref<!tpu.dma_semaphore, #tpu.memory_space<semaphore_mem>>)
    %scan3A = arith.constant 0 : i32
    %scan3A_12 = arith.constant 0 : i32
    %scan3A_13 = arith.constant 125 : i32
    %scan3A_14 = arith.addi %scan3A_12, %scan3A_13 : i32
    %scan3A_15 = arith.constant 1 : i32
    scf.for %scan3A_20 = %scan3A_12 to %scan3A_14 step %scan3A_15  : i32 {
      %mul3A_21 = arith.constant 2 : i32
      %mul3A_22 = arith.muli %mul3A_21, %scan3A_20 : i32
      %add3A_23 = arith.constant 1 : i32
      %add3A_24 = arith.addi %mul3A_22, %add3A_23 : i32
      %mul3A_25 = arith.constant 80 : i32
      %mul3A_26 = arith.muli %add3A_24, %mul3A_25 : i32
      %add3A_27 = arith.addi %add3A_9, %mul3A_26 : i32
      "tpu.region"() ({
        %run_scoped3A = tpu.sem_alloc : memref<!tpu.dma_semaphore, #tpu.memory_space<semaphore_mem>>
        %dma_start3A_43 = tpu.memref_slice %arg2[%add3A_27] : memref<640000xi32, #tpu.memory_space<hbm>> -> memref<80xi32, #tpu.memory_space<hbm>>
        %dma_start3A_44 = tpu.memref_slice %arg2[%add3A_27] : memref<640000xi32, #tpu.memory_space<hbm>> -> memref<80xi32, #tpu.memory_space<hbm>>
        tpu.enqueue_dma source(%dma_start3A_44 : memref<80xi32, #tpu.memory_space<hbm>>) target(%arg9 : memref<80xi32, #tpu.memory_space<vmem>>) target_semaphore(%run_scoped3A : memref<!tpu.dma_semaphore, #tpu.memory_space<semaphore_mem>>)
        %dma_wait3A_45 = tpu.memref_slice %arg2[%add3A_27] : memref<640000xi32, #tpu.memory_space<hbm>> -> memref<80xi32, #tpu.memory_space<hbm>>
        %dma_wait3A_46 = tpu.memref_slice %arg2[%add3A_27] : memref<640000xi32, #tpu.memory_space<hbm>> -> memref<80xi32, #tpu.memory_space<hbm>>
        tpu.wait_dma2 semaphore(%run_scoped3A : memref<!tpu.dma_semaphore, #tpu.memory_space<semaphore_mem>>) src(%dma_wait3A_46 : memref<80xi32, #tpu.memory_space<hbm>>) dst(%arg9 : memref<80xi32, #tpu.memory_space<vmem>>)
        tpu.yield
      }) : () -> ()
      %mul3A_28 = arith.constant 80 : i32
      %mul3A_29 = arith.muli %add3A_24, %mul3A_28 : i32
      %add3A_30 = arith.addi %add3A_9, %mul3A_29 : i32
      "tpu.region"() ({
        %run_scoped3A = tpu.sem_alloc : memref<!tpu.dma_semaphore, #tpu.memory_space<semaphore_mem>>
        %dma_start3A_43 = tpu.memref_slice %arg3[%add3A_30] : memref<640000xi32, #tpu.memory_space<hbm>> -> memref<80xi32, #tpu.memory_space<hbm>>
        %dma_start3A_44 = tpu.memref_slice %arg3[%add3A_30] : memref<640000xi32, #tpu.memory_space<hbm>> -> memref<80xi32, #tpu.memory_space<hbm>>
        tpu.enqueue_dma source(%dma_start3A_44 : memref<80xi32, #tpu.memory_space<hbm>>) target(%arg10 : memref<80xi32, #tpu.memory_space<vmem>>) target_semaphore(%run_scoped3A : memref<!tpu.dma_semaphore, #tpu.memory_space<semaphore_mem>>)
        %dma_wait3A_45 = tpu.memref_slice %arg3[%add3A_30] : memref<640000xi32, #tpu.memory_space<hbm>> -> memref<80xi32, #tpu.memory_space<hbm>>
        %dma_wait3A_46 = tpu.memref_slice %arg3[%add3A_30] : memref<640000xi32, #tpu.memory_space<hbm>> -> memref<80xi32, #tpu.memory_space<hbm>>
        tpu.wait_dma2 semaphore(%run_scoped3A : memref<!tpu.dma_semaphore, #tpu.memory_space<semaphore_mem>>) src(%dma_wait3A_46 : memref<80xi32, #tpu.memory_space<hbm>>) dst(%arg10 : memref<80xi32, #tpu.memory_space<vmem>>)
        tpu.yield
      }) : () -> ()
      %dma_start3A_31 = arith.constant 0 : i32
      %dma_start3A_32 = arith.constant 0 : i32
      %dma_start3A_33 = tpu.memref_slice %arg4[%dma_start3A_31, %dma_start3A_32] : memref<20480x128xf32, #tpu.memory_space<hbm>> -> memref<20480x128xf32, #tpu.memory_space<hbm>>
      tpu.enqueue_indirect_dma source(%dma_start3A_33 : memref<20480x128xf32, #tpu.memory_space<hbm>>) target(%arg12 : memref<80x128xf32, #tpu.memory_space<vmem>>) offsets(%arg9 : memref<80xi32, #tpu.memory_space<vmem>>) semaphore(%arg15 : memref<!tpu.dma_semaphore, #tpu.memory_space<semaphore_mem>>)
      %dma_wait3A = arith.constant 0 : i32
      %dma_wait3A_34 = arith.constant 0 : i32
      %dma_wait3A_35 = tpu.memref_slice %arg4[%dma_wait3A, %dma_wait3A_34] : memref<20480x128xf32, #tpu.memory_space<hbm>> -> memref<20480x128xf32, #tpu.memory_space<hbm>>
      tpu.wait_indirect_dma semaphore(%arg14 : memref<!tpu.dma_semaphore, #tpu.memory_space<semaphore_mem>>) src(%dma_wait3A_35 : memref<20480x128xf32, #tpu.memory_space<hbm>>) dst(%arg11 : memref<80x128xf32, #tpu.memory_space<vmem>>)
      "tpu.region"() ({
        %run_scoped3A = tpu.sem_alloc : memref<!tpu.dma_semaphore, #tpu.memory_space<semaphore_mem>>
        %dma_start3A_43 = arith.constant 0 : i32
        %dma_start3A_44 = arith.constant 0 : i32
        %dma_start3A_45 = tpu.memref_slice %arg13[%dma_start3A_43, %dma_start3A_44] : memref<10240x128xf32, #tpu.memory_space<vmem_shared>> -> memref<10240x128xf32, #tpu.memory_space<vmem_shared>>
        tpu.enqueue_indirect_dma source(%arg11 : memref<80x128xf32, #tpu.memory_space<vmem>>) target(%dma_start3A_45 : memref<10240x128xf32, #tpu.memory_space<vmem_shared>>) offsets(%arg8 : memref<80xi32, #tpu.memory_space<vmem>>) semaphore(%run_scoped3A : memref<!tpu.dma_semaphore, #tpu.memory_space<semaphore_mem>>) {add = true}
        %dma_wait3A_46 = arith.constant 0 : i32
        %dma_wait3A_47 = arith.constant 0 : i32
        %dma_wait3A_48 = tpu.memref_slice %arg13[%dma_wait3A_46, %dma_wait3A_47] : memref<10240x128xf32, #tpu.memory_space<vmem_shared>> -> memref<10240x128xf32, #tpu.memory_space<vmem_shared>>
        tpu.wait_indirect_dma semaphore(%run_scoped3A : memref<!tpu.dma_semaphore, #tpu.memory_space<semaphore_mem>>) src(%arg11 : memref<80x128xf32, #tpu.memory_space<vmem>>) dst(%dma_wait3A_48 : memref<10240x128xf32, #tpu.memory_space<vmem_shared>>)
        tpu.yield
      }) : () -> ()
      %add3A_36 = arith.constant 1 : i32
      %add3A_37 = arith.addi %add3A_24, %add3A_36 : i32
      %lt3A = arith.constant 250 : i32
      %lt3A_38 = arith.cmpi slt, %add3A_37, %lt3A : i32
      %convert_element_type3A = arith.extui %lt3A_38 : i1 to i32
      %cond3A = arith.constant 0 : i32
      %cond3A_39 = arith.cmpi ne, %convert_element_type3A, %cond3A : i32
      scf.if %cond3A_39 {
        %add3A_43 = arith.constant 1 : i32
        %add3A_44 = arith.addi %add3A_24, %add3A_43 : i32
        %mul3A_45 = arith.constant 80 : i32
        %mul3A_46 = arith.muli %add3A_44, %mul3A_45 : i32
        %add3A_47 = arith.addi %add3A_9, %mul3A_46 : i32
        "tpu.region"() ({
          %run_scoped3A = tpu.sem_alloc : memref<!tpu.dma_semaphore, #tpu.memory_space<semaphore_mem>>
          %dma_start3A_56 = tpu.memref_slice %arg2[%add3A_47] : memref<640000xi32, #tpu.memory_space<hbm>> -> memref<80xi32, #tpu.memory_space<hbm>>
          %dma_start3A_57 = tpu.memref_slice %arg2[%add3A_47] : memref<640000xi32, #tpu.memory_space<hbm>> -> memref<80xi32, #tpu.memory_space<hbm>>
          tpu.enqueue_dma source(%dma_start3A_57 : memref<80xi32, #tpu.memory_space<hbm>>) target(%arg7 : memref<80xi32, #tpu.memory_space<vmem>>) target_semaphore(%run_scoped3A : memref<!tpu.dma_semaphore, #tpu.memory_space<semaphore_mem>>)
          %dma_wait3A_58 = tpu.memref_slice %arg2[%add3A_47] : memref<640000xi32, #tpu.memory_space<hbm>> -> memref<80xi32, #tpu.memory_space<hbm>>
          %dma_wait3A_59 = tpu.memref_slice %arg2[%add3A_47] : memref<640000xi32, #tpu.memory_space<hbm>> -> memref<80xi32, #tpu.memory_space<hbm>>
          tpu.wait_dma2 semaphore(%run_scoped3A : memref<!tpu.dma_semaphore, #tpu.memory_space<semaphore_mem>>) src(%dma_wait3A_59 : memref<80xi32, #tpu.memory_space<hbm>>) dst(%arg7 : memref<80xi32, #tpu.memory_space<vmem>>)
          tpu.yield
        }) : () -> ()
        %add3A_48 = arith.constant 1 : i32
        %add3A_49 = arith.addi %add3A_24, %add3A_48 : i32
        %mul3A_50 = arith.constant 80 : i32
        %mul3A_51 = arith.muli %add3A_49, %mul3A_50 : i32
        %add3A_52 = arith.addi %add3A_9, %mul3A_51 : i32
        "tpu.region"() ({
          %run_scoped3A = tpu.sem_alloc : memref<!tpu.dma_semaphore, #tpu.memory_space<semaphore_mem>>
          %dma_start3A_56 = tpu.memref_slice %arg3[%add3A_52] : memref<640000xi32, #tpu.memory_space<hbm>> -> memref<80xi32, #tpu.memory_space<hbm>>
          %dma_start3A_57 = tpu.memref_slice %arg3[%add3A_52] : memref<640000xi32, #tpu.memory_space<hbm>> -> memref<80xi32, #tpu.memory_space<hbm>>
          tpu.enqueue_dma source(%dma_start3A_57 : memref<80xi32, #tpu.memory_space<hbm>>) target(%arg8 : memref<80xi32, #tpu.memory_space<vmem>>) target_semaphore(%run_scoped3A : memref<!tpu.dma_semaphore, #tpu.memory_space<semaphore_mem>>)
          %dma_wait3A_58 = tpu.memref_slice %arg3[%add3A_52] : memref<640000xi32, #tpu.memory_space<hbm>> -> memref<80xi32, #tpu.memory_space<hbm>>
          %dma_wait3A_59 = tpu.memref_slice %arg3[%add3A_52] : memref<640000xi32, #tpu.memory_space<hbm>> -> memref<80xi32, #tpu.memory_space<hbm>>
          tpu.wait_dma2 semaphore(%run_scoped3A : memref<!tpu.dma_semaphore, #tpu.memory_space<semaphore_mem>>) src(%dma_wait3A_59 : memref<80xi32, #tpu.memory_space<hbm>>) dst(%arg8 : memref<80xi32, #tpu.memory_space<vmem>>)
          tpu.yield
        }) : () -> ()
        %dma_start3A_53 = arith.constant 0 : i32
        %dma_start3A_54 = arith.constant 0 : i32
        %dma_start3A_55 = tpu.memref_slice %arg4[%dma_start3A_53, %dma_start3A_54] : memref<20480x128xf32, #tpu.memory_space<hbm>> -> memref<20480x128xf32, #tpu.memory_space<hbm>>
        tpu.enqueue_indirect_dma source(%dma_start3A_55 : memref<20480x128xf32, #tpu.memory_space<hbm>>) target(%arg11 : memref<80x128xf32, #tpu.memory_space<vmem>>) offsets(%arg7 : memref<80xi32, #tpu.memory_space<vmem>>) semaphore(%arg14 : memref<!tpu.dma_semaphore, #tpu.memory_space<semaphore_mem>>)
      } else {
      }
      %dma_wait3A_40 = arith.constant 0 : i32
      %dma_wait3A_41 = arith.constant 0 : i32
      %dma_wait3A_42 = tpu.memref_slice %arg4[%dma_wait3A_40, %dma_wait3A_41] : memref<20480x128xf32, #tpu.memory_space<hbm>> -> memref<20480x128xf32, #tpu.memory_space<hbm>>
      tpu.wait_indirect_dma semaphore(%arg15 : memref<!tpu.dma_semaphore, #tpu.memory_space<semaphore_mem>>) src(%dma_wait3A_42 : memref<20480x128xf32, #tpu.memory_space<hbm>>) dst(%arg12 : memref<80x128xf32, #tpu.memory_space<vmem>>)
      "tpu.region"() ({
        %run_scoped3A = tpu.sem_alloc : memref<!tpu.dma_semaphore, #tpu.memory_space<semaphore_mem>>
        %dma_start3A_43 = arith.constant 0 : i32
        %dma_start3A_44 = arith.constant 0 : i32
        %dma_start3A_45 = tpu.memref_slice %arg13[%dma_start3A_43, %dma_start3A_44] : memref<10240x128xf32, #tpu.memory_space<vmem_shared>> -> memref<10240x128xf32, #tpu.memory_space<vmem_shared>>
        tpu.enqueue_indirect_dma source(%arg12 : memref<80x128xf32, #tpu.memory_space<vmem>>) target(%dma_start3A_45 : memref<10240x128xf32, #tpu.memory_space<vmem_shared>>) offsets(%arg10 : memref<80xi32, #tpu.memory_space<vmem>>) semaphore(%run_scoped3A : memref<!tpu.dma_semaphore, #tpu.memory_space<semaphore_mem>>) {add = true}
        %dma_wait3A_46 = arith.constant 0 : i32
        %dma_wait3A_47 = arith.constant 0 : i32
        %dma_wait3A_48 = tpu.memref_slice %arg13[%dma_wait3A_46, %dma_wait3A_47] : memref<10240x128xf32, #tpu.memory_space<vmem_shared>> -> memref<10240x128xf32, #tpu.memory_space<vmem_shared>>
        tpu.wait_indirect_dma semaphore(%run_scoped3A : memref<!tpu.dma_semaphore, #tpu.memory_space<semaphore_mem>>) src(%arg12 : memref<80x128xf32, #tpu.memory_space<vmem>>) dst(%dma_wait3A_48 : memref<10240x128xf32, #tpu.memory_space<vmem_shared>>)
        tpu.yield
      }) : () -> ()
    }
    %scan3A_16 = arith.constant 125 : i32
    %barrier3A_17 = arith.constant 0 : index
    tpu.barrier barrier_id(%barrier3A_17)
    %mul3A_18 = arith.constant 640 : i32
    %mul3A_19 = arith.muli %arg1, %mul3A_18 : i32
    "tpu.region"() ({
      %run_scoped3A = tpu.sem_alloc : memref<!tpu.dma_semaphore, #tpu.memory_space<semaphore_mem>>
      %dma_start3A_20 = arith.constant 0 : i32
      %dma_start3A_21 = tpu.memref_slice %arg6[%add3A, %dma_start3A_20] : memref<20480x128xf32, #tpu.memory_space<hbm>> -> memref<640x128xf32, #tpu.memory_space<hbm>>
      %dma_start3A_22 = arith.constant 0 : i32
      %dma_start3A_23 = tpu.memref_slice %arg13[%mul3A_19, %dma_start3A_22] : memref<10240x128xf32, #tpu.memory_space<vmem_shared>> -> memref<640x128xf32, #tpu.memory_space<vmem_shared>>
      tpu.enqueue_dma source(%dma_start3A_23 : memref<640x128xf32, #tpu.memory_space<vmem_shared>>) target(%dma_start3A_21 : memref<640x128xf32, #tpu.memory_space<hbm>>) target_semaphore(%run_scoped3A : memref<!tpu.dma_semaphore, #tpu.memory_space<semaphore_mem>>)
      %dma_wait3A = arith.constant 0 : i32
      %dma_wait3A_24 = tpu.memref_slice %arg6[%add3A, %dma_wait3A] : memref<20480x128xf32, #tpu.memory_space<hbm>> -> memref<640x128xf32, #tpu.memory_space<hbm>>
      %dma_wait3A_25 = arith.constant 0 : i32
      %dma_wait3A_26 = tpu.memref_slice %arg13[%mul3A_19, %dma_wait3A_25] : memref<10240x128xf32, #tpu.memory_space<vmem_shared>> -> memref<640x128xf32, #tpu.memory_space<vmem_shared>>
      tpu.wait_dma2 semaphore(%run_scoped3A : memref<!tpu.dma_semaphore, #tpu.memory_space<semaphore_mem>>) src(%dma_wait3A_26 : memref<640x128xf32, #tpu.memory_space<vmem_shared>>) dst(%dma_wait3A_24 : memref<640x128xf32, #tpu.memory_space<hbm>>)
      tpu.yield
    }) : () -> ()
    return
  }
}

module attributes {stable_mosaic.version = 14 : i64} {
  func.func @body(%arg0: memref<20480x128xf32, #tpu.memory_space<vmem>>, %arg1: memref<128x128xf32, #tpu.memory_space<vmem>>, %arg2: memref<20480x128xf32, #tpu.memory_space<vmem>>) attributes {dimension_semantics = [], scalar_prefetch = 0 : i64, scratch_operands = 0 : i64, tpu.core_type = #tpu.core_type<tc>} {
    %get3A = arith.constant 0 : index
    %get3A_0 = arith.constant 0 : index
    %get3A_1 = vector.load %arg0[%get3A, %get3A_0] : memref<20480x128xf32, #tpu.memory_space<vmem>>, vector<20480x128xf32>
    %get3A_2 = arith.constant 0 : index
    %get3A_3 = arith.constant 0 : index
    %get3A_4 = vector.load %arg1[%get3A_2, %get3A_3] : memref<128x128xf32, #tpu.memory_space<vmem>>, vector<128x128xf32>
    %dot_general3A = arith.constant dense<0.000000e+00> : vector<20480x128xf32>
    %dot_general3A_5 = tpu.matmul %get3A_1, %get3A_4, %dot_general3A {dimension_numbers = #tpu.dot_dimension_numbers<[1], [0], [0], [1], [0, 0, 1, 1], [], []>, transpose_lhs_hint = false} : vector<20480x128xf32>, vector<128x128xf32>, vector<20480x128xf32> -> vector<20480x128xf32>
    %swap3A = arith.constant 0 : index
    %swap3A_6 = arith.constant 0 : index
    %swap3A_7 = vector.load %arg2[%swap3A, %swap3A_6] : memref<20480x128xf32, #tpu.memory_space<vmem>>, vector<20480x128xf32>
    tpu.vector_store %arg2[%swap3A, %swap3A_6], %dot_general3A_5 {strides = array<i32>} : memref<20480x128xf32, #tpu.memory_space<vmem>>, vector<20480x128xf32>,
    return
  }
}

module attributes {stable_mosaic.version = 14 : i64} {
  func.func @body(%arg0: memref<20480x128xf32, #tpu.memory_space<vmem>>, %arg1: memref<20480x1xf32, #tpu.memory_space<vmem>>, %arg2: memref<20480x128xf32, #tpu.memory_space<vmem>>, %arg3: memref<20480x1xf32, #tpu.memory_space<vmem>>) attributes {dimension_semantics = [], scalar_prefetch = 0 : i64, scratch_operands = 0 : i64, tpu.core_type = #tpu.core_type<tc>} {
    %get3A = arith.constant 0 : index
    %get3A_0 = arith.constant 0 : index
    %get3A_1 = vector.load %arg1[%get3A, %get3A_0] : memref<20480x1xf32, #tpu.memory_space<vmem>>, vector<20480x1xf32>
    %add3A = arith.constant 1.000000e+00 : f32
    %add3A_2 = vector.broadcast %add3A : f32 to vector<20480x1xf32>
    %add3A_3 = arith.addf %get3A_1, %add3A_2 : vector<20480x1xf32>
    %rsqrt3A = math.rsqrt %add3A_3 : vector<20480x1xf32>
    %get3A_4 = arith.constant 0 : index
    %get3A_5 = arith.constant 0 : index
    %get3A_6 = vector.load %arg0[%get3A_4, %get3A_5] : memref<20480x128xf32, #tpu.memory_space<vmem>>, vector<20480x128xf32>
    %mul3A = vector.broadcast %rsqrt3A : vector<20480x1xf32> to vector<20480x128xf32>
    %mul3A_7 = arith.mulf %get3A_6, %mul3A : vector<20480x128xf32>
    %swap3A = arith.constant 0 : index
    %swap3A_8 = arith.constant 0 : index
    %swap3A_9 = vector.load %arg2[%swap3A, %swap3A_8] : memref<20480x128xf32, #tpu.memory_space<vmem>>, vector<20480x128xf32>
    tpu.vector_store %arg2[%swap3A, %swap3A_8], %mul3A_7 {strides = array<i32>} : memref<20480x128xf32, #tpu.memory_space<vmem>>, vector<20480x128xf32>,
    %swap3A_10 = arith.constant 0 : index
    %swap3A_11 = arith.constant 0 : index
    %swap3A_12 = vector.load %arg3[%swap3A_10, %swap3A_11] : memref<20480x1xf32, #tpu.memory_space<vmem>>, vector<20480x1xf32>
    tpu.vector_store %arg3[%swap3A_10, %swap3A_11], %rsqrt3A {strides = array<i32>} : memref<20480x1xf32, #tpu.memory_space<vmem>>, vector<20480x1xf32>,
    return
  }
}

module attributes {stable_mosaic.version = 14 : i64} {
  func.func @body(%arg0: memref<20480x128xf32, #tpu.memory_space<vmem>>, %arg1: memref<20480x128xf32, #tpu.memory_space<vmem>>, %arg2: memref<20480x1xf32, #tpu.memory_space<vmem>>, %arg3: memref<1x128xf32, #tpu.memory_space<vmem>>, %arg4: memref<128x128xf32, #tpu.memory_space<vmem>>, %arg5: memref<20480x128xf32, #tpu.memory_space<vmem>>) attributes {dimension_semantics = [], scalar_prefetch = 0 : i64, scratch_operands = 0 : i64, tpu.core_type = #tpu.core_type<tc>} {
    %get3A = arith.constant 0 : index
    %get3A_0 = arith.constant 0 : index
    %get3A_1 = vector.load %arg2[%get3A, %get3A_0] : memref<20480x1xf32, #tpu.memory_space<vmem>>, vector<20480x1xf32>
    %get3A_2 = arith.constant 0 : index
    %get3A_3 = arith.constant 0 : index
    %get3A_4 = vector.load %arg0[%get3A_2, %get3A_3] : memref<20480x128xf32, #tpu.memory_space<vmem>>, vector<20480x128xf32>
    %get3A_5 = arith.constant 0 : index
    %get3A_6 = arith.constant 0 : index
    %get3A_7 = vector.load %arg1[%get3A_5, %get3A_6] : memref<20480x128xf32, #tpu.memory_space<vmem>>, vector<20480x128xf32>
    %add3A = arith.addf %get3A_4, %get3A_7 : vector<20480x128xf32>
    %mul3A = vector.broadcast %get3A_1 : vector<20480x1xf32> to vector<20480x128xf32>
    %mul3A_8 = arith.mulf %mul3A, %add3A : vector<20480x128xf32>
    %get3A_9 = arith.constant 0 : index
    %get3A_10 = arith.constant 0 : index
    %get3A_11 = vector.load %arg3[%get3A_9, %get3A_10] : memref<1x128xf32, #tpu.memory_space<vmem>>, vector<1x128xf32>
    %add3A_12 = vector.broadcast %get3A_11 : vector<1x128xf32> to vector<20480x128xf32>
    %add3A_13 = arith.addf %mul3A_8, %add3A_12 : vector<20480x128xf32>
    %max3A = arith.constant 0.000000e+00 : f32
    %max3A_14 = vector.broadcast %max3A : f32 to vector<20480x128xf32>
    %max3A_15 = arith.maximumf %add3A_13, %max3A_14 : vector<20480x128xf32>
    %get3A_16 = arith.constant 0 : index
    %get3A_17 = arith.constant 0 : index
    %get3A_18 = vector.load %arg4[%get3A_16, %get3A_17] : memref<128x128xf32, #tpu.memory_space<vmem>>, vector<128x128xf32>
    %dot_general3A = arith.constant dense<0.000000e+00> : vector<20480x128xf32>
    %dot_general3A_19 = tpu.matmul %max3A_15, %get3A_18, %dot_general3A {dimension_numbers = #tpu.dot_dimension_numbers<[1], [0], [0], [1], [0, 0, 1, 1], [], []>, transpose_lhs_hint = false} : vector<20480x128xf32>, vector<128x128xf32>, vector<20480x128xf32> -> vector<20480x128xf32>
    %mul3A_20 = vector.broadcast %get3A_1 : vector<20480x1xf32> to vector<20480x128xf32>
    %mul3A_21 = arith.mulf %dot_general3A_19, %mul3A_20 : vector<20480x128xf32>
    %swap3A = arith.constant 0 : index
    %swap3A_22 = arith.constant 0 : index
    %swap3A_23 = vector.load %arg5[%swap3A, %swap3A_22] : memref<20480x128xf32, #tpu.memory_space<vmem>>, vector<20480x128xf32>
    tpu.vector_store %arg5[%swap3A, %swap3A_22], %mul3A_21 {strides = array<i32>} : memref<20480x128xf32, #tpu.memory_space<vmem>>, vector<20480x128xf32>,
    return
  }
}

module attributes {stable_mosaic.version = 14 : i64} {
  func.func @body(%arg0: memref<20480x128xf32, #tpu.memory_space<vmem>>, %arg1: memref<20480x128xf32, #tpu.memory_space<vmem>>, %arg2: memref<20480x1xf32, #tpu.memory_space<vmem>>, %arg3: memref<1x128xf32, #tpu.memory_space<vmem>>, %arg4: memref<20480x128xf32, #tpu.memory_space<vmem>>) attributes {dimension_semantics = [], scalar_prefetch = 0 : i64, scratch_operands = 0 : i64, tpu.core_type = #tpu.core_type<tc>} {
    %get3A = arith.constant 0 : index
    %get3A_0 = arith.constant 0 : index
    %get3A_1 = vector.load %arg2[%get3A, %get3A_0] : memref<20480x1xf32, #tpu.memory_space<vmem>>, vector<20480x1xf32>
    %get3A_2 = arith.constant 0 : index
    %get3A_3 = arith.constant 0 : index
    %get3A_4 = vector.load %arg0[%get3A_2, %get3A_3] : memref<20480x128xf32, #tpu.memory_space<vmem>>, vector<20480x128xf32>
    %get3A_5 = arith.constant 0 : index
    %get3A_6 = arith.constant 0 : index
    %get3A_7 = vector.load %arg1[%get3A_5, %get3A_6] : memref<20480x128xf32, #tpu.memory_space<vmem>>, vector<20480x128xf32>
    %add3A = arith.addf %get3A_4, %get3A_7 : vector<20480x128xf32>
    %mul3A = vector.broadcast %get3A_1 : vector<20480x1xf32> to vector<20480x128xf32>
    %mul3A_8 = arith.mulf %mul3A, %add3A : vector<20480x128xf32>
    %get3A_9 = arith.constant 0 : index
    %get3A_10 = arith.constant 0 : index
    %get3A_11 = vector.load %arg3[%get3A_9, %get3A_10] : memref<1x128xf32, #tpu.memory_space<vmem>>, vector<1x128xf32>
    %add3A_12 = vector.broadcast %get3A_11 : vector<1x128xf32> to vector<20480x128xf32>
    %add3A_13 = arith.addf %mul3A_8, %add3A_12 : vector<20480x128xf32>
    %iota3A = tpu.iota {dimensions = array<i32: 0>} : vector<20480x1xi32>
    %jit3A = arith.constant 10240 : i32
    %eq3A = arith.constant 0 : i32
    %eq3A_14 = arith.cmpi eq, %jit3A, %eq3A : i32
    %jit3A_15 = arith.constant 1 : i32
    %select_n3A = arith.select %eq3A_14, %jit3A_15, %jit3A : i32
    %rem3A = vector.broadcast %select_n3A : i32 to vector<20480x1xi32>
    %rem3A_16 = arith.remsi %iota3A, %rem3A : vector<20480x1xi32>
    %ne3A = arith.constant 0 : i32
    %ne3A_17 = vector.broadcast %ne3A : i32 to vector<20480x1xi32>
    %ne3A_18 = arith.cmpi ne, %rem3A_16, %ne3A_17 : vector<20480x1xi32>
    %lt3A = arith.constant 0 : i32
    %lt3A_19 = vector.broadcast %lt3A : i32 to vector<20480x1xi32>
    %lt3A_20 = arith.cmpi slt, %rem3A_16, %lt3A_19 : vector<20480x1xi32>
    %lt3A_21 = arith.constant 0 : i32
    %lt3A_22 = arith.cmpi slt, %select_n3A, %lt3A_21 : i32
    %ne3A_23 = vector.broadcast %lt3A_22 : i1 to vector<20480x1xi1>
    %ne3A_24 = vector.broadcast %ne3A_23 : vector<20480x1xi1> to vector<20480x1xi1>
    %ne3A_25 = arith.xori %lt3A_20, %ne3A_24 : vector<20480x1xi1>
    %and3A = arith.andi %ne3A_25, %ne3A_18 : vector<20480x1xi1>
    %add3A_26 = vector.broadcast %select_n3A : i32 to vector<20480x1xi32>
    %add3A_27 = arith.addi %rem3A_16, %add3A_26 : vector<20480x1xi32>
    %select_n3A_28 = arith.select %and3A, %add3A_27, %rem3A_16 : vector<20480x1xi1>, vector<20480x1xi32>
    %lt3A_29 = arith.constant 10000 : i32
    %lt3A_30 = vector.broadcast %lt3A_29 : i32 to vector<20480x1xi32>
    %lt3A_31 = arith.cmpi slt, %select_n3A_28, %lt3A_30 : vector<20480x1xi32>
    %jit3A_32 = arith.constant 0.000000e+00 : f32
    %broadcast_in_dim3A = vector.shape_cast %lt3A_31 : vector<20480x1xi1> to vector<20480x1xi1>
    %broadcast_in_dim3A_33 = vector.broadcast %broadcast_in_dim3A : vector<20480x1xi1> to vector<20480x128xi1>
    %broadcast_in_dim3A_34 = vector.broadcast %jit3A_32 : f32 to vector<20480x128xf32>
    %select_n3A_35 = arith.select %broadcast_in_dim3A_33, %add3A_13, %broadcast_in_dim3A_34 : vector<20480x128xi1>, vector<20480x128xf32>
    %swap3A = arith.constant 0 : index
    %swap3A_36 = arith.constant 0 : index
    %swap3A_37 = vector.load %arg4[%swap3A, %swap3A_36] : memref<20480x128xf32, #tpu.memory_space<vmem>>, vector<20480x128xf32>
    tpu.vector_store %arg4[%swap3A, %swap3A_36], %select_n3A_35 {strides = array<i32>} : memref<20480x128xf32, #tpu.memory_space<vmem>>, vector<20480x128xf32>,
    return
  }
}

module attributes {stable_mosaic.version = 14 : i64} {
  func.func @body(%arg0: i32, %arg1: i32, %arg2: memref<1024x32xf32, #tpu.memory_space<vmem>>, %arg3: memref<32x1024xf32, #tpu.memory_space<vmem>>, %arg4: memref<1x1xf32, #tpu.memory_space<vmem>>, %arg5: memref<1x1xf32, #tpu.memory_space<vmem>>) attributes {dimension_semantics = [#tpu.dimension_semantics<arbitrary>, #tpu.dimension_semantics<arbitrary>], iteration_bounds = array<i64: 10, 10>, scalar_prefetch = 0 : i64, scratch_operands = 0 : i64, tpu.core_type = #tpu.core_type<tc>, window_params = [{transform_indices = @transform_0, window_bounds = array<i64: 1024, 32>}, {transform_indices = @transform_1, window_bounds = array<i64: 32, 1024>}, {pipeline_mode = #tpu.pipeline_mode<synchronous>, transform_indices = @transform_2, window_bounds = array<i64: 1, 1>}, {pipeline_mode = #tpu.pipeline_mode<synchronous>, transform_indices = @transform_3, window_bounds = array<i64: 1, 1>}]} {
    %get3A = arith.constant 0 : index
    %get3A_0 = arith.constant 0 : index
    %get3A_1 = vector.load %arg2[%get3A, %get3A_0] : memref<1024x32xf32, #tpu.memory_space<vmem>>, vector<1024x32xf32>
    %get3A_2 = arith.constant 0 : index
    %get3A_3 = arith.constant 0 : index
    %get3A_4 = vector.load %arg3[%get3A_2, %get3A_3] : memref<32x1024xf32, #tpu.memory_space<vmem>>, vector<32x1024xf32>
    %dot_general3A = arith.constant dense<0.000000e+00> : vector<1024x1024xf32>
    %dot_general3A_5 = tpu.matmul %get3A_1, %get3A_4, %dot_general3A {dimension_numbers = #tpu.dot_dimension_numbers<[1], [0], [0], [1], [0, 0, 1, 1], [], []>, transpose_lhs_hint = false} : vector<1024x32xf32>, vector<32x1024xf32>, vector<1024x1024xf32> -> vector<1024x1024xf32>
    %iota3A = tpu.iota {dimensions = array<i32: 0>} : vector<1024x1xi32>
    %mul3A = arith.constant 1024 : i32
    %mul3A_6 = arith.muli %arg0, %mul3A : i32
    %add3A = vector.broadcast %mul3A_6 : i32 to vector<1024x1xi32>
    %add3A_7 = arith.addi %iota3A, %add3A : vector<1024x1xi32>
    %lt3A = arith.constant 10000 : i32
    %lt3A_8 = vector.broadcast %lt3A : i32 to vector<1024x1xi32>
    %lt3A_9 = arith.cmpi slt, %add3A_7, %lt3A_8 : vector<1024x1xi32>
    %iota3A_10 = tpu.iota {dimensions = array<i32: 1>} : vector<1x1024xi32>
    %mul3A_11 = arith.constant 1024 : i32
    %mul3A_12 = arith.muli %arg1, %mul3A_11 : i32
    %add3A_13 = vector.broadcast %mul3A_12 : i32 to vector<1x1024xi32>
    %add3A_14 = arith.addi %iota3A_10, %add3A_13 : vector<1x1024xi32>
    %lt3A_15 = arith.constant 10000 : i32
    %lt3A_16 = vector.broadcast %lt3A_15 : i32 to vector<1x1024xi32>
    %lt3A_17 = arith.cmpi slt, %add3A_14, %lt3A_16 : vector<1x1024xi32>
    %and3A = vector.broadcast %lt3A_9 : vector<1024x1xi1> to vector<1024x1024xi1>
    %and3A_18 = vector.broadcast %lt3A_17 : vector<1x1024xi1> to vector<1024x1024xi1>
    %and3A_19 = arith.andi %and3A, %and3A_18 : vector<1024x1024xi1>
    %jit3A = arith.constant 0x7F800000 : f32
    %broadcast_in_dim3A = vector.broadcast %jit3A : f32 to vector<1024x1024xf32>
    %select_n3A = arith.select %and3A_19, %dot_general3A_5, %broadcast_in_dim3A : vector<1024x1024xi1>, vector<1024x1024xf32>
    %reduce_min3A = vector.shape_cast %select_n3A : vector<1024x1024xf32> to vector<1x1024x1024xf32>
    %reduce_min3A_20 = arith.constant dense<0x7F800000> : vector<1xf32>
    %reduce_min3A_21 = vector.multi_reduction <minimumf>, %reduce_min3A, %reduce_min3A_20 [1, 2] : vector<1x1024x1024xf32> to vector<1xf32>
    %reduce_min3A_22 = vector.shape_cast %reduce_min3A_21 : vector<1xf32> to vector<1x1x1xf32>
    %reduce_min3A_23 = vector.extract %reduce_min3A_22[0, 0, 0] : f32 from vector<1x1x1xf32>
    %broadcast_in_dim3A_24 = vector.broadcast %reduce_min3A_23 : f32 to vector<1x1xf32>
    %jit3A_25 = arith.constant 0xFF800000 : f32
    %broadcast_in_dim3A_26 = vector.broadcast %jit3A_25 : f32 to vector<1024x1024xf32>
    %select_n3A_27 = arith.select %and3A_19, %dot_general3A_5, %broadcast_in_dim3A_26 : vector<1024x1024xi1>, vector<1024x1024xf32>
    %reduce_max3A = vector.shape_cast %select_n3A_27 : vector<1024x1024xf32> to vector<1x1024x1024xf32>
    %reduce_max3A_28 = arith.constant dense<0xFF800000> : vector<1xf32>
    %reduce_max3A_29 = vector.multi_reduction <maximumf>, %reduce_max3A, %reduce_max3A_28 [1, 2] : vector<1x1024x1024xf32> to vector<1xf32>
    %reduce_max3A_30 = vector.shape_cast %reduce_max3A_29 : vector<1xf32> to vector<1x1x1xf32>
    %reduce_max3A_31 = vector.extract %reduce_max3A_30[0, 0, 0] : f32 from vector<1x1x1xf32>
    %broadcast_in_dim3A_32 = vector.broadcast %reduce_max3A_31 : f32 to vector<1x1xf32>
    %eq3A = arith.constant 0 : i32
    %eq3A_33 = arith.cmpi eq, %arg0, %eq3A : i32
    %eq3A_34 = arith.constant 0 : i32
    %eq3A_35 = arith.cmpi eq, %arg1, %eq3A_34 : i32
    %and3A_36 = arith.andi %eq3A_33, %eq3A_35 : i1
    %convert_element_type3A = arith.extui %and3A_36 : i1 to i32
    %cond3A = arith.constant 0 : i32
    %cond3A_37 = arith.cmpi ne, %convert_element_type3A, %cond3A : i32
    scf.if %cond3A_37 {
      %swap3A = arith.constant 0 : index
      %swap3A_44 = arith.constant 0 : index
      %swap3A_45 = vector.load %arg4[%swap3A, %swap3A_44] : memref<1x1xf32, #tpu.memory_space<vmem>>, vector<1x1xf32>
      tpu.vector_store %arg4[%swap3A, %swap3A_44], %broadcast_in_dim3A_24 {strides = array<i32>} : memref<1x1xf32, #tpu.memory_space<vmem>>, vector<1x1xf32>,
      %swap3A_46 = arith.constant 0 : index
      %swap3A_47 = arith.constant 0 : index
      %swap3A_48 = vector.load %arg5[%swap3A_46, %swap3A_47] : memref<1x1xf32, #tpu.memory_space<vmem>>, vector<1x1xf32>
      tpu.vector_store %arg5[%swap3A_46, %swap3A_47], %broadcast_in_dim3A_32 {strides = array<i32>} : memref<1x1xf32, #tpu.memory_space<vmem>>, vector<1x1xf32>,
    } else {
    }
    %ne3A = arith.constant 0 : i32
    %ne3A_38 = arith.cmpi ne, %arg0, %ne3A : i32
    %ne3A_39 = arith.constant 0 : i32
    %ne3A_40 = arith.cmpi ne, %arg1, %ne3A_39 : i32
    %or3A = arith.ori %ne3A_38, %ne3A_40 : i1
    %convert_element_type3A_41 = arith.extui %or3A : i1 to i32
    %cond3A_42 = arith.constant 0 : i32
    %cond3A_43 = arith.cmpi ne, %convert_element_type3A_41, %cond3A_42 : i32
    scf.if %cond3A_43 {
      %get3A_44 = arith.constant 0 : index
      %get3A_45 = arith.constant 0 : index
      %get3A_46 = vector.load %arg4[%get3A_44, %get3A_45] : memref<1x1xf32, #tpu.memory_space<vmem>>, vector<1x1xf32>
      %min3A = arith.minimumf %get3A_46, %broadcast_in_dim3A_24 : vector<1x1xf32>
      %swap3A = arith.constant 0 : index
      %swap3A_47 = arith.constant 0 : index
      %swap3A_48 = vector.load %arg4[%swap3A, %swap3A_47] : memref<1x1xf32, #tpu.memory_space<vmem>>, vector<1x1xf32>
      tpu.vector_store %arg4[%swap3A, %swap3A_47], %min3A {strides = array<i32>} : memref<1x1xf32, #tpu.memory_space<vmem>>, vector<1x1xf32>,
      %get3A_49 = arith.constant 0 : index
      %get3A_50 = arith.constant 0 : index
      %get3A_51 = vector.load %arg5[%get3A_49, %get3A_50] : memref<1x1xf32, #tpu.memory_space<vmem>>, vector<1x1xf32>
      %max3A = arith.maximumf %get3A_51, %broadcast_in_dim3A_32 : vector<1x1xf32>
      %swap3A_52 = arith.constant 0 : index
      %swap3A_53 = arith.constant 0 : index
      %swap3A_54 = vector.load %arg5[%swap3A_52, %swap3A_53] : memref<1x1xf32, #tpu.memory_space<vmem>>, vector<1x1xf32>
      tpu.vector_store %arg5[%swap3A_52, %swap3A_53], %max3A {strides = array<i32>} : memref<1x1xf32, #tpu.memory_space<vmem>>, vector<1x1xf32>,
    } else {
    }
    return
  }
  func.func @transform_0(%arg0: i32, %arg1: i32) -> (i32, i32) {
    %c0_i32 = arith.constant 0 : i32
    %c0_i32_0 = arith.constant 0 : i32
    return %arg0, %c0_i32 : i32, i32
  }
  func.func @transform_1(%arg0: i32, %arg1: i32) -> (i32, i32) {
    %c0_i32 = arith.constant 0 : i32
    %c0_i32_0 = arith.constant 0 : i32
    return %c0_i32, %arg1 : i32, i32
  }
  func.func @transform_2(%arg0: i32, %arg1: i32) -> (i32, i32) {
    %c0_i32 = arith.constant 0 : i32
    %c0_i32_0 = arith.constant 0 : i32
    %c0_i32_1 = arith.constant 0 : i32
    return %c0_i32, %c0_i32_0 : i32, i32
  }
  func.func @transform_3(%arg0: i32, %arg1: i32) -> (i32, i32) {
    %c0_i32 = arith.constant 0 : i32
    %c0_i32_0 = arith.constant 0 : i32
    %c0_i32_1 = arith.constant 0 : i32
    return %c0_i32, %c0_i32_0 : i32, i32
  }
}

module attributes {stable_mosaic.version = 14 : i64} {
  func.func @body(%arg0: i32, %arg1: i32, %arg2: memref<1024x32xf32, #tpu.memory_space<vmem>>, %arg3: memref<32x1024xf32, #tpu.memory_space<vmem>>, %arg4: memref<1x1xf32, #tpu.memory_space<vmem>>, %arg5: memref<1x1xf32, #tpu.memory_space<vmem>>, %arg6: memref<1x16xf32, #tpu.memory_space<vmem>>) attributes {dimension_semantics = [#tpu.dimension_semantics<arbitrary>, #tpu.dimension_semantics<arbitrary>], iteration_bounds = array<i64: 10, 10>, scalar_prefetch = 0 : i64, scratch_operands = 0 : i64, tpu.core_type = #tpu.core_type<tc>, window_params = [{transform_indices = @transform_0, window_bounds = array<i64: 1024, 32>}, {transform_indices = @transform_1, window_bounds = array<i64: 32, 1024>}, {pipeline_mode = #tpu.pipeline_mode<synchronous>, transform_indices = @transform_2, window_bounds = array<i64: 1, 1>}, {pipeline_mode = #tpu.pipeline_mode<synchronous>, transform_indices = @transform_3, window_bounds = array<i64: 1, 1>}, {pipeline_mode = #tpu.pipeline_mode<synchronous>, transform_indices = @transform_4, window_bounds = array<i64: 1, 16>}]} {
    %get3A = arith.constant 0 : index
    %get3A_0 = arith.constant 0 : index
    %get3A_1 = vector.load %arg4[%get3A, %get3A_0] : memref<1x1xf32, #tpu.memory_space<vmem>>, vector<1x1xf32>
    %get3A_2 = vector.extract %get3A_1[0, 0] : f32 from vector<1x1xf32>
    %get3A_3 = arith.constant 0 : index
    %get3A_4 = arith.constant 0 : index
    %get3A_5 = vector.load %arg5[%get3A_3, %get3A_4] : memref<1x1xf32, #tpu.memory_space<vmem>>, vector<1x1xf32>
    %get3A_6 = vector.extract %get3A_5[0, 0] : f32 from vector<1x1xf32>
    %sub3A = arith.subf %get3A_6, %get3A_2 : f32
    %max3A = arith.constant 1.000000e-30 : f32
    %max3A_7 = arith.maximumf %sub3A, %max3A : f32
    %div3A = arith.constant 1.600000e+01 : f32
    %div3A_8 = arith.divf %div3A, %max3A_7 : f32
    %get3A_9 = arith.constant 0 : index
    %get3A_10 = arith.constant 0 : index
    %get3A_11 = vector.load %arg2[%get3A_9, %get3A_10] : memref<1024x32xf32, #tpu.memory_space<vmem>>, vector<1024x32xf32>
    %get3A_12 = arith.constant 0 : index
    %get3A_13 = arith.constant 0 : index
    %get3A_14 = vector.load %arg3[%get3A_12, %get3A_13] : memref<32x1024xf32, #tpu.memory_space<vmem>>, vector<32x1024xf32>
    %dot_general3A = arith.constant dense<0.000000e+00> : vector<1024x1024xf32>
    %dot_general3A_15 = tpu.matmul %get3A_11, %get3A_14, %dot_general3A {dimension_numbers = #tpu.dot_dimension_numbers<[1], [0], [0], [1], [0, 0, 1, 1], [], []>, transpose_lhs_hint = false} : vector<1024x32xf32>, vector<32x1024xf32>, vector<1024x1024xf32> -> vector<1024x1024xf32>
    %sub3A_16 = vector.broadcast %get3A_2 : f32 to vector<1024x1024xf32>
    %sub3A_17 = arith.subf %dot_general3A_15, %sub3A_16 : vector<1024x1024xf32>
    %mul3A = vector.broadcast %div3A_8 : f32 to vector<1024x1024xf32>
    %mul3A_18 = arith.mulf %sub3A_17, %mul3A : vector<1024x1024xf32>
    %iota3A = tpu.iota {dimensions = array<i32: 0>} : vector<1024x1xi32>
    %mul3A_19 = arith.constant 1024 : i32
    %mul3A_20 = arith.muli %arg0, %mul3A_19 : i32
    %add3A = vector.broadcast %mul3A_20 : i32 to vector<1024x1xi32>
    %add3A_21 = arith.addi %iota3A, %add3A : vector<1024x1xi32>
    %lt3A = arith.constant 10000 : i32
    %lt3A_22 = vector.broadcast %lt3A : i32 to vector<1024x1xi32>
    %lt3A_23 = arith.cmpi slt, %add3A_21, %lt3A_22 : vector<1024x1xi32>
    %iota3A_24 = tpu.iota {dimensions = array<i32: 1>} : vector<1x1024xi32>
    %mul3A_25 = arith.constant 1024 : i32
    %mul3A_26 = arith.muli %arg1, %mul3A_25 : i32
    %add3A_27 = vector.broadcast %mul3A_26 : i32 to vector<1x1024xi32>
    %add3A_28 = arith.addi %iota3A_24, %add3A_27 : vector<1x1024xi32>
    %lt3A_29 = arith.constant 10000 : i32
    %lt3A_30 = vector.broadcast %lt3A_29 : i32 to vector<1x1024xi32>
    %lt3A_31 = arith.cmpi slt, %add3A_28, %lt3A_30 : vector<1x1024xi32>
    %and3A = vector.broadcast %lt3A_23 : vector<1024x1xi1> to vector<1024x1024xi1>
    %and3A_32 = vector.broadcast %lt3A_31 : vector<1x1024xi1> to vector<1024x1024xi1>
    %and3A_33 = arith.andi %and3A, %and3A_32 : vector<1024x1024xi1>
    %jit3A = arith.constant -1.000000e+00 : f32
    %broadcast_in_dim3A = vector.broadcast %jit3A : f32 to vector<1024x1024xf32>
    %select_n3A = arith.select %and3A_33, %mul3A_18, %broadcast_in_dim3A : vector<1024x1024xi1>, vector<1024x1024xf32>
    %iota3A_34 = tpu.iota {dimensions = array<i32: 1>} : vector<1x16xi32>
    %eq3A = arith.constant 0 : i32
    %eq3A_35 = vector.broadcast %eq3A : i32 to vector<1x16xi32>
    %eq3A_36 = arith.cmpi eq, %iota3A_34, %eq3A_35 : vector<1x16xi32>
    %jit3A_37 = arith.constant 1.000000e+06 : f32
    %jit3A_38 = arith.constant 0.000000e+00 : f32
    %broadcast_in_dim3A_39 = vector.broadcast %jit3A_37 : f32 to vector<1x16xf32>
    %broadcast_in_dim3A_40 = vector.broadcast %jit3A_38 : f32 to vector<1x16xf32>
    %select_n3A_41 = arith.select %eq3A_36, %broadcast_in_dim3A_39, %broadcast_in_dim3A_40 : vector<1x16xi1>, vector<1x16xf32>
    %ge3A = arith.constant 1.000000e+00 : f32
    %ge3A_42 = vector.broadcast %ge3A : f32 to vector<1024x1024xf32>
    %ge3A_43 = arith.cmpf oge, %select_n3A, %ge3A_42 : vector<1024x1024xf32>
    %jit3A_44 = arith.constant 1.000000e+00 : f32
    %jit3A_45 = arith.constant 0.000000e+00 : f32
    %broadcast_in_dim3A_46 = vector.broadcast %jit3A_44 : f32 to vector<1024x1024xf32>
    %broadcast_in_dim3A_47 = vector.broadcast %jit3A_45 : f32 to vector<1024x1024xf32>
    %select_n3A_48 = arith.select %ge3A_43, %broadcast_in_dim3A_46, %broadcast_in_dim3A_47 : vector<1024x1024xi1>, vector<1024x1024xf32>
    %reduce_sum3A = vector.shape_cast %select_n3A_48 : vector<1024x1024xf32> to vector<1x1024x1024xf32>
    %reduce_sum3A_49 = arith.constant dense<0.000000e+00> : vector<1xf32>
    %reduce_sum3A_50 = vector.multi_reduction <add>, %reduce_sum3A, %reduce_sum3A_49 [1, 2] : vector<1x1024x1024xf32> to vector<1xf32>
    %reduce_sum3A_51 = vector.shape_cast %reduce_sum3A_50 : vector<1xf32> to vector<1x1x1xf32>
    %reduce_sum3A_52 = vector.extract %reduce_sum3A_51[0, 0, 0] : f32 from vector<1x1x1xf32>
    %eq3A_53 = arith.constant 1 : i32
    %eq3A_54 = vector.broadcast %eq3A_53 : i32 to vector<1x16xi32>
    %eq3A_55 = arith.cmpi eq, %iota3A_34, %eq3A_54 : vector<1x16xi32>
    %mul3A_56 = arith.constant 1.000000e+00 : f32
    %mul3A_57 = arith.mulf %mul3A_56, %reduce_sum3A_52 : f32
    %jit3A_58 = arith.constant 0.000000e+00 : f32
    %broadcast_in_dim3A_59 = vector.broadcast %mul3A_57 : f32 to vector<1x16xf32>
    %broadcast_in_dim3A_60 = vector.broadcast %jit3A_58 : f32 to vector<1x16xf32>
    %select_n3A_61 = arith.select %eq3A_55, %broadcast_in_dim3A_59, %broadcast_in_dim3A_60 : vector<1x16xi1>, vector<1x16xf32>
    %add3A_62 = arith.addf %select_n3A_41, %select_n3A_61 : vector<1x16xf32>
    %ge3A_63 = arith.constant 2.000000e+00 : f32
    %ge3A_64 = vector.broadcast %ge3A_63 : f32 to vector<1024x1024xf32>
    %ge3A_65 = arith.cmpf oge, %select_n3A, %ge3A_64 : vector<1024x1024xf32>
    %jit3A_66 = arith.constant 1.000000e+00 : f32
    %jit3A_67 = arith.constant 0.000000e+00 : f32
    %broadcast_in_dim3A_68 = vector.broadcast %jit3A_66 : f32 to vector<1024x1024xf32>
    %broadcast_in_dim3A_69 = vector.broadcast %jit3A_67 : f32 to vector<1024x1024xf32>
    %select_n3A_70 = arith.select %ge3A_65, %broadcast_in_dim3A_68, %broadcast_in_dim3A_69 : vector<1024x1024xi1>, vector<1024x1024xf32>
    %reduce_sum3A_71 = vector.shape_cast %select_n3A_70 : vector<1024x1024xf32> to vector<1x1024x1024xf32>
    %reduce_sum3A_72 = arith.constant dense<0.000000e+00> : vector<1xf32>
    %reduce_sum3A_73 = vector.multi_reduction <add>, %reduce_sum3A_71, %reduce_sum3A_72 [1, 2] : vector<1x1024x1024xf32> to vector<1xf32>
    %reduce_sum3A_74 = vector.shape_cast %reduce_sum3A_73 : vector<1xf32> to vector<1x1x1xf32>
    %reduce_sum3A_75 = vector.extract %reduce_sum3A_74[0, 0, 0] : f32 from vector<1x1x1xf32>
    %eq3A_76 = arith.constant 2 : i32
    %eq3A_77 = vector.broadcast %eq3A_76 : i32 to vector<1x16xi32>
    %eq3A_78 = arith.cmpi eq, %iota3A_34, %eq3A_77 : vector<1x16xi32>
    %mul3A_79 = arith.constant 1.000000e+00 : f32
    %mul3A_80 = arith.mulf %mul3A_79, %reduce_sum3A_75 : f32
    %jit3A_81 = arith.constant 0.000000e+00 : f32
    %broadcast_in_dim3A_82 = vector.broadcast %mul3A_80 : f32 to vector<1x16xf32>
    %broadcast_in_dim3A_83 = vector.broadcast %jit3A_81 : f32 to vector<1x16xf32>
    %select_n3A_84 = arith.select %eq3A_78, %broadcast_in_dim3A_82, %broadcast_in_dim3A_83 : vector<1x16xi1>, vector<1x16xf32>
    %add3A_85 = arith.addf %add3A_62, %select_n3A_84 : vector<1x16xf32>
    %ge3A_86 = arith.constant 3.000000e+00 : f32
    %ge3A_87 = vector.broadcast %ge3A_86 : f32 to vector<1024x1024xf32>
    %ge3A_88 = arith.cmpf oge, %select_n3A, %ge3A_87 : vector<1024x1024xf32>
    %jit3A_89 = arith.constant 1.000000e+00 : f32
    %jit3A_90 = arith.constant 0.000000e+00 : f32
    %broadcast_in_dim3A_91 = vector.broadcast %jit3A_89 : f32 to vector<1024x1024xf32>
    %broadcast_in_dim3A_92 = vector.broadcast %jit3A_90 : f32 to vector<1024x1024xf32>
    %select_n3A_93 = arith.select %ge3A_88, %broadcast_in_dim3A_91, %broadcast_in_dim3A_92 : vector<1024x1024xi1>, vector<1024x1024xf32>
    %reduce_sum3A_94 = vector.shape_cast %select_n3A_93 : vector<1024x1024xf32> to vector<1x1024x1024xf32>
    %reduce_sum3A_95 = arith.constant dense<0.000000e+00> : vector<1xf32>
    %reduce_sum3A_96 = vector.multi_reduction <add>, %reduce_sum3A_94, %reduce_sum3A_95 [1, 2] : vector<1x1024x1024xf32> to vector<1xf32>
    %reduce_sum3A_97 = vector.shape_cast %reduce_sum3A_96 : vector<1xf32> to vector<1x1x1xf32>
    %reduce_sum3A_98 = vector.extract %reduce_sum3A_97[0, 0, 0] : f32 from vector<1x1x1xf32>
    %eq3A_99 = arith.constant 3 : i32
    %eq3A_100 = vector.broadcast %eq3A_99 : i32 to vector<1x16xi32>
    %eq3A_101 = arith.cmpi eq, %iota3A_34, %eq3A_100 : vector<1x16xi32>
    %mul3A_102 = arith.constant 1.000000e+00 : f32
    %mul3A_103 = arith.mulf %mul3A_102, %reduce_sum3A_98 : f32
    %jit3A_104 = arith.constant 0.000000e+00 : f32
    %broadcast_in_dim3A_105 = vector.broadcast %mul3A_103 : f32 to vector<1x16xf32>
    %broadcast_in_dim3A_106 = vector.broadcast %jit3A_104 : f32 to vector<1x16xf32>
    %select_n3A_107 = arith.select %eq3A_101, %broadcast_in_dim3A_105, %broadcast_in_dim3A_106 : vector<1x16xi1>, vector<1x16xf32>
    %add3A_108 = arith.addf %add3A_85, %select_n3A_107 : vector<1x16xf32>
    %ge3A_109 = arith.constant 4.000000e+00 : f32
    %ge3A_110 = vector.broadcast %ge3A_109 : f32 to vector<1024x1024xf32>
    %ge3A_111 = arith.cmpf oge, %select_n3A, %ge3A_110 : vector<1024x1024xf32>
    %jit3A_112 = arith.constant 1.000000e+00 : f32
    %jit3A_113 = arith.constant 0.000000e+00 : f32
    %broadcast_in_dim3A_114 = vector.broadcast %jit3A_112 : f32 to vector<1024x1024xf32>
    %broadcast_in_dim3A_115 = vector.broadcast %jit3A_113 : f32 to vector<1024x1024xf32>
    %select_n3A_116 = arith.select %ge3A_111, %broadcast_in_dim3A_114, %broadcast_in_dim3A_115 : vector<1024x1024xi1>, vector<1024x1024xf32>
    %reduce_sum3A_117 = vector.shape_cast %select_n3A_116 : vector<1024x1024xf32> to vector<1x1024x1024xf32>
    %reduce_sum3A_118 = arith.constant dense<0.000000e+00> : vector<1xf32>
    %reduce_sum3A_119 = vector.multi_reduction <add>, %reduce_sum3A_117, %reduce_sum3A_118 [1, 2] : vector<1x1024x1024xf32> to vector<1xf32>
    %reduce_sum3A_120 = vector.shape_cast %reduce_sum3A_119 : vector<1xf32> to vector<1x1x1xf32>
    %reduce_sum3A_121 = vector.extract %reduce_sum3A_120[0, 0, 0] : f32 from vector<1x1x1xf32>
    %eq3A_122 = arith.constant 4 : i32
    %eq3A_123 = vector.broadcast %eq3A_122 : i32 to vector<1x16xi32>
    %eq3A_124 = arith.cmpi eq, %iota3A_34, %eq3A_123 : vector<1x16xi32>
    %mul3A_125 = arith.constant 1.000000e+00 : f32
    %mul3A_126 = arith.mulf %mul3A_125, %reduce_sum3A_121 : f32
    %jit3A_127 = arith.constant 0.000000e+00 : f32
    %broadcast_in_dim3A_128 = vector.broadcast %mul3A_126 : f32 to vector<1x16xf32>
    %broadcast_in_dim3A_129 = vector.broadcast %jit3A_127 : f32 to vector<1x16xf32>
    %select_n3A_130 = arith.select %eq3A_124, %broadcast_in_dim3A_128, %broadcast_in_dim3A_129 : vector<1x16xi1>, vector<1x16xf32>
    %add3A_131 = arith.addf %add3A_108, %select_n3A_130 : vector<1x16xf32>
    %ge3A_132 = arith.constant 5.000000e+00 : f32
    %ge3A_133 = vector.broadcast %ge3A_132 : f32 to vector<1024x1024xf32>
    %ge3A_134 = arith.cmpf oge, %select_n3A, %ge3A_133 : vector<1024x1024xf32>
    %jit3A_135 = arith.constant 1.000000e+00 : f32
    %jit3A_136 = arith.constant 0.000000e+00 : f32
    %broadcast_in_dim3A_137 = vector.broadcast %jit3A_135 : f32 to vector<1024x1024xf32>
    %broadcast_in_dim3A_138 = vector.broadcast %jit3A_136 : f32 to vector<1024x1024xf32>
    %select_n3A_139 = arith.select %ge3A_134, %broadcast_in_dim3A_137, %broadcast_in_dim3A_138 : vector<1024x1024xi1>, vector<1024x1024xf32>
    %reduce_sum3A_140 = vector.shape_cast %select_n3A_139 : vector<1024x1024xf32> to vector<1x1024x1024xf32>
    %reduce_sum3A_141 = arith.constant dense<0.000000e+00> : vector<1xf32>
    %reduce_sum3A_142 = vector.multi_reduction <add>, %reduce_sum3A_140, %reduce_sum3A_141 [1, 2] : vector<1x1024x1024xf32> to vector<1xf32>
    %reduce_sum3A_143 = vector.shape_cast %reduce_sum3A_142 : vector<1xf32> to vector<1x1x1xf32>
    %reduce_sum3A_144 = vector.extract %reduce_sum3A_143[0, 0, 0] : f32 from vector<1x1x1xf32>
    %eq3A_145 = arith.constant 5 : i32
    %eq3A_146 = vector.broadcast %eq3A_145 : i32 to vector<1x16xi32>
    %eq3A_147 = arith.cmpi eq, %iota3A_34, %eq3A_146 : vector<1x16xi32>
    %mul3A_148 = arith.constant 1.000000e+00 : f32
    %mul3A_149 = arith.mulf %mul3A_148, %reduce_sum3A_144 : f32
    %jit3A_150 = arith.constant 0.000000e+00 : f32
    %broadcast_in_dim3A_151 = vector.broadcast %mul3A_149 : f32 to vector<1x16xf32>
    %broadcast_in_dim3A_152 = vector.broadcast %jit3A_150 : f32 to vector<1x16xf32>
    %select_n3A_153 = arith.select %eq3A_147, %broadcast_in_dim3A_151, %broadcast_in_dim3A_152 : vector<1x16xi1>, vector<1x16xf32>
    %add3A_154 = arith.addf %add3A_131, %select_n3A_153 : vector<1x16xf32>
    %ge3A_155 = arith.constant 6.000000e+00 : f32
    %ge3A_156 = vector.broadcast %ge3A_155 : f32 to vector<1024x1024xf32>
    %ge3A_157 = arith.cmpf oge, %select_n3A, %ge3A_156 : vector<1024x1024xf32>
    %jit3A_158 = arith.constant 1.000000e+00 : f32
    %jit3A_159 = arith.constant 0.000000e+00 : f32
    %broadcast_in_dim3A_160 = vector.broadcast %jit3A_158 : f32 to vector<1024x1024xf32>
    %broadcast_in_dim3A_161 = vector.broadcast %jit3A_159 : f32 to vector<1024x1024xf32>
    %select_n3A_162 = arith.select %ge3A_157, %broadcast_in_dim3A_160, %broadcast_in_dim3A_161 : vector<1024x1024xi1>, vector<1024x1024xf32>
    %reduce_sum3A_163 = vector.shape_cast %select_n3A_162 : vector<1024x1024xf32> to vector<1x1024x1024xf32>
    %reduce_sum3A_164 = arith.constant dense<0.000000e+00> : vector<1xf32>
    %reduce_sum3A_165 = vector.multi_reduction <add>, %reduce_sum3A_163, %reduce_sum3A_164 [1, 2] : vector<1x1024x1024xf32> to vector<1xf32>
    %reduce_sum3A_166 = vector.shape_cast %reduce_sum3A_165 : vector<1xf32> to vector<1x1x1xf32>
    %reduce_sum3A_167 = vector.extract %reduce_sum3A_166[0, 0, 0] : f32 from vector<1x1x1xf32>
    %eq3A_168 = arith.constant 6 : i32
    %eq3A_169 = vector.broadcast %eq3A_168 : i32 to vector<1x16xi32>
    %eq3A_170 = arith.cmpi eq, %iota3A_34, %eq3A_169 : vector<1x16xi32>
    %mul3A_171 = arith.constant 1.000000e+00 : f32
    %mul3A_172 = arith.mulf %mul3A_171, %reduce_sum3A_167 : f32
    %jit3A_173 = arith.constant 0.000000e+00 : f32
    %broadcast_in_dim3A_174 = vector.broadcast %mul3A_172 : f32 to vector<1x16xf32>
    %broadcast_in_dim3A_175 = vector.broadcast %jit3A_173 : f32 to vector<1x16xf32>
    %select_n3A_176 = arith.select %eq3A_170, %broadcast_in_dim3A_174, %broadcast_in_dim3A_175 : vector<1x16xi1>, vector<1x16xf32>
    %add3A_177 = arith.addf %add3A_154, %select_n3A_176 : vector<1x16xf32>
    %ge3A_178 = arith.constant 7.000000e+00 : f32
    %ge3A_179 = vector.broadcast %ge3A_178 : f32 to vector<1024x1024xf32>
    %ge3A_180 = arith.cmpf oge, %select_n3A, %ge3A_179 : vector<1024x1024xf32>
    %jit3A_181 = arith.constant 1.000000e+00 : f32
    %jit3A_182 = arith.constant 0.000000e+00 : f32
    %broadcast_in_dim3A_183 = vector.broadcast %jit3A_181 : f32 to vector<1024x1024xf32>
    %broadcast_in_dim3A_184 = vector.broadcast %jit3A_182 : f32 to vector<1024x1024xf32>
    %select_n3A_185 = arith.select %ge3A_180, %broadcast_in_dim3A_183, %broadcast_in_dim3A_184 : vector<1024x1024xi1>, vector<1024x1024xf32>
    %reduce_sum3A_186 = vector.shape_cast %select_n3A_185 : vector<1024x1024xf32> to vector<1x1024x1024xf32>
    %reduce_sum3A_187 = arith.constant dense<0.000000e+00> : vector<1xf32>
    %reduce_sum3A_188 = vector.multi_reduction <add>, %reduce_sum3A_186, %reduce_sum3A_187 [1, 2] : vector<1x1024x1024xf32> to vector<1xf32>
    %reduce_sum3A_189 = vector.shape_cast %reduce_sum3A_188 : vector<1xf32> to vector<1x1x1xf32>
    %reduce_sum3A_190 = vector.extract %reduce_sum3A_189[0, 0, 0] : f32 from vector<1x1x1xf32>
    %eq3A_191 = arith.constant 7 : i32
    %eq3A_192 = vector.broadcast %eq3A_191 : i32 to vector<1x16xi32>
    %eq3A_193 = arith.cmpi eq, %iota3A_34, %eq3A_192 : vector<1x16xi32>
    %mul3A_194 = arith.constant 1.000000e+00 : f32
    %mul3A_195 = arith.mulf %mul3A_194, %reduce_sum3A_190 : f32
    %jit3A_196 = arith.constant 0.000000e+00 : f32
    %broadcast_in_dim3A_197 = vector.broadcast %mul3A_195 : f32 to vector<1x16xf32>
    %broadcast_in_dim3A_198 = vector.broadcast %jit3A_196 : f32 to vector<1x16xf32>
    %select_n3A_199 = arith.select %eq3A_193, %broadcast_in_dim3A_197, %broadcast_in_dim3A_198 : vector<1x16xi1>, vector<1x16xf32>
    %add3A_200 = arith.addf %add3A_177, %select_n3A_199 : vector<1x16xf32>
    %ge3A_201 = arith.constant 8.000000e+00 : f32
    %ge3A_202 = vector.broadcast %ge3A_201 : f32 to vector<1024x1024xf32>
    %ge3A_203 = arith.cmpf oge, %select_n3A, %ge3A_202 : vector<1024x1024xf32>
    %jit3A_204 = arith.constant 1.000000e+00 : f32
    %jit3A_205 = arith.constant 0.000000e+00 : f32
    %broadcast_in_dim3A_206 = vector.broadcast %jit3A_204 : f32 to vector<1024x1024xf32>
    %broadcast_in_dim3A_207 = vector.broadcast %jit3A_205 : f32 to vector<1024x1024xf32>
    %select_n3A_208 = arith.select %ge3A_203, %broadcast_in_dim3A_206, %broadcast_in_dim3A_207 : vector<1024x1024xi1>, vector<1024x1024xf32>
    %reduce_sum3A_209 = vector.shape_cast %select_n3A_208 : vector<1024x1024xf32> to vector<1x1024x1024xf32>
    %reduce_sum3A_210 = arith.constant dense<0.000000e+00> : vector<1xf32>
    %reduce_sum3A_211 = vector.multi_reduction <add>, %reduce_sum3A_209, %reduce_sum3A_210 [1, 2] : vector<1x1024x1024xf32> to vector<1xf32>
    %reduce_sum3A_212 = vector.shape_cast %reduce_sum3A_211 : vector<1xf32> to vector<1x1x1xf32>
    %reduce_sum3A_213 = vector.extract %reduce_sum3A_212[0, 0, 0] : f32 from vector<1x1x1xf32>
    %eq3A_214 = arith.constant 8 : i32
    %eq3A_215 = vector.broadcast %eq3A_214 : i32 to vector<1x16xi32>
    %eq3A_216 = arith.cmpi eq, %iota3A_34, %eq3A_215 : vector<1x16xi32>
    %mul3A_217 = arith.constant 1.000000e+00 : f32
    %mul3A_218 = arith.mulf %mul3A_217, %reduce_sum3A_213 : f32
    %jit3A_219 = arith.constant 0.000000e+00 : f32
    %broadcast_in_dim3A_220 = vector.broadcast %mul3A_218 : f32 to vector<1x16xf32>
    %broadcast_in_dim3A_221 = vector.broadcast %jit3A_219 : f32 to vector<1x16xf32>
    %select_n3A_222 = arith.select %eq3A_216, %broadcast_in_dim3A_220, %broadcast_in_dim3A_221 : vector<1x16xi1>, vector<1x16xf32>
    %add3A_223 = arith.addf %add3A_200, %select_n3A_222 : vector<1x16xf32>
    %ge3A_224 = arith.constant 9.000000e+00 : f32
    %ge3A_225 = vector.broadcast %ge3A_224 : f32 to vector<1024x1024xf32>
    %ge3A_226 = arith.cmpf oge, %select_n3A, %ge3A_225 : vector<1024x1024xf32>
    %jit3A_227 = arith.constant 1.000000e+00 : f32
    %jit3A_228 = arith.constant 0.000000e+00 : f32
    %broadcast_in_dim3A_229 = vector.broadcast %jit3A_227 : f32 to vector<1024x1024xf32>
    %broadcast_in_dim3A_230 = vector.broadcast %jit3A_228 : f32 to vector<1024x1024xf32>
    %select_n3A_231 = arith.select %ge3A_226, %broadcast_in_dim3A_229, %broadcast_in_dim3A_230 : vector<1024x1024xi1>, vector<1024x1024xf32>
    %reduce_sum3A_232 = vector.shape_cast %select_n3A_231 : vector<1024x1024xf32> to vector<1x1024x1024xf32>
    %reduce_sum3A_233 = arith.constant dense<0.000000e+00> : vector<1xf32>
    %reduce_sum3A_234 = vector.multi_reduction <add>, %reduce_sum3A_232, %reduce_sum3A_233 [1, 2] : vector<1x1024x1024xf32> to vector<1xf32>
    %reduce_sum3A_235 = vector.shape_cast %reduce_sum3A_234 : vector<1xf32> to vector<1x1x1xf32>
    %reduce_sum3A_236 = vector.extract %reduce_sum3A_235[0, 0, 0] : f32 from vector<1x1x1xf32>
    %eq3A_237 = arith.constant 9 : i32
    %eq3A_238 = vector.broadcast %eq3A_237 : i32 to vector<1x16xi32>
    %eq3A_239 = arith.cmpi eq, %iota3A_34, %eq3A_238 : vector<1x16xi32>
    %mul3A_240 = arith.constant 1.000000e+00 : f32
    %mul3A_241 = arith.mulf %mul3A_240, %reduce_sum3A_236 : f32
    %jit3A_242 = arith.constant 0.000000e+00 : f32
    %broadcast_in_dim3A_243 = vector.broadcast %mul3A_241 : f32 to vector<1x16xf32>
    %broadcast_in_dim3A_244 = vector.broadcast %jit3A_242 : f32 to vector<1x16xf32>
    %select_n3A_245 = arith.select %eq3A_239, %broadcast_in_dim3A_243, %broadcast_in_dim3A_244 : vector<1x16xi1>, vector<1x16xf32>
    %add3A_246 = arith.addf %add3A_223, %select_n3A_245 : vector<1x16xf32>
    %ge3A_247 = arith.constant 1.000000e+01 : f32
    %ge3A_248 = vector.broadcast %ge3A_247 : f32 to vector<1024x1024xf32>
    %ge3A_249 = arith.cmpf oge, %select_n3A, %ge3A_248 : vector<1024x1024xf32>
    %jit3A_250 = arith.constant 1.000000e+00 : f32
    %jit3A_251 = arith.constant 0.000000e+00 : f32
    %broadcast_in_dim3A_252 = vector.broadcast %jit3A_250 : f32 to vector<1024x1024xf32>
    %broadcast_in_dim3A_253 = vector.broadcast %jit3A_251 : f32 to vector<1024x1024xf32>
    %select_n3A_254 = arith.select %ge3A_249, %broadcast_in_dim3A_252, %broadcast_in_dim3A_253 : vector<1024x1024xi1>, vector<1024x1024xf32>
    %reduce_sum3A_255 = vector.shape_cast %select_n3A_254 : vector<1024x1024xf32> to vector<1x1024x1024xf32>
    %reduce_sum3A_256 = arith.constant dense<0.000000e+00> : vector<1xf32>
    %reduce_sum3A_257 = vector.multi_reduction <add>, %reduce_sum3A_255, %reduce_sum3A_256 [1, 2] : vector<1x1024x1024xf32> to vector<1xf32>
    %reduce_sum3A_258 = vector.shape_cast %reduce_sum3A_257 : vector<1xf32> to vector<1x1x1xf32>
    %reduce_sum3A_259 = vector.extract %reduce_sum3A_258[0, 0, 0] : f32 from vector<1x1x1xf32>
    %eq3A_260 = arith.constant 10 : i32
    %eq3A_261 = vector.broadcast %eq3A_260 : i32 to vector<1x16xi32>
    %eq3A_262 = arith.cmpi eq, %iota3A_34, %eq3A_261 : vector<1x16xi32>
    %mul3A_263 = arith.constant 1.000000e+00 : f32
    %mul3A_264 = arith.mulf %mul3A_263, %reduce_sum3A_259 : f32
    %jit3A_265 = arith.constant 0.000000e+00 : f32
    %broadcast_in_dim3A_266 = vector.broadcast %mul3A_264 : f32 to vector<1x16xf32>
    %broadcast_in_dim3A_267 = vector.broadcast %jit3A_265 : f32 to vector<1x16xf32>
    %select_n3A_268 = arith.select %eq3A_262, %broadcast_in_dim3A_266, %broadcast_in_dim3A_267 : vector<1x16xi1>, vector<1x16xf32>
    %add3A_269 = arith.addf %add3A_246, %select_n3A_268 : vector<1x16xf32>
    %ge3A_270 = arith.constant 1.100000e+01 : f32
    %ge3A_271 = vector.broadcast %ge3A_270 : f32 to vector<1024x1024xf32>
    %ge3A_272 = arith.cmpf oge, %select_n3A, %ge3A_271 : vector<1024x1024xf32>
    %jit3A_273 = arith.constant 1.000000e+00 : f32
    %jit3A_274 = arith.constant 0.000000e+00 : f32
    %broadcast_in_dim3A_275 = vector.broadcast %jit3A_273 : f32 to vector<1024x1024xf32>
    %broadcast_in_dim3A_276 = vector.broadcast %jit3A_274 : f32 to vector<1024x1024xf32>
    %select_n3A_277 = arith.select %ge3A_272, %broadcast_in_dim3A_275, %broadcast_in_dim3A_276 : vector<1024x1024xi1>, vector<1024x1024xf32>
    %reduce_sum3A_278 = vector.shape_cast %select_n3A_277 : vector<1024x1024xf32> to vector<1x1024x1024xf32>
    %reduce_sum3A_279 = arith.constant dense<0.000000e+00> : vector<1xf32>
    %reduce_sum3A_280 = vector.multi_reduction <add>, %reduce_sum3A_278, %reduce_sum3A_279 [1, 2] : vector<1x1024x1024xf32> to vector<1xf32>
    %reduce_sum3A_281 = vector.shape_cast %reduce_sum3A_280 : vector<1xf32> to vector<1x1x1xf32>
    %reduce_sum3A_282 = vector.extract %reduce_sum3A_281[0, 0, 0] : f32 from vector<1x1x1xf32>
    %eq3A_283 = arith.constant 11 : i32
    %eq3A_284 = vector.broadcast %eq3A_283 : i32 to vector<1x16xi32>
    %eq3A_285 = arith.cmpi eq, %iota3A_34, %eq3A_284 : vector<1x16xi32>
    %mul3A_286 = arith.constant 1.000000e+00 : f32
    %mul3A_287 = arith.mulf %mul3A_286, %reduce_sum3A_282 : f32
    %jit3A_288 = arith.constant 0.000000e+00 : f32
    %broadcast_in_dim3A_289 = vector.broadcast %mul3A_287 : f32 to vector<1x16xf32>
    %broadcast_in_dim3A_290 = vector.broadcast %jit3A_288 : f32 to vector<1x16xf32>
    %select_n3A_291 = arith.select %eq3A_285, %broadcast_in_dim3A_289, %broadcast_in_dim3A_290 : vector<1x16xi1>, vector<1x16xf32>
    %add3A_292 = arith.addf %add3A_269, %select_n3A_291 : vector<1x16xf32>
    %ge3A_293 = arith.constant 1.200000e+01 : f32
    %ge3A_294 = vector.broadcast %ge3A_293 : f32 to vector<1024x1024xf32>
    %ge3A_295 = arith.cmpf oge, %select_n3A, %ge3A_294 : vector<1024x1024xf32>
    %jit3A_296 = arith.constant 1.000000e+00 : f32
    %jit3A_297 = arith.constant 0.000000e+00 : f32
    %broadcast_in_dim3A_298 = vector.broadcast %jit3A_296 : f32 to vector<1024x1024xf32>
    %broadcast_in_dim3A_299 = vector.broadcast %jit3A_297 : f32 to vector<1024x1024xf32>
    %select_n3A_300 = arith.select %ge3A_295, %broadcast_in_dim3A_298, %broadcast_in_dim3A_299 : vector<1024x1024xi1>, vector<1024x1024xf32>
    %reduce_sum3A_301 = vector.shape_cast %select_n3A_300 : vector<1024x1024xf32> to vector<1x1024x1024xf32>
    %reduce_sum3A_302 = arith.constant dense<0.000000e+00> : vector<1xf32>
    %reduce_sum3A_303 = vector.multi_reduction <add>, %reduce_sum3A_301, %reduce_sum3A_302 [1, 2] : vector<1x1024x1024xf32> to vector<1xf32>
    %reduce_sum3A_304 = vector.shape_cast %reduce_sum3A_303 : vector<1xf32> to vector<1x1x1xf32>
    %reduce_sum3A_305 = vector.extract %reduce_sum3A_304[0, 0, 0] : f32 from vector<1x1x1xf32>
    %eq3A_306 = arith.constant 12 : i32
    %eq3A_307 = vector.broadcast %eq3A_306 : i32 to vector<1x16xi32>
    %eq3A_308 = arith.cmpi eq, %iota3A_34, %eq3A_307 : vector<1x16xi32>
    %mul3A_309 = arith.constant 1.000000e+00 : f32
    %mul3A_310 = arith.mulf %mul3A_309, %reduce_sum3A_305 : f32
    %jit3A_311 = arith.constant 0.000000e+00 : f32
    %broadcast_in_dim3A_312 = vector.broadcast %mul3A_310 : f32 to vector<1x16xf32>
    %broadcast_in_dim3A_313 = vector.broadcast %jit3A_311 : f32 to vector<1x16xf32>
    %select_n3A_314 = arith.select %eq3A_308, %broadcast_in_dim3A_312, %broadcast_in_dim3A_313 : vector<1x16xi1>, vector<1x16xf32>
    %add3A_315 = arith.addf %add3A_292, %select_n3A_314 : vector<1x16xf32>
    %ge3A_316 = arith.constant 1.300000e+01 : f32
    %ge3A_317 = vector.broadcast %ge3A_316 : f32 to vector<1024x1024xf32>
    %ge3A_318 = arith.cmpf oge, %select_n3A, %ge3A_317 : vector<1024x1024xf32>
    %jit3A_319 = arith.constant 1.000000e+00 : f32
    %jit3A_320 = arith.constant 0.000000e+00 : f32
    %broadcast_in_dim3A_321 = vector.broadcast %jit3A_319 : f32 to vector<1024x1024xf32>
    %broadcast_in_dim3A_322 = vector.broadcast %jit3A_320 : f32 to vector<1024x1024xf32>
    %select_n3A_323 = arith.select %ge3A_318, %broadcast_in_dim3A_321, %broadcast_in_dim3A_322 : vector<1024x1024xi1>, vector<1024x1024xf32>
    %reduce_sum3A_324 = vector.shape_cast %select_n3A_323 : vector<1024x1024xf32> to vector<1x1024x1024xf32>
    %reduce_sum3A_325 = arith.constant dense<0.000000e+00> : vector<1xf32>
    %reduce_sum3A_326 = vector.multi_reduction <add>, %reduce_sum3A_324, %reduce_sum3A_325 [1, 2] : vector<1x1024x1024xf32> to vector<1xf32>
    %reduce_sum3A_327 = vector.shape_cast %reduce_sum3A_326 : vector<1xf32> to vector<1x1x1xf32>
    %reduce_sum3A_328 = vector.extract %reduce_sum3A_327[0, 0, 0] : f32 from vector<1x1x1xf32>
    %eq3A_329 = arith.constant 13 : i32
    %eq3A_330 = vector.broadcast %eq3A_329 : i32 to vector<1x16xi32>
    %eq3A_331 = arith.cmpi eq, %iota3A_34, %eq3A_330 : vector<1x16xi32>
    %mul3A_332 = arith.constant 1.000000e+00 : f32
    %mul3A_333 = arith.mulf %mul3A_332, %reduce_sum3A_328 : f32
    %jit3A_334 = arith.constant 0.000000e+00 : f32
    %broadcast_in_dim3A_335 = vector.broadcast %mul3A_333 : f32 to vector<1x16xf32>
    %broadcast_in_dim3A_336 = vector.broadcast %jit3A_334 : f32 to vector<1x16xf32>
    %select_n3A_337 = arith.select %eq3A_331, %broadcast_in_dim3A_335, %broadcast_in_dim3A_336 : vector<1x16xi1>, vector<1x16xf32>
    %add3A_338 = arith.addf %add3A_315, %select_n3A_337 : vector<1x16xf32>
    %ge3A_339 = arith.constant 1.400000e+01 : f32
    %ge3A_340 = vector.broadcast %ge3A_339 : f32 to vector<1024x1024xf32>
    %ge3A_341 = arith.cmpf oge, %select_n3A, %ge3A_340 : vector<1024x1024xf32>
    %jit3A_342 = arith.constant 1.000000e+00 : f32
    %jit3A_343 = arith.constant 0.000000e+00 : f32
    %broadcast_in_dim3A_344 = vector.broadcast %jit3A_342 : f32 to vector<1024x1024xf32>
    %broadcast_in_dim3A_345 = vector.broadcast %jit3A_343 : f32 to vector<1024x1024xf32>
    %select_n3A_346 = arith.select %ge3A_341, %broadcast_in_dim3A_344, %broadcast_in_dim3A_345 : vector<1024x1024xi1>, vector<1024x1024xf32>
    %reduce_sum3A_347 = vector.shape_cast %select_n3A_346 : vector<1024x1024xf32> to vector<1x1024x1024xf32>
    %reduce_sum3A_348 = arith.constant dense<0.000000e+00> : vector<1xf32>
    %reduce_sum3A_349 = vector.multi_reduction <add>, %reduce_sum3A_347, %reduce_sum3A_348 [1, 2] : vector<1x1024x1024xf32> to vector<1xf32>
    %reduce_sum3A_350 = vector.shape_cast %reduce_sum3A_349 : vector<1xf32> to vector<1x1x1xf32>
    %reduce_sum3A_351 = vector.extract %reduce_sum3A_350[0, 0, 0] : f32 from vector<1x1x1xf32>
    %eq3A_352 = arith.constant 14 : i32
    %eq3A_353 = vector.broadcast %eq3A_352 : i32 to vector<1x16xi32>
    %eq3A_354 = arith.cmpi eq, %iota3A_34, %eq3A_353 : vector<1x16xi32>
    %mul3A_355 = arith.constant 1.000000e+00 : f32
    %mul3A_356 = arith.mulf %mul3A_355, %reduce_sum3A_351 : f32
    %jit3A_357 = arith.constant 0.000000e+00 : f32
    %broadcast_in_dim3A_358 = vector.broadcast %mul3A_356 : f32 to vector<1x16xf32>
    %broadcast_in_dim3A_359 = vector.broadcast %jit3A_357 : f32 to vector<1x16xf32>
    %select_n3A_360 = arith.select %eq3A_354, %broadcast_in_dim3A_358, %broadcast_in_dim3A_359 : vector<1x16xi1>, vector<1x16xf32>
    %add3A_361 = arith.addf %add3A_338, %select_n3A_360 : vector<1x16xf32>
    %ge3A_362 = arith.constant 1.500000e+01 : f32
    %ge3A_363 = vector.broadcast %ge3A_362 : f32 to vector<1024x1024xf32>
    %ge3A_364 = arith.cmpf oge, %select_n3A, %ge3A_363 : vector<1024x1024xf32>
    %jit3A_365 = arith.constant 1.000000e+00 : f32
    %jit3A_366 = arith.constant 0.000000e+00 : f32
    %broadcast_in_dim3A_367 = vector.broadcast %jit3A_365 : f32 to vector<1024x1024xf32>
    %broadcast_in_dim3A_368 = vector.broadcast %jit3A_366 : f32 to vector<1024x1024xf32>
    %select_n3A_369 = arith.select %ge3A_364, %broadcast_in_dim3A_367, %broadcast_in_dim3A_368 : vector<1024x1024xi1>, vector<1024x1024xf32>
    %reduce_sum3A_370 = vector.shape_cast %select_n3A_369 : vector<1024x1024xf32> to vector<1x1024x1024xf32>
    %reduce_sum3A_371 = arith.constant dense<0.000000e+00> : vector<1xf32>
    %reduce_sum3A_372 = vector.multi_reduction <add>, %reduce_sum3A_370, %reduce_sum3A_371 [1, 2] : vector<1x1024x1024xf32> to vector<1xf32>
    %reduce_sum3A_373 = vector.shape_cast %reduce_sum3A_372 : vector<1xf32> to vector<1x1x1xf32>
    %reduce_sum3A_374 = vector.extract %reduce_sum3A_373[0, 0, 0] : f32 from vector<1x1x1xf32>
    %eq3A_375 = arith.constant 15 : i32
    %eq3A_376 = vector.broadcast %eq3A_375 : i32 to vector<1x16xi32>
    %eq3A_377 = arith.cmpi eq, %iota3A_34, %eq3A_376 : vector<1x16xi32>
    %mul3A_378 = arith.constant 1.000000e+00 : f32
    %mul3A_379 = arith.mulf %mul3A_378, %reduce_sum3A_374 : f32
    %jit3A_380 = arith.constant 0.000000e+00 : f32
    %broadcast_in_dim3A_381 = vector.broadcast %mul3A_379 : f32 to vector<1x16xf32>
    %broadcast_in_dim3A_382 = vector.broadcast %jit3A_380 : f32 to vector<1x16xf32>
    %select_n3A_383 = arith.select %eq3A_377, %broadcast_in_dim3A_381, %broadcast_in_dim3A_382 : vector<1x16xi1>, vector<1x16xf32>
    %add3A_384 = arith.addf %add3A_361, %select_n3A_383 : vector<1x16xf32>
    %eq3A_385 = arith.constant 0 : i32
    %eq3A_386 = arith.cmpi eq, %arg0, %eq3A_385 : i32
    %eq3A_387 = arith.constant 0 : i32
    %eq3A_388 = arith.cmpi eq, %arg1, %eq3A_387 : i32
    %and3A_389 = arith.andi %eq3A_386, %eq3A_388 : i1
    %convert_element_type3A = arith.extui %and3A_389 : i1 to i32
    %cond3A = arith.constant 0 : i32
    %cond3A_390 = arith.cmpi ne, %convert_element_type3A, %cond3A : i32
    scf.if %cond3A_390 {
      %swap3A = arith.constant 0 : index
      %swap3A_397 = arith.constant 0 : index
      %swap3A_398 = vector.load %arg6[%swap3A, %swap3A_397] : memref<1x16xf32, #tpu.memory_space<vmem>>, vector<1x16xf32>
      tpu.vector_store %arg6[%swap3A, %swap3A_397], %add3A_384 {strides = array<i32>} : memref<1x16xf32, #tpu.memory_space<vmem>>, vector<1x16xf32>,
    } else {
    }
    %ne3A = arith.constant 0 : i32
    %ne3A_391 = arith.cmpi ne, %arg0, %ne3A : i32
    %ne3A_392 = arith.constant 0 : i32
    %ne3A_393 = arith.cmpi ne, %arg1, %ne3A_392 : i32
    %or3A = arith.ori %ne3A_391, %ne3A_393 : i1
    %convert_element_type3A_394 = arith.extui %or3A : i1 to i32
    %cond3A_395 = arith.constant 0 : i32
    %cond3A_396 = arith.cmpi ne, %convert_element_type3A_394, %cond3A_395 : i32
    scf.if %cond3A_396 {
      %get3A_397 = arith.constant 0 : index
      %get3A_398 = arith.constant 0 : index
      %get3A_399 = vector.load %arg6[%get3A_397, %get3A_398] : memref<1x16xf32, #tpu.memory_space<vmem>>, vector<1x16xf32>
      %add3A_400 = arith.addf %get3A_399, %add3A_384 : vector<1x16xf32>
      %swap3A = arith.constant 0 : index
      %swap3A_401 = arith.constant 0 : index
      %swap3A_402 = vector.load %arg6[%swap3A, %swap3A_401] : memref<1x16xf32, #tpu.memory_space<vmem>>, vector<1x16xf32>
      tpu.vector_store %arg6[%swap3A, %swap3A_401], %add3A_400 {strides = array<i32>} : memref<1x16xf32, #tpu.memory_space<vmem>>, vector<1x16xf32>,
    } else {
    }
    return
  }
  func.func @transform_0(%arg0: i32, %arg1: i32) -> (i32, i32) {
    %c0_i32 = arith.constant 0 : i32
    %c0_i32_0 = arith.constant 0 : i32
    return %arg0, %c0_i32 : i32, i32
  }
  func.func @transform_1(%arg0: i32, %arg1: i32) -> (i32, i32) {
    %c0_i32 = arith.constant 0 : i32
    %c0_i32_0 = arith.constant 0 : i32
    return %c0_i32, %arg1 : i32, i32
  }
  func.func @transform_2(%arg0: i32, %arg1: i32) -> (i32, i32) {
    %c0_i32 = arith.constant 0 : i32
    %c0_i32_0 = arith.constant 0 : i32
    %c0_i32_1 = arith.constant 0 : i32
    return %c0_i32, %c0_i32_0 : i32, i32
  }
  func.func @transform_3(%arg0: i32, %arg1: i32) -> (i32, i32) {
    %c0_i32 = arith.constant 0 : i32
    %c0_i32_0 = arith.constant 0 : i32
    %c0_i32_1 = arith.constant 0 : i32
    return %c0_i32, %c0_i32_0 : i32, i32
  }
  func.func @transform_4(%arg0: i32, %arg1: i32) -> (i32, i32) {
    %c0_i32 = arith.constant 0 : i32
    %c0_i32_0 = arith.constant 0 : i32
    %c0_i32_1 = arith.constant 0 : i32
    return %c0_i32, %c0_i32_0 : i32, i32
  }
}

module attributes {stable_mosaic.version = 14 : i64} {
  func.func @body(%arg0: memref<10240x32xf32, #tpu.memory_space<vmem>>, %arg1: memref<10240x32xf32, #tpu.memory_space<vmem>>, %arg2: memref<1x16xf32, #tpu.memory_space<vmem>>, %arg3: memref<32x32xf32, #tpu.memory_space<vmem>>, %arg4: memref<512x32xf32, #tpu.memory_space<vmem>>, %arg5: memref<512x16xf32, #tpu.memory_space<vmem>>, %arg6: memref<512x32xf32, #tpu.memory_space<vmem>>, %arg7: memref<16x16xf32, #tpu.memory_space<vmem>>, %arg8: memref<16x64xf32, #tpu.memory_space<vmem>>, %arg9: memref<16x1xf32, #tpu.memory_space<vmem>>, %arg10: memref<16x16xf32, #tpu.memory_space<vmem>>, %arg11: memref<16x16xf32, #tpu.memory_space<vmem>>, %arg12: memref<1x16xf32, #tpu.memory_space<vmem>>, %arg13: memref<16x1xf32, #tpu.memory_space<vmem>>, %arg14: memref<1x1xf32, #tpu.memory_space<vmem>>, %arg15: memref<10240x1xf32, #tpu.memory_space<vmem>>, %arg16: memref<1x1xf32, #tpu.memory_space<vmem>>) attributes {dimension_semantics = [], scalar_prefetch = 0 : i64, scratch_operands = 0 : i64, tpu.core_type = #tpu.core_type<tc>} {
    %get3A = arith.constant 0 : index
    %get3A_0 = arith.constant 0 : index
    %get3A_1 = vector.load %arg0[%get3A, %get3A_0] : memref<10240x32xf32, #tpu.memory_space<vmem>>, vector<10240x32xf32>
    %get3A_2 = arith.constant 0 : index
    %get3A_3 = arith.constant 0 : index
    %get3A_4 = vector.load %arg3[%get3A_2, %get3A_3] : memref<32x32xf32, #tpu.memory_space<vmem>>, vector<32x32xf32>
    %dot_general3A = arith.constant dense<0.000000e+00> : vector<10240x32xf32>
    %dot_general3A_5 = tpu.matmul %get3A_1, %get3A_4, %dot_general3A {dimension_numbers = #tpu.dot_dimension_numbers<[1], [0], [0], [1], [0, 0, 1, 1], [], []>, transpose_lhs_hint = false} : vector<10240x32xf32>, vector<32x32xf32>, vector<10240x32xf32> -> vector<10240x32xf32>
    %get3A_6 = arith.constant 0 : index
    %get3A_7 = arith.constant 0 : index
    %get3A_8 = vector.load %arg15[%get3A_6, %get3A_7] : memref<10240x1xf32, #tpu.memory_space<vmem>>, vector<10240x1xf32>
    %dot_general3A_9 = arith.constant dense<0.000000e+00> : vector<32x1xf32>
    %dot_general3A_10 = tpu.matmul %dot_general3A_5, %get3A_8, %dot_general3A_9 {dimension_numbers = #tpu.dot_dimension_numbers<[0], [0], [1], [1], [0, 1, 1, 1], [], []>, transpose_lhs_hint = false} : vector<10240x32xf32>, vector<10240x1xf32>, vector<32x1xf32> -> vector<32x1xf32>
    %mul3A = arith.constant 9.99999974E-5 : f32
    %mul3A_11 = vector.broadcast %mul3A : f32 to vector<32x1xf32>
    %mul3A_12 = arith.mulf %dot_general3A_10, %mul3A_11 : vector<32x1xf32>
    %tanh3A = math.tanh %mul3A_12 : vector<32x1xf32>
    %dot_general3A_13 = arith.constant dense<0.000000e+00> : vector<10240x1xf32>
    %dot_general3A_14 = tpu.matmul %get3A_1, %tanh3A, %dot_general3A_13 {dimension_numbers = #tpu.dot_dimension_numbers<[1], [0], [0], [1], [0, 0, 1, 1], [], []>, transpose_lhs_hint = false} : vector<10240x32xf32>, vector<32x1xf32>, vector<10240x1xf32> -> vector<10240x1xf32>
    %logistic3A = arith.negf %dot_general3A_14 : vector<10240x1xf32>
    %logistic3A_15 = math.exp %logistic3A : vector<10240x1xf32>
    %logistic3A_16 = arith.constant 1.000000e+00 : f32
    %logistic3A_17 = vector.broadcast %logistic3A_16 : f32 to vector<10240x1xf32>
    %logistic3A_18 = arith.addf %logistic3A_17, %logistic3A_15 : vector<10240x1xf32>
    %logistic3A_19 = arith.divf %logistic3A_17, %logistic3A_18 : vector<10240x1xf32>
    %dot_general3A_20 = arith.constant dense<0.000000e+00> : vector<32x1xf32>
    %dot_general3A_21 = tpu.matmul %get3A_1, %logistic3A_19, %dot_general3A_20 {dimension_numbers = #tpu.dot_dimension_numbers<[0], [0], [1], [1], [0, 1, 1, 1], [], []>, transpose_lhs_hint = false} : vector<10240x32xf32>, vector<10240x1xf32>, vector<32x1xf32> -> vector<32x1xf32>
    %get3A_22 = arith.constant 0 : index
    %get3A_23 = arith.constant 0 : index
    %get3A_24 = vector.load %arg1[%get3A_22, %get3A_23] : memref<10240x32xf32, #tpu.memory_space<vmem>>, vector<10240x32xf32>
    %get3A_25 = arith.constant 0 : index
    %get3A_26 = arith.constant 0 : index
    %get3A_27 = vector.load %arg3[%get3A_25, %get3A_26] : memref<32x32xf32, #tpu.memory_space<vmem>>, vector<32x32xf32>
    %dot_general3A_28 = arith.constant dense<0.000000e+00> : vector<10240x32xf32>
    %dot_general3A_29 = tpu.matmul %get3A_24, %get3A_27, %dot_general3A_28 {dimension_numbers = #tpu.dot_dimension_numbers<[1], [0], [0], [1], [0, 0, 1, 1], [], []>, transpose_lhs_hint = false} : vector<10240x32xf32>, vector<32x32xf32>, vector<10240x32xf32> -> vector<10240x32xf32>
    %get3A_30 = arith.constant 0 : index
    %get3A_31 = arith.constant 0 : index
    %get3A_32 = vector.load %arg15[%get3A_30, %get3A_31] : memref<10240x1xf32, #tpu.memory_space<vmem>>, vector<10240x1xf32>
    %dot_general3A_33 = arith.constant dense<0.000000e+00> : vector<32x1xf32>
    %dot_general3A_34 = tpu.matmul %dot_general3A_29, %get3A_32, %dot_general3A_33 {dimension_numbers = #tpu.dot_dimension_numbers<[0], [0], [1], [1], [0, 1, 1, 1], [], []>, transpose_lhs_hint = false} : vector<10240x32xf32>, vector<10240x1xf32>, vector<32x1xf32> -> vector<32x1xf32>
    %mul3A_35 = arith.constant 9.99999974E-5 : f32
    %mul3A_36 = vector.broadcast %mul3A_35 : f32 to vector<32x1xf32>
    %mul3A_37 = arith.mulf %dot_general3A_34, %mul3A_36 : vector<32x1xf32>
    %tanh3A_38 = math.tanh %mul3A_37 : vector<32x1xf32>
    %dot_general3A_39 = arith.constant dense<0.000000e+00> : vector<10240x1xf32>
    %dot_general3A_40 = tpu.matmul %get3A_24, %tanh3A_38, %dot_general3A_39 {dimension_numbers = #tpu.dot_dimension_numbers<[1], [0], [0], [1], [0, 0, 1, 1], [], []>, transpose_lhs_hint = false} : vector<10240x32xf32>, vector<32x1xf32>, vector<10240x1xf32> -> vector<10240x1xf32>
    %logistic3A_41 = arith.negf %dot_general3A_40 : vector<10240x1xf32>
    %logistic3A_42 = math.exp %logistic3A_41 : vector<10240x1xf32>
    %logistic3A_43 = arith.constant 1.000000e+00 : f32
    %logistic3A_44 = vector.broadcast %logistic3A_43 : f32 to vector<10240x1xf32>
    %logistic3A_45 = arith.addf %logistic3A_44, %logistic3A_42 : vector<10240x1xf32>
    %logistic3A_46 = arith.divf %logistic3A_44, %logistic3A_45 : vector<10240x1xf32>
    %dot_general3A_47 = arith.constant dense<0.000000e+00> : vector<32x1xf32>
    %dot_general3A_48 = tpu.matmul %get3A_24, %logistic3A_46, %dot_general3A_47 {dimension_numbers = #tpu.dot_dimension_numbers<[0], [0], [1], [1], [0, 1, 1, 1], [], []>, transpose_lhs_hint = false} : vector<10240x32xf32>, vector<10240x1xf32>, vector<32x1xf32> -> vector<32x1xf32>
    %get3A_49 = arith.constant 0 : index
    %get3A_50 = arith.constant 0 : index
    %get3A_51 = vector.load %arg4[%get3A_49, %get3A_50] : memref<512x32xf32, #tpu.memory_space<vmem>>, vector<512x32xf32>
    %dot_general3A_52 = arith.constant dense<0.000000e+00> : vector<512x1xf32>
    %dot_general3A_53 = tpu.matmul %get3A_51, %dot_general3A_21, %dot_general3A_52 {dimension_numbers = #tpu.dot_dimension_numbers<[1], [0], [0], [1], [0, 0, 1, 1], [], []>, transpose_lhs_hint = false} : vector<512x32xf32>, vector<32x1xf32>, vector<512x1xf32> -> vector<512x1xf32>
    %get3A_54 = arith.constant 0 : index
    %get3A_55 = arith.constant 0 : index
    %get3A_56 = vector.load %arg6[%get3A_54, %get3A_55] : memref<512x32xf32, #tpu.memory_space<vmem>>, vector<512x32xf32>
    %dot_general3A_57 = arith.constant dense<0.000000e+00> : vector<512x1xf32>
    %dot_general3A_58 = tpu.matmul %get3A_56, %dot_general3A_48, %dot_general3A_57 {dimension_numbers = #tpu.dot_dimension_numbers<[1], [0], [0], [1], [0, 0, 1, 1], [], []>, transpose_lhs_hint = false} : vector<512x32xf32>, vector<32x1xf32>, vector<512x1xf32> -> vector<512x1xf32>
    %mul3A_59 = arith.mulf %dot_general3A_53, %dot_general3A_58 : vector<512x1xf32>
    %get3A_60 = arith.constant 0 : index
    %get3A_61 = arith.constant 0 : index
    %get3A_62 = vector.load %arg5[%get3A_60, %get3A_61] : memref<512x16xf32, #tpu.memory_space<vmem>>, vector<512x16xf32>
    %dot_general3A_63 = arith.constant dense<0.000000e+00> : vector<16x1xf32>
    %dot_general3A_64 = tpu.matmul %get3A_62, %mul3A_59, %dot_general3A_63 {dimension_numbers = #tpu.dot_dimension_numbers<[0], [0], [1], [1], [0, 1, 1, 1], [], []>, transpose_lhs_hint = false} : vector<512x16xf32>, vector<512x1xf32>, vector<16x1xf32> -> vector<16x1xf32>
    %concatenate3A = tpu.concatenate %dot_general3A_21, %dot_general3A_48 in 0 : vector<32x1xf32>, vector<32x1xf32> -> vector<64x1xf32>
    %get3A_65 = arith.constant 0 : index
    %get3A_66 = arith.constant 0 : index
    %get3A_67 = vector.load %arg8[%get3A_65, %get3A_66] : memref<16x64xf32, #tpu.memory_space<vmem>>, vector<16x64xf32>
    %dot_general3A_68 = arith.constant dense<0.000000e+00> : vector<16x1xf32>
    %dot_general3A_69 = tpu.matmul %get3A_67, %concatenate3A, %dot_general3A_68 {dimension_numbers = #tpu.dot_dimension_numbers<[1], [0], [0], [1], [0, 0, 1, 1], [], []>, transpose_lhs_hint = false} : vector<16x64xf32>, vector<64x1xf32>, vector<16x1xf32> -> vector<16x1xf32>
    %add3A = arith.addf %dot_general3A_64, %dot_general3A_69 : vector<16x1xf32>
    %get3A_70 = arith.constant 0 : index
    %get3A_71 = arith.constant 0 : index
    %get3A_72 = vector.load %arg9[%get3A_70, %get3A_71] : memref<16x1xf32, #tpu.memory_space<vmem>>, vector<16x1xf32>
    %add3A_73 = arith.addf %add3A, %get3A_72 : vector<16x1xf32>
    %max3A = arith.constant 0.000000e+00 : f32
    %max3A_74 = vector.broadcast %max3A : f32 to vector<16x1xf32>
    %max3A_75 = arith.maximumf %add3A_73, %max3A_74 : vector<16x1xf32>
    %get3A_76 = arith.constant 0 : index
    %get3A_77 = arith.constant 0 : index
    %get3A_78 = vector.load %arg2[%get3A_76, %get3A_77] : memref<1x16xf32, #tpu.memory_space<vmem>>, vector<1x16xf32>
    %get3A_79 = arith.constant 0 : index
    %get3A_80 = arith.constant 0 : index
    %get3A_81 = vector.load %arg7[%get3A_79, %get3A_80] : memref<16x16xf32, #tpu.memory_space<vmem>>, vector<16x16xf32>
    %dot_general3A_82 = arith.constant dense<0.000000e+00> : vector<1x16xf32>
    %dot_general3A_83 = tpu.matmul %get3A_78, %get3A_81, %dot_general3A_82 {dimension_numbers = #tpu.dot_dimension_numbers<[1], [0], [0], [1], [0, 0, 1, 1], [], []>, transpose_lhs_hint = false} : vector<1x16xf32>, vector<16x16xf32>, vector<1x16xf32> -> vector<1x16xf32>
    %min3A = arith.constant 0x4B800000 : f32
    %min3A_84 = vector.broadcast %min3A : f32 to vector<1x16xf32>
    %min3A_85 = arith.minimumf %dot_general3A_83, %min3A_84 : vector<1x16xf32>
    %reduce_sum3A = vector.shape_cast %min3A_85 : vector<1x16xf32> to vector<1x1x16xf32>
    %reduce_sum3A_86 = arith.constant dense<0.000000e+00> : vector<1xf32>
    %reduce_sum3A_87 = vector.multi_reduction <add>, %reduce_sum3A, %reduce_sum3A_86 [1, 2] : vector<1x1x16xf32> to vector<1xf32>
    %reduce_sum3A_88 = vector.shape_cast %reduce_sum3A_87 : vector<1xf32> to vector<1x1x1xf32>
    %reduce_sum3A_89 = vector.extract %reduce_sum3A_88[0, 0, 0] : f32 from vector<1x1x1xf32>
    %div3A = vector.broadcast %reduce_sum3A_89 : f32 to vector<1x16xf32>
    %div3A_90 = arith.divf %min3A_85, %div3A : vector<1x16xf32>
    %get3A_91 = arith.constant 0 : index
    %get3A_92 = arith.constant 0 : index
    %get3A_93 = vector.load %arg10[%get3A_91, %get3A_92] : memref<16x16xf32, #tpu.memory_space<vmem>>, vector<16x16xf32>
    %dot_general3A_94 = arith.constant dense<0.000000e+00> : vector<1x16xf32>
    %dot_general3A_95 = tpu.matmul %max3A_75, %get3A_93, %dot_general3A_94 {dimension_numbers = #tpu.dot_dimension_numbers<[0], [0], [1], [1], [0, 1, 1, 1], [], []>, transpose_lhs_hint = false} : vector<16x1xf32>, vector<16x16xf32>, vector<1x16xf32> -> vector<1x16xf32>
    %get3A_96 = arith.constant 0 : index
    %get3A_97 = arith.constant 0 : index
    %get3A_98 = vector.load %arg11[%get3A_96, %get3A_97] : memref<16x16xf32, #tpu.memory_space<vmem>>, vector<16x16xf32>
    %dot_general3A_99 = arith.constant dense<0.000000e+00> : vector<1x16xf32>
    %dot_general3A_100 = tpu.matmul %div3A_90, %get3A_98, %dot_general3A_99 {dimension_numbers = #tpu.dot_dimension_numbers<[1], [0], [0], [1], [0, 0, 1, 1], [], []>, transpose_lhs_hint = false} : vector<1x16xf32>, vector<16x16xf32>, vector<1x16xf32> -> vector<1x16xf32>
    %add3A_101 = arith.addf %dot_general3A_95, %dot_general3A_100 : vector<1x16xf32>
    %get3A_102 = arith.constant 0 : index
    %get3A_103 = arith.constant 0 : index
    %get3A_104 = vector.load %arg12[%get3A_102, %get3A_103] : memref<1x16xf32, #tpu.memory_space<vmem>>, vector<1x16xf32>
    %add3A_105 = arith.addf %add3A_101, %get3A_104 : vector<1x16xf32>
    %max3A_106 = arith.constant 0.000000e+00 : f32
    %max3A_107 = vector.broadcast %max3A_106 : f32 to vector<1x16xf32>
    %max3A_108 = arith.maximumf %add3A_105, %max3A_107 : vector<1x16xf32>
    %get3A_109 = arith.constant 0 : index
    %get3A_110 = arith.constant 0 : index
    %get3A_111 = vector.load %arg13[%get3A_109, %get3A_110] : memref<16x1xf32, #tpu.memory_space<vmem>>, vector<16x1xf32>
    %dot_general3A_112 = arith.constant dense<0.000000e+00> : vector<1x1xf32>
    %dot_general3A_113 = tpu.matmul %max3A_108, %get3A_111, %dot_general3A_112 {dimension_numbers = #tpu.dot_dimension_numbers<[1], [0], [0], [1], [0, 0, 1, 1], [], []>, transpose_lhs_hint = false} : vector<1x16xf32>, vector<16x1xf32>, vector<1x1xf32> -> vector<1x1xf32>
    %get3A_114 = arith.constant 0 : index
    %get3A_115 = arith.constant 0 : index
    %get3A_116 = vector.load %arg14[%get3A_114, %get3A_115] : memref<1x1xf32, #tpu.memory_space<vmem>>, vector<1x1xf32>
    %add3A_117 = arith.addf %dot_general3A_113, %get3A_116 : vector<1x1xf32>
    %logistic3A_118 = arith.negf %add3A_117 : vector<1x1xf32>
    %logistic3A_119 = math.exp %logistic3A_118 : vector<1x1xf32>
    %logistic3A_120 = arith.constant 1.000000e+00 : f32
    %logistic3A_121 = vector.broadcast %logistic3A_120 : f32 to vector<1x1xf32>
    %logistic3A_122 = arith.addf %logistic3A_121, %logistic3A_119 : vector<1x1xf32>
    %logistic3A_123 = arith.divf %logistic3A_121, %logistic3A_122 : vector<1x1xf32>
    %swap3A = arith.constant 0 : index
    %swap3A_124 = arith.constant 0 : index
    %swap3A_125 = vector.load %arg16[%swap3A, %swap3A_124] : memref<1x1xf32, #tpu.memory_space<vmem>>, vector<1x1xf32>
    tpu.vector_store %arg16[%swap3A, %swap3A_124], %logistic3A_123 {strides = array<i32>} : memref<1x1xf32, #tpu.memory_space<vmem>>, vector<1x1xf32>,
    return
  }
}

</mosaic_0001>

<sc_bundles>
// kernel: kernel.14.cloned.1.call-start
scs
__scs_entry_jumppad:
0x0: {  	(pc) =	sbr.rel $0x88, $3  }
0x1: {  	(tag) =	ssettag $0x0;
	lr =	simm.s32 $0x1  }
0x2: {  	[smem:$0x3F8F] =	sst lr;
	_ =	strace $0xD0000000  }
0x3: {  	_ = 	snop  }
0x4: {  	_ = 	snop  }
0x5: {  	_ = 	snop  }
0x6: {  	_ = 	snop  }
0x7: {  	_ = 	snop  }
__scs_overlays_trampoline_lowered:
0x8: {  	[smem:$0x3F9E] =	sst s0  }
0x9: {  	[smem:$0x3F9F] =	sst s1  }
0xa: {  	[smem:$0x3FA0] =	sst s2  }
0xb: {  	[smem:$0x3FA1] =	sst s3  }
0xc: {  	[smem:$0x3FA2] =	sst s4  }
0xd: {  	[smem:$0x3FA3] =	sst s5  }
0xe: {  	[smem:$0x3FA4] =	sst s6  }
0xf: {  	[smem:$0x3FA5] =	sst s7  }
0x10: {  	[smem:$0x3FA6] =	sst s8  }
0x11: {  	[smem:$0x3FA7] =	sst s9;
	s0 =	simm.s32 @!p0 $0x0  }
0x12: {  	s1 =	sld [smem:$0x3F8D];
	s0 =	simm.s32 @p0 $0x1  }
0x13: {  	[smem:$0x3FA8] =	sst s0;
	s0 =	simm.s32 @!p1 $0x0  }
0x14: {  	s2 =	sld [smem:$0x3F8C];
	s0 =	simm.s32 @p1 $0x1  }
0x15: {  	[smem:$0x3FA9] =	sst s0;
	s0 =	simm.s32 @!p2 $0x0  }
0x16: {  	s3 =	sld [smem:$0x3FDB];
	s0 =	simm.s32 @p2 $0x1  }
0x17: {  	s4 =	simm.s32 $0x1BF5;
	[smem:$0x3FAB] =	sst s0  }
0x18: {  	s0 =	sld [smem:$0x3F8E];
	_ =	swait.ge [sflag:s4], $0x0  }
0x19: {  	s7 =	sld [smem:$0x3F8F]  }
0x1a: {  	s8 =	sadd.s32 $0xFFFFE003, lr  }
0x1b: {  	s9 =	sadd.s32 $0xFFFFFEF7, lr;
	s5 =	simm.s32 $0xFFFFFFFF;
	p2 =	slt.u32 s8, $0xFFFFF086  }
0x1c: {  	p1 =	slt.u32 s9, $0xF7A;
	s5 =	simm.s32 @!p2 $0x0  }
0x1d: {  	s5 =	simm.s32 @p1 $0x1;
	p0 =	seq.s32 s7, s2  }
0x1e: {  	s7 =	smul.u32 @!p0 $0xF7A, s2;
	p2 =	seq.s32 @!p0 s5, $0x0  }
0x1f: {  	s9 =	smul.u32 $0xF7A, s1;
	s8 =	simm.s32 @!p0 $0x1BF5;
	p2 =	por !p2, p0  }
0x20: {  	[sflag:s8] =	ssyncset.s32 @!p0 $0xFFFFF086;
	s6 =	sadd.s32 @!p0 s3, s7;
	s7 =	simm.s32 @!p0 $0x108  }
0x21: {  	s3 =	sadd.s32 s3, s9;
	s6 =	sadd.s32 @!p0 $0x88, s6;
	s7 =	simm.s32 @p2 $0x1082  }
0x22: {  	[simem:s7], [sflag:s8] =	dma.local @!p0 [hbm:s6], $0xF7A  }
0x23: {  	s9 =	sor.u32 $0xD0000000, s2;
	s6 =	simm.s32 $0x108;
	_ =	swait.ge @!p0 [sflag:s8], $0x0  }
0x24: {  	s3 =	sadd.s32 $0x88, s3;
	s6 =	simm.s32 @!p1 $0x1082;
	[sflag:s4] =	ssyncset.s32 $0xFFFFF086  }
0x25: {  	[simem:s6], [sflag:s4] =	dma.local [hbm:s3], $0xF7A  }
0x26: {  	[smem:$0x3F8F] =	sst s1;
	(tag) =	ssettag s2;
	_ =	strace s9  }
0x27: {  	s1 =	sld [smem:$0x3F9F]  }
0x28: {  	s2 =	sld [smem:$0x3FA0]  }
0x29: {  	s4 =	sld [smem:$0x3FA2]  }
0x2a: {  	p0 =	seq.s32 s5, $0x0;
	s5 =	sld [smem:$0x3FA3]  }
0x2b: {  	s6 =	sld [smem:$0x3FA4]  }
0x2c: {  	s7 =	sld [smem:$0x3FA5]  }
0x2d: {  	s3 =	simm.s32 $0x108;
	s8 =	sld [smem:$0x3FA6]  }
0x2e: {  	s3 =	simm.s32 @!p0 $0x1082;
	s9 =	sld [smem:$0x3FA7]  }
0x2f: {  	lr =	sadd.s32 s0, s3;
	s0 =	sld [smem:$0x3F9E]  }
0x30: {  	s3 =	sld [smem:$0x3FA1]  }
0x31: {  	[smem:$0x3FAA] =	sst s10  }
0x32: {  	s10 =	sld [smem:$0x3FA8];
	_ =	sdelay $0x3  }
0x33: {  	p0 =	seq.s32 s10, $0x1;
	s10 =	sld [smem:$0x3FAA];
	_ =	sdelay $0x3  }
0x34: {  	[smem:$0x3FAA] =	sst s10  }
0x35: {  	s10 =	sld [smem:$0x3FA9];
	_ =	sdelay $0x3  }
0x36: {  	p1 =	seq.s32 s10, $0x1;
	s10 =	sld [smem:$0x3FAA];
	_ =	sdelay $0x3  }
0x37: {  	[smem:$0x3FAA] =	sst s10  }
0x38: {  	s10 =	sld [smem:$0x3FAB]  }
0x39: {  	_ = 	snop;
	(pc) =	sbr.ind lr, $3  }
0x3a: {  	_ = 	snop  }
0x3b: {  	_ = 	snop  }
0x3c: {  	p2 =	seq.s32 s10, $0x1;
	s10 =	sld [smem:$0x3FAA]  }
0x3d: {  	_ =	shalt  }
0x3e: {  	_ =	shalt  }
0x3f: {  	_ =	shalt  }
0x40: {  	_ =	shalt  }
0x41: {  	_ =	shalt  }
0x42: {  	_ =	shalt  }
0x43: {  	_ =	shalt  }
0x44: {  	_ =	shalt  }
0x45: {  	_ =	shalt  }
0x46: {  	_ =	shalt  }
0x47: {  	_ =	shalt  }
0x48: {  	_ =	shalt  }
0x49: {  	_ =	shalt  }
0x4a: {  	_ =	shalt  }
0x4b: {  	_ =	shalt  }
0x4c: {  	_ =	shalt  }
0x4d: {  	_ =	shalt  }
0x4e: {  	_ =	shalt  }
0x4f: {  	_ =	shalt  }
0x50: {  	_ =	shalt  }
0x51: {  	_ =	shalt  }
0x52: {  	_ =	shalt  }
0x53: {  	_ =	shalt  }
0x54: {  	_ =	shalt  }
0x55: {  	_ =	shalt  }
0x56: {  	_ =	shalt  }
0x57: {  	_ =	shalt  }
0x58: {  	_ =	shalt  }
0x59: {  	_ =	shalt  }
0x5a: {  	_ =	shalt  }
0x5b: {  	_ =	shalt  }
0x5c: {  	_ =	shalt  }
0x5d: {  	_ =	shalt  }
0x5e: {  	_ =	shalt  }
0x5f: {  	_ =	shalt  }
0x60: {  	_ =	shalt  }
0x61: {  	_ =	shalt  }
0x62: {  	_ =	shalt  }
0x63: {  	_ =	shalt  }
0x64: {  	_ =	shalt  }
0x65: {  	_ =	shalt  }
0x66: {  	_ =	shalt  }
0x67: {  	_ =	shalt  }
0x68: {  	_ =	shalt  }
0x69: {  	_ =	shalt  }
0x6a: {  	_ =	shalt  }
0x6b: {  	_ =	shalt  }
0x6c: {  	_ =	shalt  }
0x6d: {  	_ =	shalt  }
0x6e: {  	_ =	shalt  }
0x6f: {  	_ =	shalt  }
0x70: {  	_ =	shalt  }
0x71: {  	_ =	shalt  }
0x72: {  	_ =	shalt  }
0x73: {  	_ =	shalt  }
0x74: {  	_ =	shalt  }
0x75: {  	_ =	shalt  }
0x76: {  	_ =	shalt  }
0x77: {  	_ =	shalt  }
0x78: {  	_ =	shalt  }
0x79: {  	_ =	shalt  }
0x7a: {  	_ =	shalt  }
0x7b: {  	_ =	shalt  }
0x7c: {  	_ =	shalt  }
0x7d: {  	_ =	shalt  }
0x7e: {  	_ =	shalt  }
0x7f: {  	_ =	shalt  }
0x80: {  	_ =	shalt  }
0x81: {  	_ =	shalt  }
0x82: {  	_ =	shalt  }
0x83: {  	_ =	shalt  }
0x84: {  	_ =	shalt  }
0x85: {  	_ =	shalt  }
0x86: {  	_ =	shalt  }
0x87: {  	_ =	shalt  }
.Lfunc_end0:
.L_simem_size_0:
called_computation_lowered:
.L_overlay_start_0:
0x88: {  	s2 =	sld [smem:$0x3FD9]  }
0x89: {  	s3 =	sld [smem:$0x3FFE];
	_ =	sdelay $0x1  }
0x8a: {  	s1 =	srdreg.scid  }
0x8b: {  	s0 =	sand.u32 $0x1, s1  }
0x8c: {  	s16 =	sshll.u32 s0, $0xA;
	s2 =	sadd.s32 s3, s2  }
0x8d: {  	s2 =	sadd.s32 s2, s16  }
0x8e: {  	[smem:$0x3FB6] =	sst s2  }
0x8f: {  	_ = 	snop  }
0x90: {  	(tm) =	ssettm $0x1  }
0x91: {  	s17 =	sld [smem:$0x3FFB];
	_ =	sdelay $0x3  }
0x92: {  	_ =	strace s17  }
0x93: {  	s2 =	sld [smem:$0x3FFC];
	_ =	sdelay $0x3  }
0x94: {  	_ =	strace s2  }
0x95: {  	s2 =	sld [smem:$0x3FFD];
	_ =	sdelay $0x3  }
0x96: {  	_ =	strace s2  }
0x97: {  	_ =	strace $0x8FFFFFFF  }
0x98: {  	s18 =	sld [smem:$0x3FDB];
	_ =	sdelay $0x1  }
0x99: {  	s19 =	simm.s32 $_scs_section_size  }
0x9a: {  	s4 =	simm.s32 $_size__tile_overlayer_lowered;
	s5 =	simm.s32 $_tile_overlayer_lowered  }
0x9b: {  	s22 =	simm.s32 $0x1BFF;
	s21 =	sshll.u32 s5, $0x1;
	s2 =	sadd.s32 s19, s18  }
0x9c: {  	s6 =	simm.s32 $0x0;
	s20 =	sshll.u32 s4, $0x1;
	s4 =	sadd.s32 s21, s2  }
0x9d: {  	[timem:s6], [sflag:s22] =	dma.local [hbm:s4], s20  }
0x9e: {  	_ =	swait.ge [sflag:s22], s20  }
0x9f: {  	s3 =	ssub.s32 $0x0, s20;
	[sflag:s22] =	ssyncset.done $0x0  }
0xa0: {  	[sflag:s22] =	ssyncadd.s32 s3;
	_ =	sdelay $0x1  }
0xa1: {  	s23 =	simm.s32 $0x1B8B  }
0xa2: {  	_ =	swait.ge [sflag:s23], $0x1  }
0xa3: {  	[sflag:s23] =	ssyncset.done $0x0  }
0xa4: {  	s25 =	simm.s32 $0x1B8E;
	s24 =	sld [smem:$0x3FFE];
	[sflag:s23] =	ssyncadd.s32 $0xFFFFFFFF  }
0xa5: {  	s26 =	simm.s32 $execute0_lowered;
	[smem:$0x3FD2] =	sst s25  }
0xa6: {  	s4 =	sshll.u32 s26, $0x1;
	_ =	strace $0x80000046;
	[dreg:$0x1] =	wrdreg $0xFFFFFFFF  }
0xa7: {  	s28 =	simm.s32 $_size_execute0_lowered;
	s2 =	sadd.s32 s2, s4;
	[dreg:$0x0] =	wrdreg $0x0  }
0xa8: {  	s4 =	sshll.u32 s28, $0x1;
	[dreg:$0x2] =	wrdreg s2  }
0xa9: {  	[dreg:$0x3] =	wrdreg s4  }
0xaa: {  	[dreg:$0x4] =	wrdreg $0xC0  }
0xab: {  	_ =	task [dreg:s6], $0x5FFFF  }
0xac: {  	[dreg:$0x1] =	wrdreg $0xFFFFFFFF  }
0xad: {  	[dreg:$0x0] =	wrdreg $0x60  }
0xae: {  	[dreg:$0x2] =	wrdreg s24  }
0xaf: {  	[dreg:$0x3] =	wrdreg $0x1800  }
0xb0: {  	[dreg:$0x4] =	wrdreg $0x9  }
0xb1: {  	_ =	task.clear_ibuf [dreg:s6], $0x5FFFF;
	_ =	strace $0x90000046  }
0xb2: {  	s29 =	simm.s32 $0x9;
	_ =	strace $0x80000048  }
0xb3: {  	_ =	swait.ge [sflag:s29], $0x1  }
0xb4: {  	[sflag:s29] =	ssyncadd.s32 $0xFFFFFFFF  }
0xb5: {  	_ =	strace $0x90000048  }
0xb6: {  	_ =	sfence  }
0xb7: {  	s30 =	sld [smem:$0x0];
	_ =	sdelay $0x2  }
0xb8: {  	s31 =	sshll.u32 s1, $0xD;
	s1 =	sshrl.u32 s1, $0x2  }
0xb9: {  	s3 =	sand.u32 $0x4000, s31;
	s1 =	sadd.s32 s1, s30  }
0xba: {  	s0 =	sor.u32 s3, s0;
	s1 =	sshll.u32 s1, $0x11  }
0xbb: {  	s0 =	sor.u32 s1, s0  }
0xbc: {  	s0 =	sadd.s32 $0x8F2B, s0  }
0xbd: {  	[sflag:s0] =	ssyncadd.remote.s32 $0x1  }
0xbe: {  	_ =	sfence.sel $0xFFFF  }
0xbf: {  	[dreg:$0x0] =	wrdreg $0xFFFFFFFF;
	(pc) =	sbr.abs _section_cstart, $3  }
0xc0: {  	[dreg:$0x1] =	wrdreg $0xFFFFFFFF  }
0xc1: {  	_ =	task.clear_ibuf [dreg:s6], $0x2FFFF;
	_ =	strace $0x9FFFFFFF  }
0xc2: {  	(tm) =	ssettm $0x7FFFFFFF  }
0xc3: {  	_ =	shalt  }
tec
execute0_lowered:
.L_overlay_start_1:
0x0: {  	(tag) =	ssettag $0x1  }
0x1: {  	s7 =	rddreg [dreg:$0x0]  }
0x2: {  	s2 =	rddreg [dreg:$0x1]  }
0x3: {  	s0 =	rddreg [dreg:$0x2];
	s4 =	srdreg.scid  }
0x4: {  	s1 =	stileid.u32;
	s3 =	simm.s32 $0x0;
	s15 =	simm.s32 $0x3  }
0x5: {  	s16 =	simm.s32 $0x100;
	s17 =	simm.s32 $0x80;
	s18 =	simm.s32 $0x50  }
0x6: {  	s19 =	simm.s32 $0x1;
	s20 =	simm.s32 $0x2;
	s9 =	smul.u32 $0x280, s1  }
0x7: {  	s21 =	simm.s32 $0x0;
	s8 =	sand.u32 $0x1, s4;
	s12 =	smul.u32 $0x4E20, s1  }
0x8: {  	[smem:$0x7FF] =	sst s3;
	s4 =	sadd.s32 $0x17A00, s7;
	s6 =	smul.u32 $0x2800, s8  }
0x9: {  	s5 =	sadd.s32 $0x2B600, s7;
	s10 =	smul.u32 $0x4E200, s8;
	s8 =	ssub.s32 $0x2, s8  }
0xa: {  	s30 =	sshll.u32 s1, $0x6;
	_ =	strace $0x80000047;
	s28 =	sshrl.u32 s8, $0x1  }
0xb: {  	s14 =	sadd.s32 s9, s2;
	s11 =	sadd.s32 s9, s6;
	s6 =	sadd.s32 $0x2B400, s7  }
0xc: {  	s12 =	sadd.s32 s12, s10;
	s29 =	ssub.s32 s8, s28;
	s14 =	sshrl.u32 s14, $0x3  }
0xd: {  	s11 =	sshrl.u32 s11, $0x3;
	s31 =	sshrl.u32 s12, $0x3;
	s10 =	smax.u32 s29, $0x1  }
0xe: {  	s13 =	sadd.s32 $0x50, s12;
	s12 =	sadd.s32 $0xA0, s12;
	s11 =	sadd.s32 s11, s7  }
0xf: {  	s7 =	sor.u32 $0x1C03, s30;
	s8 =	sadd.s32 s4, s31;
	s13 =	sshrl.u32 s13, $0x3  }
0x10: {  	s9 =	sadd.s32 $0x2B800, s11;
	s11 =	sadd.s32 $0x9BA, s8;
	s13 =	sadd.s32 s13, s4  }
.LBB2_1:
0x11: {  	[spmem:s14], [sflag:s7] =	dma.local [hbm:s6], $0x50  }
0x12: {  	_ =	swait.ge [sflag:s15], $0x50  }
0x13: {  	[sflag:s15] =	ssyncset.done $0x0  }
0x14: {  	[sflag:s15] =	ssyncadd.s32 $0xFFFFFFB0  }
0x15: {  	[tilespmem:s16], [sflag:$0x3] =	stream.linear.gather [hbm4b:s5+s3], $0x80, $0x38;
	[tilespmem:$0x400] =	vst v63  }
0x16: {  	_ =	swait.ge [sflag:s15], $0x80  }
0x17: {  	[sflag:s15] =	ssyncset.done $0x0  }
0x18: {  	[sflag:s15] =	ssyncadd.s32 $0xFFFFFF80  }
0x19: {  	[bflag:$0x0] =	sbarrier.arrive $0xFFFF  }
0x1a: {  	[tilespmem:s3], [sflag:$0x3] =	stream.linear.gather [hbm4b:s8+s3], $0x50, $0x38;
	[tilespmem:$0x400] =	vst v63  }
0x1b: {  	_ =	swait.ge [sflag:s15], $0x50  }
0x1c: {  	[sflag:s15] =	ssyncset.done $0x0  }
0x1d: {  	s22 =	sadd.s32 $0x0, s13;
	[sflag:s15] =	ssyncadd.s32 $0xFFFFFFB0  }
0x1e: {  	[tilespmem:s17], [sflag:$0x3] =	stream.linear.gather [hbm4b:s22+s3], $0x50, $0x38;
	[tilespmem:$0x400] =	vst v63  }
0x1f: {  	_ =	swait.ge [sflag:s15], $0x50  }
0x20: {  	[sflag:s15] =	ssyncset.done $0x0  }
0x21: {  	[sflag:s15] =	ssyncadd.s32 $0xFFFFFFB0  }
0x22: {  	[spmem:s2] =	stream.indirect.scatter.add.f32 [tilespmem:s16], [sflag:$0x1], $0x1, s3, s18, $0xb8;
	[tilespmem:$0x400] =	vst v63  }
0x23: {  	_ = 	snop  }
0x24: {  	[spmem:s2] =	stream.indirect.scatter.add.f32 [tilespmem:s16], [sflag:$0x2], $0x1, s17, s18, $0xb8;
	[tilespmem:$0x400] =	vst v63  }
0x25: {  	_ =	swait.ge [sflag:s19], $0x50  }
0x26: {  	s31 =	sshrl.u32 s12, $0x3;
	[sflag:s19] =	ssyncset.done $0x0  }
0x27: {  	s22 =	sadd.s32 s4, s31;
	[sflag:s19] =	ssyncadd.s32 $0xFFFFFFB0  }
0x28: {  	[tilespmem:s3], [sflag:$0x3] =	stream.linear.gather [hbm4b:s22+s3], $0x50, $0x38;
	[tilespmem:$0x400] =	vst v63  }
0x29: {  	_ =	swait.ge [sflag:s15], $0x50  }
0x2a: {  	[sflag:s15] =	ssyncset.done $0x0  }
0x2b: {  	[sflag:s15] =	ssyncadd.s32 $0xFFFFFFB0  }
0x2c: {  	s23 =	simm.s32 $0x14;
	_ =	swait.ge [sflag:s20], $0x50  }
0x2d: {  	s24 =	simm.s32 $0x28;
	s22 =	sadd.s32 $0xA0, s12;
	[sflag:s20] =	ssyncset.done $0x0  }
.LBB2_2:
0x2e: {  	s25 =	sadd.s32 s23, s13  }
0x2f: {  	[sflag:s20] =	ssyncadd.s32 $0xFFFFFFB0;
	s23 =	smov.u32 s24;
	s26 =	sadd.s32 $0x14, s24  }
0x30: {  	[tilespmem:s17], [sflag:$0x3] =	stream.linear.gather [hbm4b:s25+s3], $0x50, $0x38;
	[tilespmem:$0x400] =	vst v63  }
0x31: {  	p0 =	sne.s32 s24, $0x99C;
	_ =	swait.ge [sflag:s15], $0x50  }
0x32: {  	[sflag:s15] =	ssyncset.done $0x0  }
0x33: {  	[sflag:s15] =	ssyncadd.s32 $0xFFFFFFB0  }
0x34: {  	[spmem:s2] =	stream.indirect.scatter.add.f32 [tilespmem:s16], [sflag:$0x1], $0x1, s3, s18, $0xb8;
	[tilespmem:$0x400] =	vst v63  }
0x35: {  	_ = 	snop  }
0x36: {  	[spmem:s2] =	stream.indirect.scatter.add.f32 [tilespmem:s16], [sflag:$0x2], $0x1, s17, s18, $0xb8;
	[tilespmem:$0x400] =	vst v63  }
0x37: {  	_ =	swait.ge [sflag:s19], $0x50  }
0x38: {  	s24 =	sshrl.u32 s22, $0x3;
	[sflag:s19] =	ssyncset.done $0x0  }
0x39: {  	s24 =	sadd.s32 s4, s24;
	[sflag:s19] =	ssyncadd.s32 $0xFFFFFFB0  }
0x3a: {  	[tilespmem:s3], [sflag:$0x3] =	stream.linear.gather [hbm4b:s24+s3], $0x50, $0x38;
	[tilespmem:$0x400] =	vst v63  }
.Ltmp0:
0x3b: {  	_ =	swait.ge [sflag:s15], $0x50;
	(pc) =	sbr.rel @p0 .LBB2_2-.Ltmp0, $4  }
0x3c: {  	[sflag:s15] =	ssyncset.done $0x0  }
0x3d: {  	[sflag:s15] =	ssyncadd.s32 $0xFFFFFFB0  }
0x3e: {  	_ =	swait.ge [sflag:s20], $0x50  }
0x3f: {  	s22 =	sadd.s32 $0xA0, s22;
	s24 =	smov.u32 s26;
	[sflag:s20] =	ssyncset.done $0x0  }
0x40: {  	s23 =	sadd.s32 s23, s13;
	[sflag:s20] =	ssyncadd.s32 $0xFFFFFFB0  }
0x41: {  	[tilespmem:s17], [sflag:$0x3] =	stream.linear.gather [hbm4b:s23+s3], $0x50, $0x38;
	[tilespmem:$0x400] =	vst v63  }
0x42: {  	_ =	swait.ge [sflag:s15], $0x50  }
0x43: {  	[sflag:s15] =	ssyncset.done $0x0  }
0x44: {  	[sflag:s15] =	ssyncadd.s32 $0xFFFFFFB0  }
0x45: {  	[spmem:s2] =	stream.indirect.scatter.add.f32 [tilespmem:s16], [sflag:$0x1], $0x1, s3, s18, $0xb8;
	[tilespmem:$0x400] =	vst v63  }
0x46: {  	_ = 	snop  }
0x47: {  	[spmem:s2] =	stream.indirect.scatter.add.f32 [tilespmem:s16], [sflag:$0x2], $0x1, s17, s18, $0xb8;
	[tilespmem:$0x400] =	vst v63  }
0x48: {  	_ =	swait.ge [sflag:s19], $0x50  }
0x49: {  	s22 =	sshrl.u32 s22, $0x3;
	[sflag:s19] =	ssyncset.done $0x0  }
0x4a: {  	s22 =	sadd.s32 s4, s22;
	[sflag:s19] =	ssyncadd.s32 $0xFFFFFFB0  }
0x4b: {  	[tilespmem:s3], [sflag:$0x3] =	stream.linear.gather [hbm4b:s22+s3], $0x50, $0x38;
	[tilespmem:$0x400] =	vst v63  }
0x4c: {  	_ =	swait.ge [sflag:s15], $0x50  }
0x4d: {  	[sflag:s15] =	ssyncset.done $0x0  }
0x4e: {  	[sflag:s15] =	ssyncadd.s32 $0xFFFFFFB0  }
0x4f: {  	_ =	swait.ge [sflag:s20], $0x50  }
0x50: {  	[sflag:s20] =	ssyncset.done $0x0  }
0x51: {  	[sflag:s20] =	ssyncadd.s32 $0xFFFFFFB0  }
0x52: {  	[tilespmem:s17], [sflag:$0x3] =	stream.linear.gather [hbm4b:s11+s3], $0x50, $0x38;
	[tilespmem:$0x400] =	vst v63  }
0x53: {  	_ =	swait.ge [sflag:s15], $0x50  }
0x54: {  	[sflag:s15] =	ssyncset.done $0x0  }
0x55: {  	[sflag:s15] =	ssyncadd.s32 $0xFFFFFFB0  }
0x56: {  	[spmem:s2] =	stream.indirect.scatter.add.f32 [tilespmem:s16], [sflag:$0x1], $0x1, s3, s18, $0xb8;
	[tilespmem:$0x400] =	vst v63  }
0x57: {  	_ = 	snop  }
0x58: {  	[spmem:s2] =	stream.indirect.scatter.add.f32 [tilespmem:s16], [sflag:$0x2], $0x1, s17, s18, $0xb8;
	[tilespmem:$0x400] =	vst v63  }
0x59: {  	_ =	swait.ge [sflag:s19], $0x50  }
0x5a: {  	[sflag:s19] =	ssyncset.done $0x0  }
0x5b: {  	[sflag:s19] =	ssyncadd.s32 $0xFFFFFFB0  }
0x5c: {  	_ =	swait.ge [sflag:s20], $0x50  }
0x5d: {  	s21 =	sadd.s32 $0x1, s21;
	[sflag:s20] =	ssyncset.done $0x0  }
0x5e: {  	p0 =	sne.s32 s21, s10;
	[sflag:s20] =	ssyncadd.s32 $0xFFFFFFB0  }
.Ltmp1:
0x5f: {  	[bflag:$0x0] =	sbarrier.arrive $0xFFFF;
	(pc) =	sbr.rel @p0 .LBB2_1-.Ltmp1, $4  }
0x60: {  	[hbm:s9], [sflag:s7] =	dma.local [spmem:s14], $0x50  }
0x61: {  	_ =	swait.ge [sflag:s15], $0x50  }
0x62: {  	[sflag:s15] =	ssyncset.done $0x0  }
0x63: {  	[sflag:s15] =	ssyncadd.s32 $0xFFFFFFB0  }
0x64: {  	_ =	sfence.sel $0x180000  }
0x65: {  	[bflag:$0x0] =	sbarrier.arrive $0xFFFF  }
0x66: {  	p0 =	sne.s32 s1, $0x0;
	_ =	strace $0x90000047  }
0x67: {  	s0 =	sadd.s32 @!p0 $0x100000, s0;
	[bflag:$0x2] =	sbarrier.arrive $0xFFFF  }
0x68: {  	[sflag:s0] =	ssyncadd.tile.s32 @!p0 $0x1;
	_ =	shalt  }
.Lfunc_end2:
_tile_overlayer_lowered:
.L_overlay_start_2:
0x69: {  	(tag) =	ssettag $0x2  }
0x6a: {  	s0 =	rddreg [dreg:$0x0];
	s2 =	stileid.u32  }
0x6b: {  	s1 =	rddreg [dreg:$0x1];
	p0 =	sne.s32 s2, $0x0  }
0x6c: {  	s3 =	rddreg [dreg:$0x2];
	[bflag:$0x3] =	sbarrier.arrive $0xFFFF;
	s2 =	simm.s32 @!p0 $0x1C03  }
0x6d: {  	[timem:s3], [sflag:s2] =	dma.local @!p0 [hbm:s0], s1  }
0x6e: {  	s0 =	simm.s32 @!p0 $0x3  }
0x6f: {  	_ =	swait.ge @!p0 [sflag:s0], s1  }
0x70: {  	s1 =	ssub.s32 @!p0 $0x0, s1;
	[sflag:s0] =	ssyncset.done @!p0 $0x0  }
0x71: {  	[sflag:s0] =	ssyncadd.s32 @!p0 s1  }
0x72: {  	[bflag:$0x3] =	sbarrier.arrive $0xFFFF  }
0x73: {  	_ =	shalt  }

// kernel: kernel.17.cloned.1.call-start
scs
__scs_entry_jumppad:
0x0: {  	(pc) =	sbr.rel $0x88, $3  }
0x1: {  	(tag) =	ssettag $0x0;
	lr =	simm.s32 $0x1  }
0x2: {  	[smem:$0x3F8F] =	sst lr;
	_ =	strace $0xD0000000  }
0x3: {  	_ = 	snop  }
0x4: {  	_ = 	snop  }
0x5: {  	_ = 	snop  }
0x6: {  	_ = 	snop  }
0x7: {  	_ = 	snop  }
__scs_overlays_trampoline_lowered:
0x8: {  	[smem:$0x3F9E] =	sst s0  }
0x9: {  	[smem:$0x3F9F] =	sst s1  }
0xa: {  	[smem:$0x3FA0] =	sst s2  }
0xb: {  	[smem:$0x3FA1] =	sst s3  }
0xc: {  	[smem:$0x3FA2] =	sst s4  }
0xd: {  	[smem:$0x3FA3] =	sst s5  }
0xe: {  	[smem:$0x3FA4] =	sst s6  }
0xf: {  	[smem:$0x3FA5] =	sst s7  }
0x10: {  	[smem:$0x3FA6] =	sst s8  }
0x11: {  	[smem:$0x3FA7] =	sst s9;
	s0 =	simm.s32 @!p0 $0x0  }
0x12: {  	s1 =	sld [smem:$0x3F8D];
	s0 =	simm.s32 @p0 $0x1  }
0x13: {  	[smem:$0x3FA8] =	sst s0;
	s0 =	simm.s32 @!p1 $0x0  }
0x14: {  	s2 =	sld [smem:$0x3F8C];
	s0 =	simm.s32 @p1 $0x1  }
0x15: {  	[smem:$0x3FA9] =	sst s0;
	s0 =	simm.s32 @!p2 $0x0  }
0x16: {  	s3 =	sld [smem:$0x3FDB];
	s0 =	simm.s32 @p2 $0x1  }
0x17: {  	s4 =	simm.s32 $0x1BF5;
	[smem:$0x3FAB] =	sst s0  }
0x18: {  	s0 =	sld [smem:$0x3F8E];
	_ =	swait.ge [sflag:s4], $0x0  }
0x19: {  	s7 =	sld [smem:$0x3F8F]  }
0x1a: {  	s8 =	sadd.s32 $0xFFFFE003, lr  }
0x1b: {  	s9 =	sadd.s32 $0xFFFFFEF7, lr;
	s5 =	simm.s32 $0xFFFFFFFF;
	p2 =	slt.u32 s8, $0xFFFFF086  }
0x1c: {  	p1 =	slt.u32 s9, $0xF7A;
	s5 =	simm.s32 @!p2 $0x0  }
0x1d: {  	s5 =	simm.s32 @p1 $0x1;
	p0 =	seq.s32 s7, s2  }
0x1e: {  	s7 =	smul.u32 @!p0 $0xF7A, s2;
	p2 =	seq.s32 @!p0 s5, $0x0  }
0x1f: {  	s9 =	smul.u32 $0xF7A, s1;
	s8 =	simm.s32 @!p0 $0x1BF5;
	p2 =	por !p2, p0  }
0x20: {  	[sflag:s8] =	ssyncset.s32 @!p0 $0xFFFFF086;
	s6 =	sadd.s32 @!p0 s3, s7;
	s7 =	simm.s32 @!p0 $0x108  }
0x21: {  	s3 =	sadd.s32 s3, s9;
	s6 =	sadd.s32 @!p0 $0x88, s6;
	s7 =	simm.s32 @p2 $0x1082  }
0x22: {  	[simem:s7], [sflag:s8] =	dma.local @!p0 [hbm:s6], $0xF7A  }
0x23: {  	s9 =	sor.u32 $0xD0000000, s2;
	s6 =	simm.s32 $0x108;
	_ =	swait.ge @!p0 [sflag:s8], $0x0  }
0x24: {  	s3 =	sadd.s32 $0x88, s3;
	s6 =	simm.s32 @!p1 $0x1082;
	[sflag:s4] =	ssyncset.s32 $0xFFFFF086  }
0x25: {  	[simem:s6], [sflag:s4] =	dma.local [hbm:s3], $0xF7A  }
0x26: {  	[smem:$0x3F8F] =	sst s1;
	(tag) =	ssettag s2;
	_ =	strace s9  }
0x27: {  	s1 =	sld [smem:$0x3F9F]  }
0x28: {  	s2 =	sld [smem:$0x3FA0]  }
0x29: {  	s4 =	sld [smem:$0x3FA2]  }
0x2a: {  	p0 =	seq.s32 s5, $0x0;
	s5 =	sld [smem:$0x3FA3]  }
0x2b: {  	s6 =	sld [smem:$0x3FA4]  }
0x2c: {  	s7 =	sld [smem:$0x3FA5]  }
0x2d: {  	s3 =	simm.s32 $0x108;
	s8 =	sld [smem:$0x3FA6]  }
0x2e: {  	s3 =	simm.s32 @!p0 $0x1082;
	s9 =	sld [smem:$0x3FA7]  }
0x2f: {  	lr =	sadd.s32 s0, s3;
	s0 =	sld [smem:$0x3F9E]  }
0x30: {  	s3 =	sld [smem:$0x3FA1]  }
0x31: {  	[smem:$0x3FAA] =	sst s10  }
0x32: {  	s10 =	sld [smem:$0x3FA8];
	_ =	sdelay $0x3  }
0x33: {  	p0 =	seq.s32 s10, $0x1;
	s10 =	sld [smem:$0x3FAA];
	_ =	sdelay $0x3  }
0x34: {  	[smem:$0x3FAA] =	sst s10  }
0x35: {  	s10 =	sld [smem:$0x3FA9];
	_ =	sdelay $0x3  }
0x36: {  	p1 =	seq.s32 s10, $0x1;
	s10 =	sld [smem:$0x3FAA];
	_ =	sdelay $0x3  }
0x37: {  	[smem:$0x3FAA] =	sst s10  }
0x38: {  	s10 =	sld [smem:$0x3FAB]  }
0x39: {  	_ = 	snop;
	(pc) =	sbr.ind lr, $3  }
0x3a: {  	_ = 	snop  }
0x3b: {  	_ = 	snop  }
0x3c: {  	p2 =	seq.s32 s10, $0x1;
	s10 =	sld [smem:$0x3FAA]  }
0x3d: {  	_ =	shalt  }
0x3e: {  	_ =	shalt  }
0x3f: {  	_ =	shalt  }
0x40: {  	_ =	shalt  }
0x41: {  	_ =	shalt  }
0x42: {  	_ =	shalt  }
0x43: {  	_ =	shalt  }
0x44: {  	_ =	shalt  }
0x45: {  	_ =	shalt  }
0x46: {  	_ =	shalt  }
0x47: {  	_ =	shalt  }
0x48: {  	_ =	shalt  }
0x49: {  	_ =	shalt  }
0x4a: {  	_ =	shalt  }
0x4b: {  	_ =	shalt  }
0x4c: {  	_ =	shalt  }
0x4d: {  	_ =	shalt  }
0x4e: {  	_ =	shalt  }
0x4f: {  	_ =	shalt  }
0x50: {  	_ =	shalt  }
0x51: {  	_ =	shalt  }
0x52: {  	_ =	shalt  }
0x53: {  	_ =	shalt  }
0x54: {  	_ =	shalt  }
0x55: {  	_ =	shalt  }
0x56: {  	_ =	shalt  }
0x57: {  	_ =	shalt  }
0x58: {  	_ =	shalt  }
0x59: {  	_ =	shalt  }
0x5a: {  	_ =	shalt  }
0x5b: {  	_ =	shalt  }
0x5c: {  	_ =	shalt  }
0x5d: {  	_ =	shalt  }
0x5e: {  	_ =	shalt  }
0x5f: {  	_ =	shalt  }
0x60: {  	_ =	shalt  }
0x61: {  	_ =	shalt  }
0x62: {  	_ =	shalt  }
0x63: {  	_ =	shalt  }
0x64: {  	_ =	shalt  }
0x65: {  	_ =	shalt  }
0x66: {  	_ =	shalt  }
0x67: {  	_ =	shalt  }
0x68: {  	_ =	shalt  }
0x69: {  	_ =	shalt  }
0x6a: {  	_ =	shalt  }
0x6b: {  	_ =	shalt  }
0x6c: {  	_ =	shalt  }
0x6d: {  	_ =	shalt  }
0x6e: {  	_ =	shalt  }
0x6f: {  	_ =	shalt  }
0x70: {  	_ =	shalt  }
0x71: {  	_ =	shalt  }
0x72: {  	_ =	shalt  }
0x73: {  	_ =	shalt  }
0x74: {  	_ =	shalt  }
0x75: {  	_ =	shalt  }
0x76: {  	_ =	shalt  }
0x77: {  	_ =	shalt  }
0x78: {  	_ =	shalt  }
0x79: {  	_ =	shalt  }
0x7a: {  	_ =	shalt  }
0x7b: {  	_ =	shalt  }
0x7c: {  	_ =	shalt  }
0x7d: {  	_ =	shalt  }
0x7e: {  	_ =	shalt  }
0x7f: {  	_ =	shalt  }
0x80: {  	_ =	shalt  }
0x81: {  	_ =	shalt  }
0x82: {  	_ =	shalt  }
0x83: {  	_ =	shalt  }
0x84: {  	_ =	shalt  }
0x85: {  	_ =	shalt  }
0x86: {  	_ =	shalt  }
0x87: {  	_ =	shalt  }
.Lfunc_end0:
.L_simem_size_0:
called_computation.1_lowered:
.L_overlay_start_0:
0x88: {  	s2 =	sld [smem:$0x3FD9]  }
0x89: {  	s3 =	sld [smem:$0x3FFE];
	_ =	sdelay $0x1  }
0x8a: {  	s1 =	srdreg.scid  }
0x8b: {  	s0 =	sand.u32 $0x1, s1  }
0x8c: {  	s16 =	sshll.u32 s0, $0xA;
	s2 =	sadd.s32 s3, s2  }
0x8d: {  	s2 =	sadd.s32 s2, s16  }
0x8e: {  	[smem:$0x3FB6] =	sst s2  }
0x8f: {  	_ = 	snop  }
0x90: {  	(tm) =	ssettm $0x1  }
0x91: {  	s17 =	sld [smem:$0x3FFB];
	_ =	sdelay $0x3  }
0x92: {  	_ =	strace s17  }
0x93: {  	s2 =	sld [smem:$0x3FFC];
	_ =	sdelay $0x3  }
0x94: {  	_ =	strace s2  }
0x95: {  	s2 =	sld [smem:$0x3FFD];
	_ =	sdelay $0x3  }
0x96: {  	_ =	strace s2  }
0x97: {  	_ =	strace $0x8FFFFFFF  }
0x98: {  	s18 =	sld [smem:$0x3FDB];
	_ =	sdelay $0x1  }
0x99: {  	s19 =	simm.s32 $_scs_section_size  }
0x9a: {  	s4 =	simm.s32 $_size__tile_overlayer_lowered;
	s5 =	simm.s32 $_tile_overlayer_lowered  }
0x9b: {  	s22 =	simm.s32 $0x1BFF;
	s21 =	sshll.u32 s5, $0x1;
	s2 =	sadd.s32 s19, s18  }
0x9c: {  	s6 =	simm.s32 $0x0;
	s20 =	sshll.u32 s4, $0x1;
	s4 =	sadd.s32 s21, s2  }
0x9d: {  	[timem:s6], [sflag:s22] =	dma.local [hbm:s4], s20  }
0x9e: {  	_ =	swait.ge [sflag:s22], s20  }
0x9f: {  	s3 =	ssub.s32 $0x0, s20;
	[sflag:s22] =	ssyncset.done $0x0  }
0xa0: {  	[sflag:s22] =	ssyncadd.s32 s3;
	_ =	sdelay $0x1  }
0xa1: {  	s23 =	simm.s32 $0x1B8B  }
0xa2: {  	_ =	swait.ge [sflag:s23], $0x1  }
0xa3: {  	[sflag:s23] =	ssyncset.done $0x0  }
0xa4: {  	s25 =	simm.s32 $0x1B8E;
	s24 =	sld [smem:$0x3FFE];
	[sflag:s23] =	ssyncadd.s32 $0xFFFFFFFF  }
0xa5: {  	s26 =	simm.s32 $execute0_lowered;
	[smem:$0x3FD2] =	sst s25  }
0xa6: {  	s4 =	sshll.u32 s26, $0x1;
	_ =	strace $0x80000049;
	[dreg:$0x1] =	wrdreg $0xFFFFFFFF  }
0xa7: {  	s28 =	simm.s32 $_size_execute0_lowered;
	s2 =	sadd.s32 s2, s4;
	[dreg:$0x0] =	wrdreg $0x0  }
0xa8: {  	s4 =	sshll.u32 s28, $0x1;
	[dreg:$0x2] =	wrdreg s2  }
0xa9: {  	[dreg:$0x3] =	wrdreg s4  }
0xaa: {  	[dreg:$0x4] =	wrdreg $0xC0  }
0xab: {  	_ =	task [dreg:s6], $0x5FFFF  }
0xac: {  	[dreg:$0x1] =	wrdreg $0xFFFFFFFF  }
0xad: {  	[dreg:$0x0] =	wrdreg $0x60  }
0xae: {  	[dreg:$0x2] =	wrdreg s24  }
0xaf: {  	[dreg:$0x3] =	wrdreg $0x52000  }
0xb0: {  	[dreg:$0x4] =	wrdreg $0x9  }
0xb1: {  	_ =	task.clear_ibuf [dreg:s6], $0x5FFFF;
	_ =	strace $0x90000049  }
0xb2: {  	s29 =	simm.s32 $0x9;
	_ =	strace $0x8000004B  }
0xb3: {  	_ =	swait.ge [sflag:s29], $0x1  }
0xb4: {  	[sflag:s29] =	ssyncadd.s32 $0xFFFFFFFF  }
0xb5: {  	_ =	strace $0x9000004B  }
0xb6: {  	_ =	sfence  }
0xb7: {  	s30 =	sld [smem:$0x0];
	_ =	sdelay $0x2  }
0xb8: {  	s31 =	sshll.u32 s1, $0xD;
	s1 =	sshrl.u32 s1, $0x2  }
0xb9: {  	s3 =	sand.u32 $0x4000, s31;
	s1 =	sadd.s32 s1, s30  }
0xba: {  	s0 =	sor.u32 s3, s0;
	s1 =	sshll.u32 s1, $0x11  }
0xbb: {  	s0 =	sor.u32 s1, s0  }
0xbc: {  	s0 =	sadd.s32 $0x8F2B, s0  }
0xbd: {  	[sflag:s0] =	ssyncadd.remote.s32 $0x1  }
0xbe: {  	_ =	sfence.sel $0xFFFF  }
0xbf: {  	[dreg:$0x0] =	wrdreg $0xFFFFFFFF;
	(pc) =	sbr.abs _section_cstart, $3  }
0xc0: {  	[dreg:$0x1] =	wrdreg $0xFFFFFFFF  }
0xc1: {  	_ =	task.clear_ibuf [dreg:s6], $0x2FFFF;
	_ =	strace $0x9FFFFFFF  }
0xc2: {  	(tm) =	ssettm $0x7FFFFFFF  }
0xc3: {  	_ =	shalt  }
tec
execute0_lowered:
.L_overlay_start_1:
0x0: {  	(tag) =	ssettag $0x1  }
0x1: {  	s0 =	rddreg [dreg:$0x0]  }
0x2: {  	s1 =	rddreg [dreg:$0x1]  }
0x3: {  	s2 =	srdreg.scid;
	s3 =	simm.s32 $0x0;
	s12 =	stileid.u32  }
0x4: {  	s19 =	simm.s32 $0x3;
	s20 =	simm.s32 $0x80;
	s28 =	simm.s32 $0x2  }
0x5: {  	s29 =	simm.s32 $0x0;
	s2 =	sand.u32 $0x1, s2;
	s8 =	smul.u32 $0x2800, s12  }
0x6: {  	[smem:$0x7FF] =	sst s3;
	s4 =	sadd.s32 $0x4000, s0;
	s9 =	smul.u32 $0x50000, s12  }
0x7: {  	s5 =	sadd.s32 $0x17A00, s0;
	s6 =	sadd.s32 $0x2B400, s0;
	s11 =	smul.u32 $0x4E20, s12  }
0x8: {  	s21 =	sadd.s32 $0xCB400, s0;
	s24 =	sshll.u32 s12, $0x6;
	s7 =	smul.u32 $0x28000, s2  }
0x9: {  	_ =	strace $0x8000004A;
	s10 =	smul.u32 $0x4E200, s2;
	s2 =	ssub.s32 $0x2, s2  }
0xa: {  	[dreg:$0x3] =	wrdreg s21;
	s21 =	simm.s32 $0x50;
	s22 =	sshrl.u32 s2, $0x1  }
0xb: {  	s23 =	sshrl.u32 s9, $0x2;
	s8 =	sadd.s32 s8, s7;
	s2 =	ssub.s32 s2, s22  }
0xc: {  	s15 =	sadd.s32 s11, s10;
	s18 =	sadd.s32 s23, s1;
	s22 =	simm.s32 $0x200  }
0xd: {  	s23 =	simm.s32 $0x100;
	s0 =	sadd.s32 s8, s0;
	s25 =	sshrl.u32 s15, $0x3  }
0xe: {  	s8 =	sor.u32 $0x1C03, s24;
	s14 =	sadd.s32 $0x50, s15;
	s12 =	smax.u32 s2, $0x1  }
0xf: {  	s15 =	sadd.s32 $0xA0, s15;
	s18 =	sshrl.u32 s18, $0x3;
	s24 =	simm.s32 $0x180  }
0x10: {  	s26 =	sadd.s32 s4, s25;
	s10 =	sadd.s32 s5, s25;
	s11 =	sadd.s32 $0xCDC00, s0  }
0x11: {  	s30 =	sadd.s32 $0x9BA, s25;
	s31 =	sshrl.u32 s14, $0x3;
	s25 =	simm.s32 $0x2A00  }
0x12: {  	[dreg:$0x4] =	wrdreg s26;
	s13 =	sadd.s32 s4, s30;
	s14 =	sadd.s32 s5, s30  }
0x13: {  	s16 =	sadd.s32 s31, s5;
	s17 =	sadd.s32 s31, s4;
	s26 =	simm.s32 $0x1  }
.LBB2_1:
0x14: {  	s0 =	rddreg [dreg:$0x3]  }
0x15: {  	[spmem:s18], [sflag:s8] =	dma.local [hbm:s0], $0x2800  }
0x16: {  	_ =	swait.ge [sflag:s19], $0x2800  }
0x17: {  	[sflag:s19] =	ssyncset.done $0x0  }
0x18: {  	[sflag:s19] =	ssyncadd.s32 $0xFFFFD800  }
0x19: {  	[bflag:$0x0] =	sbarrier.arrive $0xFFFF  }
0x1a: {  	s9 =	rddreg [dreg:$0x4]  }
0x1b: {  	[tilespmem:s3], [sflag:$0x3] =	stream.linear.gather [hbm4b:s9+s3], $0x50, $0x38;
	[tilespmem:$0x19200] =	vst v63  }
0x1c: {  	_ =	swait.ge [sflag:s19], $0x50  }
0x1d: {  	[sflag:s19] =	ssyncset.done $0x0  }
0x1e: {  	[sflag:s19] =	ssyncadd.s32 $0xFFFFFFB0  }
0x1f: {  	[tilespmem:s20], [sflag:$0x3] =	stream.linear.gather [hbm4b:s10+s3], $0x50, $0x38;
	[tilespmem:$0x19200] =	vst v63  }
0x20: {  	_ =	swait.ge [sflag:s19], $0x50  }
0x21: {  	[sflag:s19] =	ssyncset.done $0x0  }
0x22: {  	[sflag:s19] =	ssyncadd.s32 $0xFFFFFFB0  }
0x23: {  	[tilespmem:s22], [sflag:$0x1] =	stream.indirect.gather [hbm4b:s6+s21], $0x80, s3, s21, $0xb8;
	[tilespmem:$0x19200] =	vst v63  }
0x24: {  	s2 =	sadd.s32 $0x0, s17  }
0x25: {  	[tilespmem:s23], [sflag:$0x3] =	stream.linear.gather [hbm4b:s2+s3], $0x50, $0x38;
	[tilespmem:$0x19200] =	vst v63  }
0x26: {  	_ =	swait.ge [sflag:s19], $0x50  }
0x27: {  	[sflag:s19] =	ssyncset.done $0x0  }
0x28: {  	s7 =	sadd.s32 $0x0, s16;
	[sflag:s19] =	ssyncadd.s32 $0xFFFFFFB0  }
0x29: {  	[tilespmem:s24], [sflag:$0x3] =	stream.linear.gather [hbm4b:s7+s3], $0x50, $0x38;
	[tilespmem:$0x19200] =	vst v63  }
0x2a: {  	_ =	swait.ge [sflag:s19], $0x50  }
0x2b: {  	[sflag:s19] =	ssyncset.done $0x0  }
0x2c: {  	[sflag:s19] =	ssyncadd.s32 $0xFFFFFFB0  }
0x2d: {  	[tilespmem:s25], [sflag:$0x2] =	stream.indirect.gather [hbm4b:s6+s21], $0x80, s23, s21, $0xb8;
	[tilespmem:$0x19200] =	vst v63  }
0x2e: {  	_ =	swait.ge [sflag:s26], $0x2800  }
0x2f: {  	[sflag:s26] =	ssyncset.done $0x0  }
0x30: {  	[sflag:s26] =	ssyncadd.s32 $0xFFFFD800  }
0x31: {  	[spmem:s1] =	stream.indirect.scatter.add.f32 [tilespmem:s22], [sflag:$0x3], $0x80, s20, s21, $0xb8;
	[tilespmem:$0x19200] =	vst v63  }
0x32: {  	_ =	swait.ge [sflag:s19], $0x2800  }
0x33: {  	s9 =	sshrl.u32 s15, $0x3;
	[sflag:s19] =	ssyncset.done $0x0  }
0x34: {  	s2 =	sadd.s32 s4, s9;
	[sflag:s19] =	ssyncadd.s32 $0xFFFFD800  }
0x35: {  	[tilespmem:s3], [sflag:$0x3] =	stream.linear.gather [hbm4b:s2+s3], $0x50, $0x38;
	[tilespmem:$0x19200] =	vst v63  }
0x36: {  	_ =	swait.ge [sflag:s19], $0x50  }
0x37: {  	[sflag:s19] =	ssyncset.done $0x0  }
0x38: {  	s0 =	sadd.s32 s5, s9;
	[sflag:s19] =	ssyncadd.s32 $0xFFFFFFB0  }
0x39: {  	[tilespmem:s20], [sflag:$0x3] =	stream.linear.gather [hbm4b:s0+s3], $0x50, $0x38;
	[tilespmem:$0x19200] =	vst v63  }
0x3a: {  	_ =	swait.ge [sflag:s19], $0x50  }
0x3b: {  	[sflag:s19] =	ssyncset.done $0x0  }
0x3c: {  	[sflag:s19] =	ssyncadd.s32 $0xFFFFFFB0  }
0x3d: {  	[tilespmem:s22], [sflag:$0x1] =	stream.indirect.gather [hbm4b:s6+s21], $0x80, s3, s21, $0xb8;
	[tilespmem:$0x19200] =	vst v63  }
0x3e: {  	_ =	swait.ge [sflag:s28], $0x2800  }
0x3f: {  	[sflag:s28] =	ssyncset.done $0x0  }
0x40: {  	[sflag:s28] =	ssyncadd.s32 $0xFFFFD800  }
0x41: {  	[spmem:s1] =	stream.indirect.scatter.add.f32 [tilespmem:s25], [sflag:$0x3], $0x80, s24, s21, $0xb8;
	[tilespmem:$0x19200] =	vst v63  }
0x42: {  	s31 =	simm.s32 $0x14;
	_ =	swait.ge [sflag:s19], $0x2800  }
0x43: {  	s30 =	sadd.s32 $0xA0, s15;
	s0 =	simm.s32 $0x28;
	[sflag:s19] =	ssyncset.done $0x0  }
.LBB2_2:
0x44: {  	s7 =	sadd.s32 s31, s17  }
0x45: {  	[sflag:s19] =	ssyncadd.s32 $0xFFFFD800;
	s9 =	smov.u32 s0;
	s2 =	sadd.s32 $0x14, s0  }
0x46: {  	[tilespmem:s23], [sflag:$0x3] =	stream.linear.gather [hbm4b:s7+s3], $0x50, $0x38;
	[tilespmem:$0x19200] =	vst v63  }
0x47: {  	p0 =	sne.s32 s0, $0x99C;
	_ =	swait.ge [sflag:s19], $0x50  }
0x48: {  	[sflag:s19] =	ssyncset.done $0x0  }
0x49: {  	s0 =	sadd.s32 s31, s16;
	s31 =	smov.u32 s9;
	[sflag:s19] =	ssyncadd.s32 $0xFFFFFFB0  }
0x4a: {  	[tilespmem:s24], [sflag:$0x3] =	stream.linear.gather [hbm4b:s0+s3], $0x50, $0x38;
	[tilespmem:$0x19200] =	vst v63  }
0x4b: {  	_ =	swait.ge [sflag:s19], $0x50  }
0x4c: {  	[sflag:s19] =	ssyncset.done $0x0  }
0x4d: {  	[sflag:s19] =	ssyncadd.s32 $0xFFFFFFB0  }
0x4e: {  	[tilespmem:s25], [sflag:$0x2] =	stream.indirect.gather [hbm4b:s6+s21], $0x80, s23, s21, $0xb8;
	[tilespmem:$0x19200] =	vst v63  }
0x4f: {  	_ =	swait.ge [sflag:s26], $0x2800  }
0x50: {  	[sflag:s26] =	ssyncset.done $0x0  }
0x51: {  	[sflag:s26] =	ssyncadd.s32 $0xFFFFD800  }
0x52: {  	[spmem:s1] =	stream.indirect.scatter.add.f32 [tilespmem:s22], [sflag:$0x3], $0x80, s20, s21, $0xb8;
	[tilespmem:$0x19200] =	vst v63  }
0x53: {  	_ =	swait.ge [sflag:s19], $0x2800  }
0x54: {  	s0 =	sshrl.u32 s30, $0x3;
	[sflag:s19] =	ssyncset.done $0x0  }
0x55: {  	s7 =	sadd.s32 s4, s0;
	[sflag:s19] =	ssyncadd.s32 $0xFFFFD800  }
0x56: {  	[tilespmem:s3], [sflag:$0x3] =	stream.linear.gather [hbm4b:s7+s3], $0x50, $0x38;
	[tilespmem:$0x19200] =	vst v63  }
0x57: {  	_ =	swait.ge [sflag:s19], $0x50  }
0x58: {  	[sflag:s19] =	ssyncset.done $0x0  }
0x59: {  	s0 =	sadd.s32 s5, s0;
	[sflag:s19] =	ssyncadd.s32 $0xFFFFFFB0  }
0x5a: {  	[tilespmem:s20], [sflag:$0x3] =	stream.linear.gather [hbm4b:s0+s3], $0x50, $0x38;
	[tilespmem:$0x19200] =	vst v63  }
0x5b: {  	_ =	swait.ge [sflag:s19], $0x50  }
0x5c: {  	[sflag:s19] =	ssyncset.done $0x0  }
0x5d: {  	[sflag:s19] =	ssyncadd.s32 $0xFFFFFFB0  }
0x5e: {  	[tilespmem:s22], [sflag:$0x1] =	stream.indirect.gather [hbm4b:s6+s21], $0x80, s3, s21, $0xb8;
	[tilespmem:$0x19200] =	vst v63  }
0x5f: {  	_ =	swait.ge [sflag:s28], $0x2800  }
.Ltmp0:
0x60: {  	[sflag:s28] =	ssyncset.done $0x0;
	(pc) =	sbr.rel @p0 .LBB2_2-.Ltmp0, $4  }
0x61: {  	[sflag:s28] =	ssyncadd.s32 $0xFFFFD800  }
0x62: {  	[spmem:s1] =	stream.indirect.scatter.add.f32 [tilespmem:s25], [sflag:$0x3], $0x80, s24, s21, $0xb8;
	[tilespmem:$0x19200] =	vst v63  }
0x63: {  	_ =	swait.ge [sflag:s19], $0x2800  }
0x64: {  	s30 =	sadd.s32 $0xA0, s30;
	s0 =	smov.u32 s2;
	[sflag:s19] =	ssyncset.done $0x0  }
0x65: {  	s0 =	sadd.s32 s31, s17;
	[sflag:s19] =	ssyncadd.s32 $0xFFFFD800  }
0x66: {  	[tilespmem:s23], [sflag:$0x3] =	stream.linear.gather [hbm4b:s0+s3], $0x50, $0x38;
	[tilespmem:$0x19200] =	vst v63  }
0x67: {  	_ =	swait.ge [sflag:s19], $0x50  }
0x68: {  	[sflag:s19] =	ssyncset.done $0x0  }
0x69: {  	s9 =	sadd.s32 s31, s16;
	[sflag:s19] =	ssyncadd.s32 $0xFFFFFFB0  }
0x6a: {  	[tilespmem:s24], [sflag:$0x3] =	stream.linear.gather [hbm4b:s9+s3], $0x50, $0x38;
	[tilespmem:$0x19200] =	vst v63  }
0x6b: {  	_ =	swait.ge [sflag:s19], $0x50  }
0x6c: {  	[sflag:s19] =	ssyncset.done $0x0  }
0x6d: {  	[sflag:s19] =	ssyncadd.s32 $0xFFFFFFB0  }
0x6e: {  	[tilespmem:s25], [sflag:$0x2] =	stream.indirect.gather [hbm4b:s6+s21], $0x80, s23, s21, $0xb8;
	[tilespmem:$0x19200] =	vst v63  }
0x6f: {  	_ =	swait.ge [sflag:s26], $0x2800  }
0x70: {  	[sflag:s26] =	ssyncset.done $0x0  }
0x71: {  	[sflag:s26] =	ssyncadd.s32 $0xFFFFD800  }
0x72: {  	[spmem:s1] =	stream.indirect.scatter.add.f32 [tilespmem:s22], [sflag:$0x3], $0x80, s20, s21, $0xb8;
	[tilespmem:$0x19200] =	vst v63  }
0x73: {  	_ =	swait.ge [sflag:s19], $0x2800  }
0x74: {  	s31 =	sshrl.u32 s30, $0x3;
	[sflag:s19] =	ssyncset.done $0x0  }
0x75: {  	s2 =	sadd.s32 s4, s31;
	[sflag:s19] =	ssyncadd.s32 $0xFFFFD800  }
0x76: {  	[tilespmem:s3], [sflag:$0x3] =	stream.linear.gather [hbm4b:s2+s3], $0x50, $0x38;
	[tilespmem:$0x19200] =	vst v63  }
0x77: {  	_ =	swait.ge [sflag:s19], $0x50  }
0x78: {  	[sflag:s19] =	ssyncset.done $0x0  }
0x79: {  	s0 =	sadd.s32 s5, s31;
	[sflag:s19] =	ssyncadd.s32 $0xFFFFFFB0  }
0x7a: {  	[tilespmem:s20], [sflag:$0x3] =	stream.linear.gather [hbm4b:s0+s3], $0x50, $0x38;
	[tilespmem:$0x19200] =	vst v63  }
0x7b: {  	_ =	swait.ge [sflag:s19], $0x50  }
0x7c: {  	[sflag:s19] =	ssyncset.done $0x0  }
0x7d: {  	[sflag:s19] =	ssyncadd.s32 $0xFFFFFFB0  }
0x7e: {  	[tilespmem:s22], [sflag:$0x1] =	stream.indirect.gather [hbm4b:s6+s21], $0x80, s3, s21, $0xb8;
	[tilespmem:$0x19200] =	vst v63  }
0x7f: {  	_ =	swait.ge [sflag:s28], $0x2800  }
0x80: {  	[sflag:s28] =	ssyncset.done $0x0  }
0x81: {  	[sflag:s28] =	ssyncadd.s32 $0xFFFFD800  }
0x82: {  	[spmem:s1] =	stream.indirect.scatter.add.f32 [tilespmem:s25], [sflag:$0x3], $0x80, s24, s21, $0xb8;
	[tilespmem:$0x19200] =	vst v63  }
0x83: {  	_ =	swait.ge [sflag:s19], $0x2800  }
0x84: {  	[sflag:s19] =	ssyncset.done $0x0  }
0x85: {  	[sflag:s19] =	ssyncadd.s32 $0xFFFFD800  }
0x86: {  	[tilespmem:s23], [sflag:$0x3] =	stream.linear.gather [hbm4b:s13+s3], $0x50, $0x38;
	[tilespmem:$0x19200] =	vst v63  }
0x87: {  	_ =	swait.ge [sflag:s19], $0x50  }
0x88: {  	[sflag:s19] =	ssyncset.done $0x0  }
0x89: {  	[sflag:s19] =	ssyncadd.s32 $0xFFFFFFB0  }
0x8a: {  	[tilespmem:s24], [sflag:$0x3] =	stream.linear.gather [hbm4b:s14+s3], $0x50, $0x38;
	[tilespmem:$0x19200] =	vst v63  }
0x8b: {  	_ =	swait.ge [sflag:s19], $0x50  }
0x8c: {  	[sflag:s19] =	ssyncset.done $0x0  }
0x8d: {  	[sflag:s19] =	ssyncadd.s32 $0xFFFFFFB0  }
0x8e: {  	[tilespmem:s25], [sflag:$0x2] =	stream.indirect.gather [hbm4b:s6+s21], $0x80, s23, s21, $0xb8;
	[tilespmem:$0x19200] =	vst v63  }
0x8f: {  	_ =	swait.ge [sflag:s26], $0x2800  }
0x90: {  	[sflag:s26] =	ssyncset.done $0x0  }
0x91: {  	[sflag:s26] =	ssyncadd.s32 $0xFFFFD800  }
0x92: {  	[spmem:s1] =	stream.indirect.scatter.add.f32 [tilespmem:s22], [sflag:$0x3], $0x80, s20, s21, $0xb8;
	[tilespmem:$0x19200] =	vst v63  }
0x93: {  	_ =	swait.ge [sflag:s19], $0x2800  }
0x94: {  	[sflag:s19] =	ssyncset.done $0x0  }
0x95: {  	[sflag:s19] =	ssyncadd.s32 $0xFFFFD800  }
0x96: {  	_ =	swait.ge [sflag:s28], $0x2800  }
0x97: {  	[sflag:s28] =	ssyncset.done $0x0  }
0x98: {  	[sflag:s28] =	ssyncadd.s32 $0xFFFFD800  }
0x99: {  	[spmem:s1] =	stream.indirect.scatter.add.f32 [tilespmem:s25], [sflag:$0x3], $0x80, s24, s21, $0xb8;
	[tilespmem:$0x19200] =	vst v63  }
0x9a: {  	_ =	swait.ge [sflag:s19], $0x2800  }
0x9b: {  	s29 =	sadd.s32 $0x1, s29;
	[sflag:s19] =	ssyncset.done $0x0  }
0x9c: {  	p0 =	sne.s32 s29, s12;
	[sflag:s19] =	ssyncadd.s32 $0xFFFFD800  }
.Ltmp1:
0x9d: {  	[bflag:$0x0] =	sbarrier.arrive $0xFFFF;
	(pc) =	sbr.rel @p0 .LBB2_1-.Ltmp1, $4  }
0x9e: {  	[hbm:s11], [sflag:s8] =	dma.local [spmem:s18], $0x2800  }
0x9f: {  	_ =	swait.ge [sflag:s19], $0x2800  }
0xa0: {  	[sflag:s19] =	ssyncset.done $0x0  }
0xa1: {  	[sflag:s19] =	ssyncadd.s32 $0xFFFFD800  }
0xa2: {  	_ =	sfence.sel $0x180000  }
0xa3: {  	[bflag:$0x0] =	sbarrier.arrive $0xFFFF  }
0xa4: {  	_ =	strace $0x9000004A  }
0xa5: {  	s0 =	stileid.u32;
	[bflag:$0x2] =	sbarrier.arrive $0xFFFF  }
0xa6: {  	p0 =	sne.s32 s0, $0x0;
	s0 =	rddreg [dreg:$0x2]  }
0xa7: {  	s0 =	sadd.s32 @!p0 $0x100000, s0  }
0xa8: {  	[sflag:s0] =	ssyncadd.tile.s32 @!p0 $0x1;
	_ =	shalt  }
.Lfunc_end2:
_tile_overlayer_lowered:
.L_overlay_start_2:
0xa9: {  	(tag) =	ssettag $0x2  }
0xaa: {  	s0 =	rddreg [dreg:$0x0];
	s2 =	stileid.u32  }
0xab: {  	s1 =	rddreg [dreg:$0x1];
	p0 =	sne.s32 s2, $0x0  }
0xac: {  	s3 =	rddreg [dreg:$0x2];
	[bflag:$0x3] =	sbarrier.arrive $0xFFFF;
	s2 =	simm.s32 @!p0 $0x1C03  }
0xad: {  	[timem:s3], [sflag:s2] =	dma.local @!p0 [hbm:s0], s1  }
0xae: {  	s0 =	simm.s32 @!p0 $0x3  }
0xaf: {  	_ =	swait.ge @!p0 [sflag:s0], s1  }
0xb0: {  	s1 =	ssub.s32 @!p0 $0x0, s1;
	[sflag:s0] =	ssyncset.done @!p0 $0x0  }
0xb1: {  	[sflag:s0] =	ssyncadd.s32 @!p0 s1  }
0xb2: {  	[bflag:$0x3] =	sbarrier.arrive $0xFFFF  }
0xb3: {  	_ =	shalt  }

// kernel: kernel.20.cloned.1.call-start
scs
__scs_entry_jumppad:
0x0: {  	(pc) =	sbr.rel $0x88, $3  }
0x1: {  	(tag) =	ssettag $0x0;
	lr =	simm.s32 $0x1  }
0x2: {  	[smem:$0x3F8F] =	sst lr;
	_ =	strace $0xD0000000  }
0x3: {  	_ = 	snop  }
0x4: {  	_ = 	snop  }
0x5: {  	_ = 	snop  }
0x6: {  	_ = 	snop  }
0x7: {  	_ = 	snop  }
__scs_overlays_trampoline_lowered:
0x8: {  	[smem:$0x3F9E] =	sst s0  }
0x9: {  	[smem:$0x3F9F] =	sst s1  }
0xa: {  	[smem:$0x3FA0] =	sst s2  }
0xb: {  	[smem:$0x3FA1] =	sst s3  }
0xc: {  	[smem:$0x3FA2] =	sst s4  }
0xd: {  	[smem:$0x3FA3] =	sst s5  }
0xe: {  	[smem:$0x3FA4] =	sst s6  }
0xf: {  	[smem:$0x3FA5] =	sst s7  }
0x10: {  	[smem:$0x3FA6] =	sst s8  }
0x11: {  	[smem:$0x3FA7] =	sst s9;
	s0 =	simm.s32 @!p0 $0x0  }
0x12: {  	s1 =	sld [smem:$0x3F8D];
	s0 =	simm.s32 @p0 $0x1  }
0x13: {  	[smem:$0x3FA8] =	sst s0;
	s0 =	simm.s32 @!p1 $0x0  }
0x14: {  	s2 =	sld [smem:$0x3F8C];
	s0 =	simm.s32 @p1 $0x1  }
0x15: {  	[smem:$0x3FA9] =	sst s0;
	s0 =	simm.s32 @!p2 $0x0  }
0x16: {  	s3 =	sld [smem:$0x3FDB];
	s0 =	simm.s32 @p2 $0x1  }
0x17: {  	s4 =	simm.s32 $0x1BF5;
	[smem:$0x3FAB] =	sst s0  }
0x18: {  	s0 =	sld [smem:$0x3F8E];
	_ =	swait.ge [sflag:s4], $0x0  }
0x19: {  	s7 =	sld [smem:$0x3F8F]  }
0x1a: {  	s8 =	sadd.s32 $0xFFFFE003, lr  }
0x1b: {  	s9 =	sadd.s32 $0xFFFFFEF7, lr;
	s5 =	simm.s32 $0xFFFFFFFF;
	p2 =	slt.u32 s8, $0xFFFFF086  }
0x1c: {  	p1 =	slt.u32 s9, $0xF7A;
	s5 =	simm.s32 @!p2 $0x0  }
0x1d: {  	s5 =	simm.s32 @p1 $0x1;
	p0 =	seq.s32 s7, s2  }
0x1e: {  	s7 =	smul.u32 @!p0 $0xF7A, s2;
	p2 =	seq.s32 @!p0 s5, $0x0  }
0x1f: {  	s9 =	smul.u32 $0xF7A, s1;
	s8 =	simm.s32 @!p0 $0x1BF5;
	p2 =	por !p2, p0  }
0x20: {  	[sflag:s8] =	ssyncset.s32 @!p0 $0xFFFFF086;
	s6 =	sadd.s32 @!p0 s3, s7;
	s7 =	simm.s32 @!p0 $0x108  }
0x21: {  	s3 =	sadd.s32 s3, s9;
	s6 =	sadd.s32 @!p0 $0x88, s6;
	s7 =	simm.s32 @p2 $0x1082  }
0x22: {  	[simem:s7], [sflag:s8] =	dma.local @!p0 [hbm:s6], $0xF7A  }
0x23: {  	s9 =	sor.u32 $0xD0000000, s2;
	s6 =	simm.s32 $0x108;
	_ =	swait.ge @!p0 [sflag:s8], $0x0  }
0x24: {  	s3 =	sadd.s32 $0x88, s3;
	s6 =	simm.s32 @!p1 $0x1082;
	[sflag:s4] =	ssyncset.s32 $0xFFFFF086  }
0x25: {  	[simem:s6], [sflag:s4] =	dma.local [hbm:s3], $0xF7A  }
0x26: {  	[smem:$0x3F8F] =	sst s1;
	(tag) =	ssettag s2;
	_ =	strace s9  }
0x27: {  	s1 =	sld [smem:$0x3F9F]  }
0x28: {  	s2 =	sld [smem:$0x3FA0]  }
0x29: {  	s4 =	sld [smem:$0x3FA2]  }
0x2a: {  	p0 =	seq.s32 s5, $0x0;
	s5 =	sld [smem:$0x3FA3]  }
0x2b: {  	s6 =	sld [smem:$0x3FA4]  }
0x2c: {  	s7 =	sld [smem:$0x3FA5]  }
0x2d: {  	s3 =	simm.s32 $0x108;
	s8 =	sld [smem:$0x3FA6]  }
0x2e: {  	s3 =	simm.s32 @!p0 $0x1082;
	s9 =	sld [smem:$0x3FA7]  }
0x2f: {  	lr =	sadd.s32 s0, s3;
	s0 =	sld [smem:$0x3F9E]  }
0x30: {  	s3 =	sld [smem:$0x3FA1]  }
0x31: {  	[smem:$0x3FAA] =	sst s10  }
0x32: {  	s10 =	sld [smem:$0x3FA8];
	_ =	sdelay $0x3  }
0x33: {  	p0 =	seq.s32 s10, $0x1;
	s10 =	sld [smem:$0x3FAA];
	_ =	sdelay $0x3  }
0x34: {  	[smem:$0x3FAA] =	sst s10  }
0x35: {  	s10 =	sld [smem:$0x3FA9];
	_ =	sdelay $0x3  }
0x36: {  	p1 =	seq.s32 s10, $0x1;
	s10 =	sld [smem:$0x3FAA];
	_ =	sdelay $0x3  }
0x37: {  	[smem:$0x3FAA] =	sst s10  }
0x38: {  	s10 =	sld [smem:$0x3FAB]  }
0x39: {  	_ = 	snop;
	(pc) =	sbr.ind lr, $3  }
0x3a: {  	_ = 	snop  }
0x3b: {  	_ = 	snop  }
0x3c: {  	p2 =	seq.s32 s10, $0x1;
	s10 =	sld [smem:$0x3FAA]  }
0x3d: {  	_ =	shalt  }
0x3e: {  	_ =	shalt  }
0x3f: {  	_ =	shalt  }
0x40: {  	_ =	shalt  }
0x41: {  	_ =	shalt  }
0x42: {  	_ =	shalt  }
0x43: {  	_ =	shalt  }
0x44: {  	_ =	shalt  }
0x45: {  	_ =	shalt  }
0x46: {  	_ =	shalt  }
0x47: {  	_ =	shalt  }
0x48: {  	_ =	shalt  }
0x49: {  	_ =	shalt  }
0x4a: {  	_ =	shalt  }
0x4b: {  	_ =	shalt  }
0x4c: {  	_ =	shalt  }
0x4d: {  	_ =	shalt  }
0x4e: {  	_ =	shalt  }
0x4f: {  	_ =	shalt  }
0x50: {  	_ =	shalt  }
0x51: {  	_ =	shalt  }
0x52: {  	_ =	shalt  }
0x53: {  	_ =	shalt  }
0x54: {  	_ =	shalt  }
0x55: {  	_ =	shalt  }
0x56: {  	_ =	shalt  }
0x57: {  	_ =	shalt  }
0x58: {  	_ =	shalt  }
0x59: {  	_ =	shalt  }
0x5a: {  	_ =	shalt  }
0x5b: {  	_ =	shalt  }
0x5c: {  	_ =	shalt  }
0x5d: {  	_ =	shalt  }
0x5e: {  	_ =	shalt  }
0x5f: {  	_ =	shalt  }
0x60: {  	_ =	shalt  }
0x61: {  	_ =	shalt  }
0x62: {  	_ =	shalt  }
0x63: {  	_ =	shalt  }
0x64: {  	_ =	shalt  }
0x65: {  	_ =	shalt  }
0x66: {  	_ =	shalt  }
0x67: {  	_ =	shalt  }
0x68: {  	_ =	shalt  }
0x69: {  	_ =	shalt  }
0x6a: {  	_ =	shalt  }
0x6b: {  	_ =	shalt  }
0x6c: {  	_ =	shalt  }
0x6d: {  	_ =	shalt  }
0x6e: {  	_ =	shalt  }
0x6f: {  	_ =	shalt  }
0x70: {  	_ =	shalt  }
0x71: {  	_ =	shalt  }
0x72: {  	_ =	shalt  }
0x73: {  	_ =	shalt  }
0x74: {  	_ =	shalt  }
0x75: {  	_ =	shalt  }
0x76: {  	_ =	shalt  }
0x77: {  	_ =	shalt  }
0x78: {  	_ =	shalt  }
0x79: {  	_ =	shalt  }
0x7a: {  	_ =	shalt  }
0x7b: {  	_ =	shalt  }
0x7c: {  	_ =	shalt  }
0x7d: {  	_ =	shalt  }
0x7e: {  	_ =	shalt  }
0x7f: {  	_ =	shalt  }
0x80: {  	_ =	shalt  }
0x81: {  	_ =	shalt  }
0x82: {  	_ =	shalt  }
0x83: {  	_ =	shalt  }
0x84: {  	_ =	shalt  }
0x85: {  	_ =	shalt  }
0x86: {  	_ =	shalt  }
0x87: {  	_ =	shalt  }
.Lfunc_end0:
.L_simem_size_0:
called_computation.2_lowered:
.L_overlay_start_0:
0x88: {  	s2 =	sld [smem:$0x3FD9]  }
0x89: {  	s3 =	sld [smem:$0x3FFE];
	_ =	sdelay $0x1  }
0x8a: {  	s1 =	srdreg.scid  }
0x8b: {  	s0 =	sand.u32 $0x1, s1  }
0x8c: {  	s16 =	sshll.u32 s0, $0xA;
	s2 =	sadd.s32 s3, s2  }
0x8d: {  	s2 =	sadd.s32 s2, s16  }
0x8e: {  	[smem:$0x3FB6] =	sst s2  }
0x8f: {  	_ = 	snop  }
0x90: {  	(tm) =	ssettm $0x1  }
0x91: {  	s17 =	sld [smem:$0x3FFB];
	_ =	sdelay $0x3  }
0x92: {  	_ =	strace s17  }
0x93: {  	s2 =	sld [smem:$0x3FFC];
	_ =	sdelay $0x3  }
0x94: {  	_ =	strace s2  }
0x95: {  	s2 =	sld [smem:$0x3FFD];
	_ =	sdelay $0x3  }
0x96: {  	_ =	strace s2  }
0x97: {  	_ =	strace $0x8FFFFFFF  }
0x98: {  	s18 =	sld [smem:$0x3FDB];
	_ =	sdelay $0x1  }
0x99: {  	s19 =	simm.s32 $_scs_section_size  }
0x9a: {  	s4 =	simm.s32 $_size__tile_overlayer_lowered;
	s5 =	simm.s32 $_tile_overlayer_lowered  }
0x9b: {  	s22 =	simm.s32 $0x1BFF;
	s21 =	sshll.u32 s5, $0x1;
	s2 =	sadd.s32 s19, s18  }
0x9c: {  	s6 =	simm.s32 $0x0;
	s20 =	sshll.u32 s4, $0x1;
	s4 =	sadd.s32 s21, s2  }
0x9d: {  	[timem:s6], [sflag:s22] =	dma.local [hbm:s4], s20  }
0x9e: {  	_ =	swait.ge [sflag:s22], s20  }
0x9f: {  	s3 =	ssub.s32 $0x0, s20;
	[sflag:s22] =	ssyncset.done $0x0  }
0xa0: {  	[sflag:s22] =	ssyncadd.s32 s3;
	_ =	sdelay $0x1  }
0xa1: {  	s23 =	simm.s32 $0x1B8B  }
0xa2: {  	_ =	swait.ge [sflag:s23], $0x1  }
0xa3: {  	[sflag:s23] =	ssyncset.done $0x0  }
0xa4: {  	s25 =	simm.s32 $0x1B8E;
	s24 =	sld [smem:$0x3FFE];
	[sflag:s23] =	ssyncadd.s32 $0xFFFFFFFF  }
0xa5: {  	s26 =	simm.s32 $execute0_lowered;
	[smem:$0x3FD2] =	sst s25  }
0xa6: {  	s4 =	sshll.u32 s26, $0x1;
	_ =	strace $0x8000004C;
	[dreg:$0x1] =	wrdreg $0xFFFFFFFF  }
0xa7: {  	s28 =	simm.s32 $_size_execute0_lowered;
	s2 =	sadd.s32 s2, s4;
	[dreg:$0x0] =	wrdreg $0x0  }
0xa8: {  	s4 =	sshll.u32 s28, $0x1;
	[dreg:$0x2] =	wrdreg s2  }
0xa9: {  	[dreg:$0x3] =	wrdreg s4  }
0xaa: {  	[dreg:$0x4] =	wrdreg $0xC0  }
0xab: {  	_ =	task [dreg:s6], $0x5FFFF  }
0xac: {  	[dreg:$0x1] =	wrdreg $0xFFFFFFFF  }
0xad: {  	[dreg:$0x0] =	wrdreg $0x60  }
0xae: {  	[dreg:$0x2] =	wrdreg s24  }
0xaf: {  	[dreg:$0x3] =	wrdreg $0x52000  }
0xb0: {  	[dreg:$0x4] =	wrdreg $0x9  }
0xb1: {  	_ =	task.clear_ibuf [dreg:s6], $0x5FFFF;
	_ =	strace $0x9000004C  }
0xb2: {  	s29 =	simm.s32 $0x9;
	_ =	strace $0x8000004E  }
0xb3: {  	_ =	swait.ge [sflag:s29], $0x1  }
0xb4: {  	[sflag:s29] =	ssyncadd.s32 $0xFFFFFFFF  }
0xb5: {  	_ =	strace $0x9000004E  }
0xb6: {  	_ =	sfence  }
0xb7: {  	s30 =	sld [smem:$0x0];
	_ =	sdelay $0x2  }
0xb8: {  	s31 =	sshll.u32 s1, $0xD;
	s1 =	sshrl.u32 s1, $0x2  }
0xb9: {  	s3 =	sand.u32 $0x4000, s31;
	s1 =	sadd.s32 s1, s30  }
0xba: {  	s0 =	sor.u32 s3, s0;
	s1 =	sshll.u32 s1, $0x11  }
0xbb: {  	s0 =	sor.u32 s1, s0  }
0xbc: {  	s0 =	sadd.s32 $0x8F2B, s0  }
0xbd: {  	[sflag:s0] =	ssyncadd.remote.s32 $0x1  }
0xbe: {  	_ =	sfence.sel $0xFFFF  }
0xbf: {  	[dreg:$0x0] =	wrdreg $0xFFFFFFFF;
	(pc) =	sbr.abs _section_cstart, $3  }
0xc0: {  	[dreg:$0x1] =	wrdreg $0xFFFFFFFF  }
0xc1: {  	_ =	task.clear_ibuf [dreg:s6], $0x2FFFF;
	_ =	strace $0x9FFFFFFF  }
0xc2: {  	(tm) =	ssettm $0x7FFFFFFF  }
0xc3: {  	_ =	shalt  }
tec
execute0_lowered:
.L_overlay_start_1:
0x0: {  	(tag) =	ssettag $0x1  }
0x1: {  	s0 =	rddreg [dreg:$0x0]  }
0x2: {  	s1 =	rddreg [dreg:$0x1]  }
0x3: {  	s2 =	srdreg.scid;
	s3 =	simm.s32 $0x0;
	s12 =	stileid.u32  }
0x4: {  	s19 =	simm.s32 $0x3;
	s20 =	simm.s32 $0x80;
	s28 =	simm.s32 $0x2  }
0x5: {  	s29 =	simm.s32 $0x0;
	s2 =	sand.u32 $0x1, s2;
	s8 =	smul.u32 $0x2800, s12  }
0x6: {  	[smem:$0x7FF] =	sst s3;
	s4 =	sadd.s32 $0x4000, s0;
	s9 =	smul.u32 $0x50000, s12  }
0x7: {  	s5 =	sadd.s32 $0x17A00, s0;
	s6 =	sadd.s32 $0x2B400, s0;
	s11 =	smul.u32 $0x4E20, s12  }
0x8: {  	s21 =	sadd.s32 $0xCB400, s0;
	s24 =	sshll.u32 s12, $0x6;
	s7 =	smul.u32 $0x28000, s2  }
0x9: {  	_ =	strace $0x8000004D;
	s10 =	smul.u32 $0x4E200, s2;
	s2 =	ssub.s32 $0x2, s2  }
0xa: {  	[dreg:$0x3] =	wrdreg s21;
	s21 =	simm.s32 $0x50;
	s22 =	sshrl.u32 s2, $0x1  }
0xb: {  	s23 =	sshrl.u32 s9, $0x2;
	s8 =	sadd.s32 s8, s7;
	s2 =	ssub.s32 s2, s22  }
0xc: {  	s15 =	sadd.s32 s11, s10;
	s18 =	sadd.s32 s23, s1;
	s22 =	simm.s32 $0x200  }
0xd: {  	s23 =	simm.s32 $0x100;
	s0 =	sadd.s32 s8, s0;
	s25 =	sshrl.u32 s15, $0x3  }
0xe: {  	s8 =	sor.u32 $0x1C03, s24;
	s14 =	sadd.s32 $0x50, s15;
	s12 =	smax.u32 s2, $0x1  }
0xf: {  	s15 =	sadd.s32 $0xA0, s15;
	s18 =	sshrl.u32 s18, $0x3;
	s24 =	simm.s32 $0x180  }
0x10: {  	s26 =	sadd.s32 s4, s25;
	s10 =	sadd.s32 s5, s25;
	s11 =	sadd.s32 $0xCDC00, s0  }
0x11: {  	s30 =	sadd.s32 $0x9BA, s25;
	s31 =	sshrl.u32 s14, $0x3;
	s25 =	simm.s32 $0x2A00  }
0x12: {  	[dreg:$0x4] =	wrdreg s26;
	s13 =	sadd.s32 s4, s30;
	s14 =	sadd.s32 s5, s30  }
0x13: {  	s16 =	sadd.s32 s31, s5;
	s17 =	sadd.s32 s31, s4;
	s26 =	simm.s32 $0x1  }
.LBB2_1:
0x14: {  	s0 =	rddreg [dreg:$0x3]  }
0x15: {  	[spmem:s18], [sflag:s8] =	dma.local [hbm:s0], $0x2800  }
0x16: {  	_ =	swait.ge [sflag:s19], $0x2800  }
0x17: {  	[sflag:s19] =	ssyncset.done $0x0  }
0x18: {  	[sflag:s19] =	ssyncadd.s32 $0xFFFFD800  }
0x19: {  	[bflag:$0x0] =	sbarrier.arrive $0xFFFF  }
0x1a: {  	s9 =	rddreg [dreg:$0x4]  }
0x1b: {  	[tilespmem:s3], [sflag:$0x3] =	stream.linear.gather [hbm4b:s9+s3], $0x50, $0x38;
	[tilespmem:$0x19200] =	vst v63  }
0x1c: {  	_ =	swait.ge [sflag:s19], $0x50  }
0x1d: {  	[sflag:s19] =	ssyncset.done $0x0  }
0x1e: {  	[sflag:s19] =	ssyncadd.s32 $0xFFFFFFB0  }
0x1f: {  	[tilespmem:s20], [sflag:$0x3] =	stream.linear.gather [hbm4b:s10+s3], $0x50, $0x38;
	[tilespmem:$0x19200] =	vst v63  }
0x20: {  	_ =	swait.ge [sflag:s19], $0x50  }
0x21: {  	[sflag:s19] =	ssyncset.done $0x0  }
0x22: {  	[sflag:s19] =	ssyncadd.s32 $0xFFFFFFB0  }
0x23: {  	[tilespmem:s22], [sflag:$0x1] =	stream.indirect.gather [hbm4b:s6+s21], $0x80, s3, s21, $0xb8;
	[tilespmem:$0x19200] =	vst v63  }
0x24: {  	s2 =	sadd.s32 $0x0, s17  }
0x25: {  	[tilespmem:s23], [sflag:$0x3] =	stream.linear.gather [hbm4b:s2+s3], $0x50, $0x38;
	[tilespmem:$0x19200] =	vst v63  }
0x26: {  	_ =	swait.ge [sflag:s19], $0x50  }
0x27: {  	[sflag:s19] =	ssyncset.done $0x0  }
0x28: {  	s7 =	sadd.s32 $0x0, s16;
	[sflag:s19] =	ssyncadd.s32 $0xFFFFFFB0  }
0x29: {  	[tilespmem:s24], [sflag:$0x3] =	stream.linear.gather [hbm4b:s7+s3], $0x50, $0x38;
	[tilespmem:$0x19200] =	vst v63  }
0x2a: {  	_ =	swait.ge [sflag:s19], $0x50  }
0x2b: {  	[sflag:s19] =	ssyncset.done $0x0  }
0x2c: {  	[sflag:s19] =	ssyncadd.s32 $0xFFFFFFB0  }
0x2d: {  	[tilespmem:s25], [sflag:$0x2] =	stream.indirect.gather [hbm4b:s6+s21], $0x80, s23, s21, $0xb8;
	[tilespmem:$0x19200] =	vst v63  }
0x2e: {  	_ =	swait.ge [sflag:s26], $0x2800  }
0x2f: {  	[sflag:s26] =	ssyncset.done $0x0  }
0x30: {  	[sflag:s26] =	ssyncadd.s32 $0xFFFFD800  }
0x31: {  	[spmem:s1] =	stream.indirect.scatter.add.f32 [tilespmem:s22], [sflag:$0x3], $0x80, s20, s21, $0xb8;
	[tilespmem:$0x19200] =	vst v63  }
0x32: {  	_ =	swait.ge [sflag:s19], $0x2800  }
0x33: {  	s9 =	sshrl.u32 s15, $0x3;
	[sflag:s19] =	ssyncset.done $0x0  }
0x34: {  	s2 =	sadd.s32 s4, s9;
	[sflag:s19] =	ssyncadd.s32 $0xFFFFD800  }
0x35: {  	[tilespmem:s3], [sflag:$0x3] =	stream.linear.gather [hbm4b:s2+s3], $0x50, $0x38;
	[tilespmem:$0x19200] =	vst v63  }
0x36: {  	_ =	swait.ge [sflag:s19], $0x50  }
0x37: {  	[sflag:s19] =	ssyncset.done $0x0  }
0x38: {  	s0 =	sadd.s32 s5, s9;
	[sflag:s19] =	ssyncadd.s32 $0xFFFFFFB0  }
0x39: {  	[tilespmem:s20], [sflag:$0x3] =	stream.linear.gather [hbm4b:s0+s3], $0x50, $0x38;
	[tilespmem:$0x19200] =	vst v63  }
0x3a: {  	_ =	swait.ge [sflag:s19], $0x50  }
0x3b: {  	[sflag:s19] =	ssyncset.done $0x0  }
0x3c: {  	[sflag:s19] =	ssyncadd.s32 $0xFFFFFFB0  }
0x3d: {  	[tilespmem:s22], [sflag:$0x1] =	stream.indirect.gather [hbm4b:s6+s21], $0x80, s3, s21, $0xb8;
	[tilespmem:$0x19200] =	vst v63  }
0x3e: {  	_ =	swait.ge [sflag:s28], $0x2800  }
0x3f: {  	[sflag:s28] =	ssyncset.done $0x0  }
0x40: {  	[sflag:s28] =	ssyncadd.s32 $0xFFFFD800  }
0x41: {  	[spmem:s1] =	stream.indirect.scatter.add.f32 [tilespmem:s25], [sflag:$0x3], $0x80, s24, s21, $0xb8;
	[tilespmem:$0x19200] =	vst v63  }
0x42: {  	s31 =	simm.s32 $0x14;
	_ =	swait.ge [sflag:s19], $0x2800  }
0x43: {  	s30 =	sadd.s32 $0xA0, s15;
	s0 =	simm.s32 $0x28;
	[sflag:s19] =	ssyncset.done $0x0  }
.LBB2_2:
0x44: {  	s7 =	sadd.s32 s31, s17  }
0x45: {  	[sflag:s19] =	ssyncadd.s32 $0xFFFFD800;
	s9 =	smov.u32 s0;
	s2 =	sadd.s32 $0x14, s0  }
0x46: {  	[tilespmem:s23], [sflag:$0x3] =	stream.linear.gather [hbm4b:s7+s3], $0x50, $0x38;
	[tilespmem:$0x19200] =	vst v63  }
0x47: {  	p0 =	sne.s32 s0, $0x99C;
	_ =	swait.ge [sflag:s19], $0x50  }
0x48: {  	[sflag:s19] =	ssyncset.done $0x0  }
0x49: {  	s0 =	sadd.s32 s31, s16;
	s31 =	smov.u32 s9;
	[sflag:s19] =	ssyncadd.s32 $0xFFFFFFB0  }
0x4a: {  	[tilespmem:s24], [sflag:$0x3] =	stream.linear.gather [hbm4b:s0+s3], $0x50, $0x38;
	[tilespmem:$0x19200] =	vst v63  }
0x4b: {  	_ =	swait.ge [sflag:s19], $0x50  }
0x4c: {  	[sflag:s19] =	ssyncset.done $0x0  }
0x4d: {  	[sflag:s19] =	ssyncadd.s32 $0xFFFFFFB0  }
0x4e: {  	[tilespmem:s25], [sflag:$0x2] =	stream.indirect.gather [hbm4b:s6+s21], $0x80, s23, s21, $0xb8;
	[tilespmem:$0x19200] =	vst v63  }
0x4f: {  	_ =	swait.ge [sflag:s26], $0x2800  }
0x50: {  	[sflag:s26] =	ssyncset.done $0x0  }
0x51: {  	[sflag:s26] =	ssyncadd.s32 $0xFFFFD800  }
0x52: {  	[spmem:s1] =	stream.indirect.scatter.add.f32 [tilespmem:s22], [sflag:$0x3], $0x80, s20, s21, $0xb8;
	[tilespmem:$0x19200] =	vst v63  }
0x53: {  	_ =	swait.ge [sflag:s19], $0x2800  }
0x54: {  	s0 =	sshrl.u32 s30, $0x3;
	[sflag:s19] =	ssyncset.done $0x0  }
0x55: {  	s7 =	sadd.s32 s4, s0;
	[sflag:s19] =	ssyncadd.s32 $0xFFFFD800  }
0x56: {  	[tilespmem:s3], [sflag:$0x3] =	stream.linear.gather [hbm4b:s7+s3], $0x50, $0x38;
	[tilespmem:$0x19200] =	vst v63  }
0x57: {  	_ =	swait.ge [sflag:s19], $0x50  }
0x58: {  	[sflag:s19] =	ssyncset.done $0x0  }
0x59: {  	s0 =	sadd.s32 s5, s0;
	[sflag:s19] =	ssyncadd.s32 $0xFFFFFFB0  }
0x5a: {  	[tilespmem:s20], [sflag:$0x3] =	stream.linear.gather [hbm4b:s0+s3], $0x50, $0x38;
	[tilespmem:$0x19200] =	vst v63  }
0x5b: {  	_ =	swait.ge [sflag:s19], $0x50  }
0x5c: {  	[sflag:s19] =	ssyncset.done $0x0  }
0x5d: {  	[sflag:s19] =	ssyncadd.s32 $0xFFFFFFB0  }
0x5e: {  	[tilespmem:s22], [sflag:$0x1] =	stream.indirect.gather [hbm4b:s6+s21], $0x80, s3, s21, $0xb8;
	[tilespmem:$0x19200] =	vst v63  }
0x5f: {  	_ =	swait.ge [sflag:s28], $0x2800  }
.Ltmp0:
0x60: {  	[sflag:s28] =	ssyncset.done $0x0;
	(pc) =	sbr.rel @p0 .LBB2_2-.Ltmp0, $4  }
0x61: {  	[sflag:s28] =	ssyncadd.s32 $0xFFFFD800  }
0x62: {  	[spmem:s1] =	stream.indirect.scatter.add.f32 [tilespmem:s25], [sflag:$0x3], $0x80, s24, s21, $0xb8;
	[tilespmem:$0x19200] =	vst v63  }
0x63: {  	_ =	swait.ge [sflag:s19], $0x2800  }
0x64: {  	s30 =	sadd.s32 $0xA0, s30;
	s0 =	smov.u32 s2;
	[sflag:s19] =	ssyncset.done $0x0  }
0x65: {  	s0 =	sadd.s32 s31, s17;
	[sflag:s19] =	ssyncadd.s32 $0xFFFFD800  }
0x66: {  	[tilespmem:s23], [sflag:$0x3] =	stream.linear.gather [hbm4b:s0+s3], $0x50, $0x38;
	[tilespmem:$0x19200] =	vst v63  }
0x67: {  	_ =	swait.ge [sflag:s19], $0x50  }
0x68: {  	[sflag:s19] =	ssyncset.done $0x0  }
0x69: {  	s9 =	sadd.s32 s31, s16;
	[sflag:s19] =	ssyncadd.s32 $0xFFFFFFB0  }
0x6a: {  	[tilespmem:s24], [sflag:$0x3] =	stream.linear.gather [hbm4b:s9+s3], $0x50, $0x38;
	[tilespmem:$0x19200] =	vst v63  }
0x6b: {  	_ =	swait.ge [sflag:s19], $0x50  }
0x6c: {  	[sflag:s19] =	ssyncset.done $0x0  }
0x6d: {  	[sflag:s19] =	ssyncadd.s32 $0xFFFFFFB0  }
0x6e: {  	[tilespmem:s25], [sflag:$0x2] =	stream.indirect.gather [hbm4b:s6+s21], $0x80, s23, s21, $0xb8;
	[tilespmem:$0x19200] =	vst v63  }
0x6f: {  	_ =	swait.ge [sflag:s26], $0x2800  }
0x70: {  	[sflag:s26] =	ssyncset.done $0x0  }
0x71: {  	[sflag:s26] =	ssyncadd.s32 $0xFFFFD800  }
0x72: {  	[spmem:s1] =	stream.indirect.scatter.add.f32 [tilespmem:s22], [sflag:$0x3], $0x80, s20, s21, $0xb8;
	[tilespmem:$0x19200] =	vst v63  }
0x73: {  	_ =	swait.ge [sflag:s19], $0x2800  }
0x74: {  	s31 =	sshrl.u32 s30, $0x3;
	[sflag:s19] =	ssyncset.done $0x0  }
0x75: {  	s2 =	sadd.s32 s4, s31;
	[sflag:s19] =	ssyncadd.s32 $0xFFFFD800  }
0x76: {  	[tilespmem:s3], [sflag:$0x3] =	stream.linear.gather [hbm4b:s2+s3], $0x50, $0x38;
	[tilespmem:$0x19200] =	vst v63  }
0x77: {  	_ =	swait.ge [sflag:s19], $0x50  }
0x78: {  	[sflag:s19] =	ssyncset.done $0x0  }
0x79: {  	s0 =	sadd.s32 s5, s31;
	[sflag:s19] =	ssyncadd.s32 $0xFFFFFFB0  }
0x7a: {  	[tilespmem:s20], [sflag:$0x3] =	stream.linear.gather [hbm4b:s0+s3], $0x50, $0x38;
	[tilespmem:$0x19200] =	vst v63  }
0x7b: {  	_ =	swait.ge [sflag:s19], $0x50  }
0x7c: {  	[sflag:s19] =	ssyncset.done $0x0  }
0x7d: {  	[sflag:s19] =	ssyncadd.s32 $0xFFFFFFB0  }
0x7e: {  	[tilespmem:s22], [sflag:$0x1] =	stream.indirect.gather [hbm4b:s6+s21], $0x80, s3, s21, $0xb8;
	[tilespmem:$0x19200] =	vst v63  }
0x7f: {  	_ =	swait.ge [sflag:s28], $0x2800  }
0x80: {  	[sflag:s28] =	ssyncset.done $0x0  }
0x81: {  	[sflag:s28] =	ssyncadd.s32 $0xFFFFD800  }
0x82: {  	[spmem:s1] =	stream.indirect.scatter.add.f32 [tilespmem:s25], [sflag:$0x3], $0x80, s24, s21, $0xb8;
	[tilespmem:$0x19200] =	vst v63  }
0x83: {  	_ =	swait.ge [sflag:s19], $0x2800  }
0x84: {  	[sflag:s19] =	ssyncset.done $0x0  }
0x85: {  	[sflag:s19] =	ssyncadd.s32 $0xFFFFD800  }
0x86: {  	[tilespmem:s23], [sflag:$0x3] =	stream.linear.gather [hbm4b:s13+s3], $0x50, $0x38;
	[tilespmem:$0x19200] =	vst v63  }
0x87: {  	_ =	swait.ge [sflag:s19], $0x50  }
0x88: {  	[sflag:s19] =	ssyncset.done $0x0  }
0x89: {  	[sflag:s19] =	ssyncadd.s32 $0xFFFFFFB0  }
0x8a: {  	[tilespmem:s24], [sflag:$0x3] =	stream.linear.gather [hbm4b:s14+s3], $0x50, $0x38;
	[tilespmem:$0x19200] =	vst v63  }
0x8b: {  	_ =	swait.ge [sflag:s19], $0x50  }
0x8c: {  	[sflag:s19] =	ssyncset.done $0x0  }
0x8d: {  	[sflag:s19] =	ssyncadd.s32 $0xFFFFFFB0  }
0x8e: {  	[tilespmem:s25], [sflag:$0x2] =	stream.indirect.gather [hbm4b:s6+s21], $0x80, s23, s21, $0xb8;
	[tilespmem:$0x19200] =	vst v63  }
0x8f: {  	_ =	swait.ge [sflag:s26], $0x2800  }
0x90: {  	[sflag:s26] =	ssyncset.done $0x0  }
0x91: {  	[sflag:s26] =	ssyncadd.s32 $0xFFFFD800  }
0x92: {  	[spmem:s1] =	stream.indirect.scatter.add.f32 [tilespmem:s22], [sflag:$0x3], $0x80, s20, s21, $0xb8;
	[tilespmem:$0x19200] =	vst v63  }
0x93: {  	_ =	swait.ge [sflag:s19], $0x2800  }
0x94: {  	[sflag:s19] =	ssyncset.done $0x0  }
0x95: {  	[sflag:s19] =	ssyncadd.s32 $0xFFFFD800  }
0x96: {  	_ =	swait.ge [sflag:s28], $0x2800  }
0x97: {  	[sflag:s28] =	ssyncset.done $0x0  }
0x98: {  	[sflag:s28] =	ssyncadd.s32 $0xFFFFD800  }
0x99: {  	[spmem:s1] =	stream.indirect.scatter.add.f32 [tilespmem:s25], [sflag:$0x3], $0x80, s24, s21, $0xb8;
	[tilespmem:$0x19200] =	vst v63  }
0x9a: {  	_ =	swait.ge [sflag:s19], $0x2800  }
0x9b: {  	s29 =	sadd.s32 $0x1, s29;
	[sflag:s19] =	ssyncset.done $0x0  }
0x9c: {  	p0 =	sne.s32 s29, s12;
	[sflag:s19] =	ssyncadd.s32 $0xFFFFD800  }
.Ltmp1:
0x9d: {  	[bflag:$0x0] =	sbarrier.arrive $0xFFFF;
	(pc) =	sbr.rel @p0 .LBB2_1-.Ltmp1, $4  }
0x9e: {  	[hbm:s11], [sflag:s8] =	dma.local [spmem:s18], $0x2800  }
0x9f: {  	_ =	swait.ge [sflag:s19], $0x2800  }
0xa0: {  	[sflag:s19] =	ssyncset.done $0x0  }
0xa1: {  	[sflag:s19] =	ssyncadd.s32 $0xFFFFD800  }
0xa2: {  	_ =	sfence.sel $0x180000  }
0xa3: {  	[bflag:$0x0] =	sbarrier.arrive $0xFFFF  }
0xa4: {  	_ =	strace $0x9000004D  }
0xa5: {  	s0 =	stileid.u32;
	[bflag:$0x2] =	sbarrier.arrive $0xFFFF  }
0xa6: {  	p0 =	sne.s32 s0, $0x0;
	s0 =	rddreg [dreg:$0x2]  }
0xa7: {  	s0 =	sadd.s32 @!p0 $0x100000, s0  }
0xa8: {  	[sflag:s0] =	ssyncadd.tile.s32 @!p0 $0x1;
	_ =	shalt  }
.Lfunc_end2:
_tile_overlayer_lowered:
.L_overlay_start_2:
0xa9: {  	(tag) =	ssettag $0x2  }
0xaa: {  	s0 =	rddreg [dreg:$0x0];
	s2 =	stileid.u32  }
0xab: {  	s1 =	rddreg [dreg:$0x1];
	p0 =	sne.s32 s2, $0x0  }
0xac: {  	s3 =	rddreg [dreg:$0x2];
	[bflag:$0x3] =	sbarrier.arrive $0xFFFF;
	s2 =	simm.s32 @!p0 $0x1C03  }
0xad: {  	[timem:s3], [sflag:s2] =	dma.local @!p0 [hbm:s0], s1  }
0xae: {  	s0 =	simm.s32 @!p0 $0x3  }
0xaf: {  	_ =	swait.ge @!p0 [sflag:s0], s1  }
0xb0: {  	s1 =	ssub.s32 @!p0 $0x0, s1;
	[sflag:s0] =	ssyncset.done @!p0 $0x0  }
0xb1: {  	[sflag:s0] =	ssyncadd.s32 @!p0 s1  }
0xb2: {  	[bflag:$0x3] =	sbarrier.arrive $0xFFFF  }
0xb3: {  	_ =	shalt  }

// kernel: kernel.23.cloned.1.call-start
scs
__scs_entry_jumppad:
0x0: {  	(pc) =	sbr.rel $0x88, $3  }
0x1: {  	(tag) =	ssettag $0x0;
	lr =	simm.s32 $0x1  }
0x2: {  	[smem:$0x3F8F] =	sst lr;
	_ =	strace $0xD0000000  }
0x3: {  	_ = 	snop  }
0x4: {  	_ = 	snop  }
0x5: {  	_ = 	snop  }
0x6: {  	_ = 	snop  }
0x7: {  	_ = 	snop  }
__scs_overlays_trampoline_lowered:
0x8: {  	[smem:$0x3F9E] =	sst s0  }
0x9: {  	[smem:$0x3F9F] =	sst s1  }
0xa: {  	[smem:$0x3FA0] =	sst s2  }
0xb: {  	[smem:$0x3FA1] =	sst s3  }
0xc: {  	[smem:$0x3FA2] =	sst s4  }
0xd: {  	[smem:$0x3FA3] =	sst s5  }
0xe: {  	[smem:$0x3FA4] =	sst s6  }
0xf: {  	[smem:$0x3FA5] =	sst s7  }
0x10: {  	[smem:$0x3FA6] =	sst s8  }
0x11: {  	[smem:$0x3FA7] =	sst s9;
	s0 =	simm.s32 @!p0 $0x0  }
0x12: {  	s1 =	sld [smem:$0x3F8D];
	s0 =	simm.s32 @p0 $0x1  }
0x13: {  	[smem:$0x3FA8] =	sst s0;
	s0 =	simm.s32 @!p1 $0x0  }
0x14: {  	s2 =	sld [smem:$0x3F8C];
	s0 =	simm.s32 @p1 $0x1  }
0x15: {  	[smem:$0x3FA9] =	sst s0;
	s0 =	simm.s32 @!p2 $0x0  }
0x16: {  	s3 =	sld [smem:$0x3FDB];
	s0 =	simm.s32 @p2 $0x1  }
0x17: {  	s4 =	simm.s32 $0x1BF5;
	[smem:$0x3FAB] =	sst s0  }
0x18: {  	s0 =	sld [smem:$0x3F8E];
	_ =	swait.ge [sflag:s4], $0x0  }
0x19: {  	s7 =	sld [smem:$0x3F8F]  }
0x1a: {  	s8 =	sadd.s32 $0xFFFFE003, lr  }
0x1b: {  	s9 =	sadd.s32 $0xFFFFFEF7, lr;
	s5 =	simm.s32 $0xFFFFFFFF;
	p2 =	slt.u32 s8, $0xFFFFF086  }
0x1c: {  	p1 =	slt.u32 s9, $0xF7A;
	s5 =	simm.s32 @!p2 $0x0  }
0x1d: {  	s5 =	simm.s32 @p1 $0x1;
	p0 =	seq.s32 s7, s2  }
0x1e: {  	s7 =	smul.u32 @!p0 $0xF7A, s2;
	p2 =	seq.s32 @!p0 s5, $0x0  }
0x1f: {  	s9 =	smul.u32 $0xF7A, s1;
	s8 =	simm.s32 @!p0 $0x1BF5;
	p2 =	por !p2, p0  }
0x20: {  	[sflag:s8] =	ssyncset.s32 @!p0 $0xFFFFF086;
	s6 =	sadd.s32 @!p0 s3, s7;
	s7 =	simm.s32 @!p0 $0x108  }
0x21: {  	s3 =	sadd.s32 s3, s9;
	s6 =	sadd.s32 @!p0 $0x88, s6;
	s7 =	simm.s32 @p2 $0x1082  }
0x22: {  	[simem:s7], [sflag:s8] =	dma.local @!p0 [hbm:s6], $0xF7A  }
0x23: {  	s9 =	sor.u32 $0xD0000000, s2;
	s6 =	simm.s32 $0x108;
	_ =	swait.ge @!p0 [sflag:s8], $0x0  }
0x24: {  	s3 =	sadd.s32 $0x88, s3;
	s6 =	simm.s32 @!p1 $0x1082;
	[sflag:s4] =	ssyncset.s32 $0xFFFFF086  }
0x25: {  	[simem:s6], [sflag:s4] =	dma.local [hbm:s3], $0xF7A  }
0x26: {  	[smem:$0x3F8F] =	sst s1;
	(tag) =	ssettag s2;
	_ =	strace s9  }
0x27: {  	s1 =	sld [smem:$0x3F9F]  }
0x28: {  	s2 =	sld [smem:$0x3FA0]  }
0x29: {  	s4 =	sld [smem:$0x3FA2]  }
0x2a: {  	p0 =	seq.s32 s5, $0x0;
	s5 =	sld [smem:$0x3FA3]  }
0x2b: {  	s6 =	sld [smem:$0x3FA4]  }
0x2c: {  	s7 =	sld [smem:$0x3FA5]  }
0x2d: {  	s3 =	simm.s32 $0x108;
	s8 =	sld [smem:$0x3FA6]  }
0x2e: {  	s3 =	simm.s32 @!p0 $0x1082;
	s9 =	sld [smem:$0x3FA7]  }
0x2f: {  	lr =	sadd.s32 s0, s3;
	s0 =	sld [smem:$0x3F9E]  }
0x30: {  	s3 =	sld [smem:$0x3FA1]  }
0x31: {  	[smem:$0x3FAA] =	sst s10  }
0x32: {  	s10 =	sld [smem:$0x3FA8];
	_ =	sdelay $0x3  }
0x33: {  	p0 =	seq.s32 s10, $0x1;
	s10 =	sld [smem:$0x3FAA];
	_ =	sdelay $0x3  }
0x34: {  	[smem:$0x3FAA] =	sst s10  }
0x35: {  	s10 =	sld [smem:$0x3FA9];
	_ =	sdelay $0x3  }
0x36: {  	p1 =	seq.s32 s10, $0x1;
	s10 =	sld [smem:$0x3FAA];
	_ =	sdelay $0x3  }
0x37: {  	[smem:$0x3FAA] =	sst s10  }
0x38: {  	s10 =	sld [smem:$0x3FAB]  }
0x39: {  	_ = 	snop;
	(pc) =	sbr.ind lr, $3  }
0x3a: {  	_ = 	snop  }
0x3b: {  	_ = 	snop  }
0x3c: {  	p2 =	seq.s32 s10, $0x1;
	s10 =	sld [smem:$0x3FAA]  }
0x3d: {  	_ =	shalt  }
0x3e: {  	_ =	shalt  }
0x3f: {  	_ =	shalt  }
0x40: {  	_ =	shalt  }
0x41: {  	_ =	shalt  }
0x42: {  	_ =	shalt  }
0x43: {  	_ =	shalt  }
0x44: {  	_ =	shalt  }
0x45: {  	_ =	shalt  }
0x46: {  	_ =	shalt  }
0x47: {  	_ =	shalt  }
0x48: {  	_ =	shalt  }
0x49: {  	_ =	shalt  }
0x4a: {  	_ =	shalt  }
0x4b: {  	_ =	shalt  }
0x4c: {  	_ =	shalt  }
0x4d: {  	_ =	shalt  }
0x4e: {  	_ =	shalt  }
0x4f: {  	_ =	shalt  }
0x50: {  	_ =	shalt  }
0x51: {  	_ =	shalt  }
0x52: {  	_ =	shalt  }
0x53: {  	_ =	shalt  }
0x54: {  	_ =	shalt  }
0x55: {  	_ =	shalt  }
0x56: {  	_ =	shalt  }
0x57: {  	_ =	shalt  }
0x58: {  	_ =	shalt  }
0x59: {  	_ =	shalt  }
0x5a: {  	_ =	shalt  }
0x5b: {  	_ =	shalt  }
0x5c: {  	_ =	shalt  }
0x5d: {  	_ =	shalt  }
0x5e: {  	_ =	shalt  }
0x5f: {  	_ =	shalt  }
0x60: {  	_ =	shalt  }
0x61: {  	_ =	shalt  }
0x62: {  	_ =	shalt  }
0x63: {  	_ =	shalt  }
0x64: {  	_ =	shalt  }
0x65: {  	_ =	shalt  }
0x66: {  	_ =	shalt  }
0x67: {  	_ =	shalt  }
0x68: {  	_ =	shalt  }
0x69: {  	_ =	shalt  }
0x6a: {  	_ =	shalt  }
0x6b: {  	_ =	shalt  }
0x6c: {  	_ =	shalt  }
0x6d: {  	_ =	shalt  }
0x6e: {  	_ =	shalt  }
0x6f: {  	_ =	shalt  }
0x70: {  	_ =	shalt  }
0x71: {  	_ =	shalt  }
0x72: {  	_ =	shalt  }
0x73: {  	_ =	shalt  }
0x74: {  	_ =	shalt  }
0x75: {  	_ =	shalt  }
0x76: {  	_ =	shalt  }
0x77: {  	_ =	shalt  }
0x78: {  	_ =	shalt  }
0x79: {  	_ =	shalt  }
0x7a: {  	_ =	shalt  }
0x7b: {  	_ =	shalt  }
0x7c: {  	_ =	shalt  }
0x7d: {  	_ =	shalt  }
0x7e: {  	_ =	shalt  }
0x7f: {  	_ =	shalt  }
0x80: {  	_ =	shalt  }
0x81: {  	_ =	shalt  }
0x82: {  	_ =	shalt  }
0x83: {  	_ =	shalt  }
0x84: {  	_ =	shalt  }
0x85: {  	_ =	shalt  }
0x86: {  	_ =	shalt  }
0x87: {  	_ =	shalt  }
.Lfunc_end0:
.L_simem_size_0:
called_computation.3_lowered:
.L_overlay_start_0:
0x88: {  	s2 =	sld [smem:$0x3FD9]  }
0x89: {  	s3 =	sld [smem:$0x3FFE];
	_ =	sdelay $0x1  }
0x8a: {  	s1 =	srdreg.scid  }
0x8b: {  	s0 =	sand.u32 $0x1, s1  }
0x8c: {  	s16 =	sshll.u32 s0, $0xA;
	s2 =	sadd.s32 s3, s2  }
0x8d: {  	s2 =	sadd.s32 s2, s16  }
0x8e: {  	[smem:$0x3FB6] =	sst s2  }
0x8f: {  	_ = 	snop  }
0x90: {  	(tm) =	ssettm $0x1  }
0x91: {  	s17 =	sld [smem:$0x3FFB];
	_ =	sdelay $0x3  }
0x92: {  	_ =	strace s17  }
0x93: {  	s2 =	sld [smem:$0x3FFC];
	_ =	sdelay $0x3  }
0x94: {  	_ =	strace s2  }
0x95: {  	s2 =	sld [smem:$0x3FFD];
	_ =	sdelay $0x3  }
0x96: {  	_ =	strace s2  }
0x97: {  	_ =	strace $0x8FFFFFFF  }
0x98: {  	s18 =	sld [smem:$0x3FDB];
	_ =	sdelay $0x1  }
0x99: {  	s19 =	simm.s32 $_scs_section_size  }
0x9a: {  	s4 =	simm.s32 $_size__tile_overlayer_lowered;
	s5 =	simm.s32 $_tile_overlayer_lowered  }
0x9b: {  	s22 =	simm.s32 $0x1BFF;
	s21 =	sshll.u32 s5, $0x1;
	s2 =	sadd.s32 s19, s18  }
0x9c: {  	s6 =	simm.s32 $0x0;
	s20 =	sshll.u32 s4, $0x1;
	s4 =	sadd.s32 s21, s2  }
0x9d: {  	[timem:s6], [sflag:s22] =	dma.local [hbm:s4], s20  }
0x9e: {  	_ =	swait.ge [sflag:s22], s20  }
0x9f: {  	s3 =	ssub.s32 $0x0, s20;
	[sflag:s22] =	ssyncset.done $0x0  }
0xa0: {  	[sflag:s22] =	ssyncadd.s32 s3;
	_ =	sdelay $0x1  }
0xa1: {  	s23 =	simm.s32 $0x1B8B  }
0xa2: {  	_ =	swait.ge [sflag:s23], $0x1  }
0xa3: {  	[sflag:s23] =	ssyncset.done $0x0  }
0xa4: {  	s25 =	simm.s32 $0x1B8E;
	s24 =	sld [smem:$0x3FFE];
	[sflag:s23] =	ssyncadd.s32 $0xFFFFFFFF  }
0xa5: {  	s26 =	simm.s32 $execute0_lowered;
	[smem:$0x3FD2] =	sst s25  }
0xa6: {  	s4 =	sshll.u32 s26, $0x1;
	_ =	strace $0x8000004F;
	[dreg:$0x1] =	wrdreg $0xFFFFFFFF  }
0xa7: {  	s28 =	simm.s32 $_size_execute0_lowered;
	s2 =	sadd.s32 s2, s4;
	[dreg:$0x0] =	wrdreg $0x0  }
0xa8: {  	s4 =	sshll.u32 s28, $0x1;
	[dreg:$0x2] =	wrdreg s2  }
0xa9: {  	[dreg:$0x3] =	wrdreg s4  }
0xaa: {  	[dreg:$0x4] =	wrdreg $0xC0  }
0xab: {  	_ =	task [dreg:s6], $0x5FFFF  }
0xac: {  	[dreg:$0x1] =	wrdreg $0xFFFFFFFF  }
0xad: {  	[dreg:$0x0] =	wrdreg $0x60  }
0xae: {  	[dreg:$0x2] =	wrdreg s24  }
0xaf: {  	[dreg:$0x3] =	wrdreg $0x52000  }
0xb0: {  	[dreg:$0x4] =	wrdreg $0x9  }
0xb1: {  	_ =	task.clear_ibuf [dreg:s6], $0x5FFFF;
	_ =	strace $0x9000004F  }
0xb2: {  	s29 =	simm.s32 $0x9;
	_ =	strace $0x80000051  }
0xb3: {  	_ =	swait.ge [sflag:s29], $0x1  }
0xb4: {  	[sflag:s29] =	ssyncadd.s32 $0xFFFFFFFF  }
0xb5: {  	_ =	strace $0x90000051  }
0xb6: {  	_ =	sfence  }
0xb7: {  	s30 =	sld [smem:$0x0];
	_ =	sdelay $0x2  }
0xb8: {  	s31 =	sshll.u32 s1, $0xD;
	s1 =	sshrl.u32 s1, $0x2  }
0xb9: {  	s3 =	sand.u32 $0x4000, s31;
	s1 =	sadd.s32 s1, s30  }
0xba: {  	s0 =	sor.u32 s3, s0;
	s1 =	sshll.u32 s1, $0x11  }
0xbb: {  	s0 =	sor.u32 s1, s0  }
0xbc: {  	s0 =	sadd.s32 $0x8F2B, s0  }
0xbd: {  	[sflag:s0] =	ssyncadd.remote.s32 $0x1  }
0xbe: {  	_ =	sfence.sel $0xFFFF  }
0xbf: {  	[dreg:$0x0] =	wrdreg $0xFFFFFFFF;
	(pc) =	sbr.abs _section_cstart, $3  }
0xc0: {  	[dreg:$0x1] =	wrdreg $0xFFFFFFFF  }
0xc1: {  	_ =	task.clear_ibuf [dreg:s6], $0x2FFFF;
	_ =	strace $0x9FFFFFFF  }
0xc2: {  	(tm) =	ssettm $0x7FFFFFFF  }
0xc3: {  	_ =	shalt  }
tec
execute0_lowered:
.L_overlay_start_1:
0x0: {  	(tag) =	ssettag $0x1  }
0x1: {  	s0 =	rddreg [dreg:$0x0]  }
0x2: {  	s1 =	rddreg [dreg:$0x1]  }
0x3: {  	s2 =	srdreg.scid;
	s3 =	simm.s32 $0x0;
	s12 =	stileid.u32  }
0x4: {  	s19 =	simm.s32 $0x3;
	s20 =	simm.s32 $0x80;
	s28 =	simm.s32 $0x2  }
0x5: {  	s29 =	simm.s32 $0x0;
	s2 =	sand.u32 $0x1, s2;
	s8 =	smul.u32 $0x2800, s12  }
0x6: {  	[smem:$0x7FF] =	sst s3;
	s4 =	sadd.s32 $0x4000, s0;
	s9 =	smul.u32 $0x50000, s12  }
0x7: {  	s5 =	sadd.s32 $0x17A00, s0;
	s6 =	sadd.s32 $0x2B400, s0;
	s11 =	smul.u32 $0x4E20, s12  }
0x8: {  	s21 =	sadd.s32 $0xCB400, s0;
	s24 =	sshll.u32 s12, $0x6;
	s7 =	smul.u32 $0x28000, s2  }
0x9: {  	_ =	strace $0x80000050;
	s10 =	smul.u32 $0x4E200, s2;
	s2 =	ssub.s32 $0x2, s2  }
0xa: {  	[dreg:$0x3] =	wrdreg s21;
	s21 =	simm.s32 $0x50;
	s22 =	sshrl.u32 s2, $0x1  }
0xb: {  	s23 =	sshrl.u32 s9, $0x2;
	s8 =	sadd.s32 s8, s7;
	s2 =	ssub.s32 s2, s22  }
0xc: {  	s15 =	sadd.s32 s11, s10;
	s18 =	sadd.s32 s23, s1;
	s22 =	simm.s32 $0x200  }
0xd: {  	s23 =	simm.s32 $0x100;
	s0 =	sadd.s32 s8, s0;
	s25 =	sshrl.u32 s15, $0x3  }
0xe: {  	s8 =	sor.u32 $0x1C03, s24;
	s14 =	sadd.s32 $0x50, s15;
	s12 =	smax.u32 s2, $0x1  }
0xf: {  	s15 =	sadd.s32 $0xA0, s15;
	s18 =	sshrl.u32 s18, $0x3;
	s24 =	simm.s32 $0x180  }
0x10: {  	s26 =	sadd.s32 s4, s25;
	s10 =	sadd.s32 s5, s25;
	s11 =	sadd.s32 $0xCDC00, s0  }
0x11: {  	s30 =	sadd.s32 $0x9BA, s25;
	s31 =	sshrl.u32 s14, $0x3;
	s25 =	simm.s32 $0x2A00  }
0x12: {  	[dreg:$0x4] =	wrdreg s26;
	s13 =	sadd.s32 s4, s30;
	s14 =	sadd.s32 s5, s30  }
0x13: {  	s16 =	sadd.s32 s31, s5;
	s17 =	sadd.s32 s31, s4;
	s26 =	simm.s32 $0x1  }
.LBB2_1:
0x14: {  	s0 =	rddreg [dreg:$0x3]  }
0x15: {  	[spmem:s18], [sflag:s8] =	dma.local [hbm:s0], $0x2800  }
0x16: {  	_ =	swait.ge [sflag:s19], $0x2800  }
0x17: {  	[sflag:s19] =	ssyncset.done $0x0  }
0x18: {  	[sflag:s19] =	ssyncadd.s32 $0xFFFFD800  }
0x19: {  	[bflag:$0x0] =	sbarrier.arrive $0xFFFF  }
0x1a: {  	s9 =	rddreg [dreg:$0x4]  }
0x1b: {  	[tilespmem:s3], [sflag:$0x3] =	stream.linear.gather [hbm4b:s9+s3], $0x50, $0x38;
	[tilespmem:$0x19200] =	vst v63  }
0x1c: {  	_ =	swait.ge [sflag:s19], $0x50  }
0x1d: {  	[sflag:s19] =	ssyncset.done $0x0  }
0x1e: {  	[sflag:s19] =	ssyncadd.s32 $0xFFFFFFB0  }
0x1f: {  	[tilespmem:s20], [sflag:$0x3] =	stream.linear.gather [hbm4b:s10+s3], $0x50, $0x38;
	[tilespmem:$0x19200] =	vst v63  }
0x20: {  	_ =	swait.ge [sflag:s19], $0x50  }
0x21: {  	[sflag:s19] =	ssyncset.done $0x0  }
0x22: {  	[sflag:s19] =	ssyncadd.s32 $0xFFFFFFB0  }
0x23: {  	[tilespmem:s22], [sflag:$0x1] =	stream.indirect.gather [hbm4b:s6+s21], $0x80, s3, s21, $0xb8;
	[tilespmem:$0x19200] =	vst v63  }
0x24: {  	s2 =	sadd.s32 $0x0, s17  }
0x25: {  	[tilespmem:s23], [sflag:$0x3] =	stream.linear.gather [hbm4b:s2+s3], $0x50, $0x38;
	[tilespmem:$0x19200] =	vst v63  }
0x26: {  	_ =	swait.ge [sflag:s19], $0x50  }
0x27: {  	[sflag:s19] =	ssyncset.done $0x0  }
0x28: {  	s7 =	sadd.s32 $0x0, s16;
	[sflag:s19] =	ssyncadd.s32 $0xFFFFFFB0  }
0x29: {  	[tilespmem:s24], [sflag:$0x3] =	stream.linear.gather [hbm4b:s7+s3], $0x50, $0x38;
	[tilespmem:$0x19200] =	vst v63  }
0x2a: {  	_ =	swait.ge [sflag:s19], $0x50  }
0x2b: {  	[sflag:s19] =	ssyncset.done $0x0  }
0x2c: {  	[sflag:s19] =	ssyncadd.s32 $0xFFFFFFB0  }
0x2d: {  	[tilespmem:s25], [sflag:$0x2] =	stream.indirect.gather [hbm4b:s6+s21], $0x80, s23, s21, $0xb8;
	[tilespmem:$0x19200] =	vst v63  }
0x2e: {  	_ =	swait.ge [sflag:s26], $0x2800  }
0x2f: {  	[sflag:s26] =	ssyncset.done $0x0  }
0x30: {  	[sflag:s26] =	ssyncadd.s32 $0xFFFFD800  }
0x31: {  	[spmem:s1] =	stream.indirect.scatter.add.f32 [tilespmem:s22], [sflag:$0x3], $0x80, s20, s21, $0xb8;
	[tilespmem:$0x19200] =	vst v63  }
0x32: {  	_ =	swait.ge [sflag:s19], $0x2800  }
0x33: {  	s9 =	sshrl.u32 s15, $0x3;
	[sflag:s19] =	ssyncset.done $0x0  }
0x34: {  	s2 =	sadd.s32 s4, s9;
	[sflag:s19] =	ssyncadd.s32 $0xFFFFD800  }
0x35: {  	[tilespmem:s3], [sflag:$0x3] =	stream.linear.gather [hbm4b:s2+s3], $0x50, $0x38;
	[tilespmem:$0x19200] =	vst v63  }
0x36: {  	_ =	swait.ge [sflag:s19], $0x50  }
0x37: {  	[sflag:s19] =	ssyncset.done $0x0  }
0x38: {  	s0 =	sadd.s32 s5, s9;
	[sflag:s19] =	ssyncadd.s32 $0xFFFFFFB0  }
0x39: {  	[tilespmem:s20], [sflag:$0x3] =	stream.linear.gather [hbm4b:s0+s3], $0x50, $0x38;
	[tilespmem:$0x19200] =	vst v63  }
0x3a: {  	_ =	swait.ge [sflag:s19], $0x50  }
0x3b: {  	[sflag:s19] =	ssyncset.done $0x0  }
0x3c: {  	[sflag:s19] =	ssyncadd.s32 $0xFFFFFFB0  }
0x3d: {  	[tilespmem:s22], [sflag:$0x1] =	stream.indirect.gather [hbm4b:s6+s21], $0x80, s3, s21, $0xb8;
	[tilespmem:$0x19200] =	vst v63  }
0x3e: {  	_ =	swait.ge [sflag:s28], $0x2800  }
0x3f: {  	[sflag:s28] =	ssyncset.done $0x0  }
0x40: {  	[sflag:s28] =	ssyncadd.s32 $0xFFFFD800  }
0x41: {  	[spmem:s1] =	stream.indirect.scatter.add.f32 [tilespmem:s25], [sflag:$0x3], $0x80, s24, s21, $0xb8;
	[tilespmem:$0x19200] =	vst v63  }
0x42: {  	s31 =	simm.s32 $0x14;
	_ =	swait.ge [sflag:s19], $0x2800  }
0x43: {  	s30 =	sadd.s32 $0xA0, s15;
	s0 =	simm.s32 $0x28;
	[sflag:s19] =	ssyncset.done $0x0  }
.LBB2_2:
0x44: {  	s7 =	sadd.s32 s31, s17  }
0x45: {  	[sflag:s19] =	ssyncadd.s32 $0xFFFFD800;
	s9 =	smov.u32 s0;
	s2 =	sadd.s32 $0x14, s0  }
0x46: {  	[tilespmem:s23], [sflag:$0x3] =	stream.linear.gather [hbm4b:s7+s3], $0x50, $0x38;
	[tilespmem:$0x19200] =	vst v63  }
0x47: {  	p0 =	sne.s32 s0, $0x99C;
	_ =	swait.ge [sflag:s19], $0x50  }
0x48: {  	[sflag:s19] =	ssyncset.done $0x0  }
0x49: {  	s0 =	sadd.s32 s31, s16;
	s31 =	smov.u32 s9;
	[sflag:s19] =	ssyncadd.s32 $0xFFFFFFB0  }
0x4a: {  	[tilespmem:s24], [sflag:$0x3] =	stream.linear.gather [hbm4b:s0+s3], $0x50, $0x38;
	[tilespmem:$0x19200] =	vst v63  }
0x4b: {  	_ =	swait.ge [sflag:s19], $0x50  }
0x4c: {  	[sflag:s19] =	ssyncset.done $0x0  }
0x4d: {  	[sflag:s19] =	ssyncadd.s32 $0xFFFFFFB0  }
0x4e: {  	[tilespmem:s25], [sflag:$0x2] =	stream.indirect.gather [hbm4b:s6+s21], $0x80, s23, s21, $0xb8;
	[tilespmem:$0x19200] =	vst v63  }
0x4f: {  	_ =	swait.ge [sflag:s26], $0x2800  }
0x50: {  	[sflag:s26] =	ssyncset.done $0x0  }
0x51: {  	[sflag:s26] =	ssyncadd.s32 $0xFFFFD800  }
0x52: {  	[spmem:s1] =	stream.indirect.scatter.add.f32 [tilespmem:s22], [sflag:$0x3], $0x80, s20, s21, $0xb8;
	[tilespmem:$0x19200] =	vst v63  }
0x53: {  	_ =	swait.ge [sflag:s19], $0x2800  }
0x54: {  	s0 =	sshrl.u32 s30, $0x3;
	[sflag:s19] =	ssyncset.done $0x0  }
0x55: {  	s7 =	sadd.s32 s4, s0;
	[sflag:s19] =	ssyncadd.s32 $0xFFFFD800  }
0x56: {  	[tilespmem:s3], [sflag:$0x3] =	stream.linear.gather [hbm4b:s7+s3], $0x50, $0x38;
	[tilespmem:$0x19200] =	vst v63  }
0x57: {  	_ =	swait.ge [sflag:s19], $0x50  }
0x58: {  	[sflag:s19] =	ssyncset.done $0x0  }
0x59: {  	s0 =	sadd.s32 s5, s0;
	[sflag:s19] =	ssyncadd.s32 $0xFFFFFFB0  }
0x5a: {  	[tilespmem:s20], [sflag:$0x3] =	stream.linear.gather [hbm4b:s0+s3], $0x50, $0x38;
	[tilespmem:$0x19200] =	vst v63  }
0x5b: {  	_ =	swait.ge [sflag:s19], $0x50  }
0x5c: {  	[sflag:s19] =	ssyncset.done $0x0  }
0x5d: {  	[sflag:s19] =	ssyncadd.s32 $0xFFFFFFB0  }
0x5e: {  	[tilespmem:s22], [sflag:$0x1] =	stream.indirect.gather [hbm4b:s6+s21], $0x80, s3, s21, $0xb8;
	[tilespmem:$0x19200] =	vst v63  }
0x5f: {  	_ =	swait.ge [sflag:s28], $0x2800  }
.Ltmp0:
0x60: {  	[sflag:s28] =	ssyncset.done $0x0;
	(pc) =	sbr.rel @p0 .LBB2_2-.Ltmp0, $4  }
0x61: {  	[sflag:s28] =	ssyncadd.s32 $0xFFFFD800  }
0x62: {  	[spmem:s1] =	stream.indirect.scatter.add.f32 [tilespmem:s25], [sflag:$0x3], $0x80, s24, s21, $0xb8;
	[tilespmem:$0x19200] =	vst v63  }
0x63: {  	_ =	swait.ge [sflag:s19], $0x2800  }
0x64: {  	s30 =	sadd.s32 $0xA0, s30;
	s0 =	smov.u32 s2;
	[sflag:s19] =	ssyncset.done $0x0  }
0x65: {  	s0 =	sadd.s32 s31, s17;
	[sflag:s19] =	ssyncadd.s32 $0xFFFFD800  }
0x66: {  	[tilespmem:s23], [sflag:$0x3] =	stream.linear.gather [hbm4b:s0+s3], $0x50, $0x38;
	[tilespmem:$0x19200] =	vst v63  }
0x67: {  	_ =	swait.ge [sflag:s19], $0x50  }
0x68: {  	[sflag:s19] =	ssyncset.done $0x0  }
0x69: {  	s9 =	sadd.s32 s31, s16;
	[sflag:s19] =	ssyncadd.s32 $0xFFFFFFB0  }
0x6a: {  	[tilespmem:s24], [sflag:$0x3] =	stream.linear.gather [hbm4b:s9+s3], $0x50, $0x38;
	[tilespmem:$0x19200] =	vst v63  }
0x6b: {  	_ =	swait.ge [sflag:s19], $0x50  }
0x6c: {  	[sflag:s19] =	ssyncset.done $0x0  }
0x6d: {  	[sflag:s19] =	ssyncadd.s32 $0xFFFFFFB0  }
0x6e: {  	[tilespmem:s25], [sflag:$0x2] =	stream.indirect.gather [hbm4b:s6+s21], $0x80, s23, s21, $0xb8;
	[tilespmem:$0x19200] =	vst v63  }
0x6f: {  	_ =	swait.ge [sflag:s26], $0x2800  }
0x70: {  	[sflag:s26] =	ssyncset.done $0x0  }
0x71: {  	[sflag:s26] =	ssyncadd.s32 $0xFFFFD800  }
0x72: {  	[spmem:s1] =	stream.indirect.scatter.add.f32 [tilespmem:s22], [sflag:$0x3], $0x80, s20, s21, $0xb8;
	[tilespmem:$0x19200] =	vst v63  }
0x73: {  	_ =	swait.ge [sflag:s19], $0x2800  }
0x74: {  	s31 =	sshrl.u32 s30, $0x3;
	[sflag:s19] =	ssyncset.done $0x0  }
0x75: {  	s2 =	sadd.s32 s4, s31;
	[sflag:s19] =	ssyncadd.s32 $0xFFFFD800  }
0x76: {  	[tilespmem:s3], [sflag:$0x3] =	stream.linear.gather [hbm4b:s2+s3], $0x50, $0x38;
	[tilespmem:$0x19200] =	vst v63  }
0x77: {  	_ =	swait.ge [sflag:s19], $0x50  }
0x78: {  	[sflag:s19] =	ssyncset.done $0x0  }
0x79: {  	s0 =	sadd.s32 s5, s31;
	[sflag:s19] =	ssyncadd.s32 $0xFFFFFFB0  }
0x7a: {  	[tilespmem:s20], [sflag:$0x3] =	stream.linear.gather [hbm4b:s0+s3], $0x50, $0x38;
	[tilespmem:$0x19200] =	vst v63  }
0x7b: {  	_ =	swait.ge [sflag:s19], $0x50  }
0x7c: {  	[sflag:s19] =	ssyncset.done $0x0  }
0x7d: {  	[sflag:s19] =	ssyncadd.s32 $0xFFFFFFB0  }
0x7e: {  	[tilespmem:s22], [sflag:$0x1] =	stream.indirect.gather [hbm4b:s6+s21], $0x80, s3, s21, $0xb8;
	[tilespmem:$0x19200] =	vst v63  }
0x7f: {  	_ =	swait.ge [sflag:s28], $0x2800  }
0x80: {  	[sflag:s28] =	ssyncset.done $0x0  }
0x81: {  	[sflag:s28] =	ssyncadd.s32 $0xFFFFD800  }
0x82: {  	[spmem:s1] =	stream.indirect.scatter.add.f32 [tilespmem:s25], [sflag:$0x3], $0x80, s24, s21, $0xb8;
	[tilespmem:$0x19200] =	vst v63  }
0x83: {  	_ =	swait.ge [sflag:s19], $0x2800  }
0x84: {  	[sflag:s19] =	ssyncset.done $0x0  }
0x85: {  	[sflag:s19] =	ssyncadd.s32 $0xFFFFD800  }
0x86: {  	[tilespmem:s23], [sflag:$0x3] =	stream.linear.gather [hbm4b:s13+s3], $0x50, $0x38;
	[tilespmem:$0x19200] =	vst v63  }
0x87: {  	_ =	swait.ge [sflag:s19], $0x50  }
0x88: {  	[sflag:s19] =	ssyncset.done $0x0  }
0x89: {  	[sflag:s19] =	ssyncadd.s32 $0xFFFFFFB0  }
0x8a: {  	[tilespmem:s24], [sflag:$0x3] =	stream.linear.gather [hbm4b:s14+s3], $0x50, $0x38;
	[tilespmem:$0x19200] =	vst v63  }
0x8b: {  	_ =	swait.ge [sflag:s19], $0x50  }
0x8c: {  	[sflag:s19] =	ssyncset.done $0x0  }
0x8d: {  	[sflag:s19] =	ssyncadd.s32 $0xFFFFFFB0  }
0x8e: {  	[tilespmem:s25], [sflag:$0x2] =	stream.indirect.gather [hbm4b:s6+s21], $0x80, s23, s21, $0xb8;
	[tilespmem:$0x19200] =	vst v63  }
0x8f: {  	_ =	swait.ge [sflag:s26], $0x2800  }
0x90: {  	[sflag:s26] =	ssyncset.done $0x0  }
0x91: {  	[sflag:s26] =	ssyncadd.s32 $0xFFFFD800  }
0x92: {  	[spmem:s1] =	stream.indirect.scatter.add.f32 [tilespmem:s22], [sflag:$0x3], $0x80, s20, s21, $0xb8;
	[tilespmem:$0x19200] =	vst v63  }
0x93: {  	_ =	swait.ge [sflag:s19], $0x2800  }
0x94: {  	[sflag:s19] =	ssyncset.done $0x0  }
0x95: {  	[sflag:s19] =	ssyncadd.s32 $0xFFFFD800  }
0x96: {  	_ =	swait.ge [sflag:s28], $0x2800  }
0x97: {  	[sflag:s28] =	ssyncset.done $0x0  }
0x98: {  	[sflag:s28] =	ssyncadd.s32 $0xFFFFD800  }
0x99: {  	[spmem:s1] =	stream.indirect.scatter.add.f32 [tilespmem:s25], [sflag:$0x3], $0x80, s24, s21, $0xb8;
	[tilespmem:$0x19200] =	vst v63  }
0x9a: {  	_ =	swait.ge [sflag:s19], $0x2800  }
0x9b: {  	s29 =	sadd.s32 $0x1, s29;
	[sflag:s19] =	ssyncset.done $0x0  }
0x9c: {  	p0 =	sne.s32 s29, s12;
	[sflag:s19] =	ssyncadd.s32 $0xFFFFD800  }
.Ltmp1:
0x9d: {  	[bflag:$0x0] =	sbarrier.arrive $0xFFFF;
	(pc) =	sbr.rel @p0 .LBB2_1-.Ltmp1, $4  }
0x9e: {  	[hbm:s11], [sflag:s8] =	dma.local [spmem:s18], $0x2800  }
0x9f: {  	_ =	swait.ge [sflag:s19], $0x2800  }
0xa0: {  	[sflag:s19] =	ssyncset.done $0x0  }
0xa1: {  	[sflag:s19] =	ssyncadd.s32 $0xFFFFD800  }
0xa2: {  	_ =	sfence.sel $0x180000  }
0xa3: {  	[bflag:$0x0] =	sbarrier.arrive $0xFFFF  }
0xa4: {  	_ =	strace $0x90000050  }
0xa5: {  	s0 =	stileid.u32;
	[bflag:$0x2] =	sbarrier.arrive $0xFFFF  }
0xa6: {  	p0 =	sne.s32 s0, $0x0;
	s0 =	rddreg [dreg:$0x2]  }
0xa7: {  	s0 =	sadd.s32 @!p0 $0x100000, s0  }
0xa8: {  	[sflag:s0] =	ssyncadd.tile.s32 @!p0 $0x1;
	_ =	shalt  }
.Lfunc_end2:
_tile_overlayer_lowered:
.L_overlay_start_2:
0xa9: {  	(tag) =	ssettag $0x2  }
0xaa: {  	s0 =	rddreg [dreg:$0x0];
	s2 =	stileid.u32  }
0xab: {  	s1 =	rddreg [dreg:$0x1];
	p0 =	sne.s32 s2, $0x0  }
0xac: {  	s3 =	rddreg [dreg:$0x2];
	[bflag:$0x3] =	sbarrier.arrive $0xFFFF;
	s2 =	simm.s32 @!p0 $0x1C03  }
0xad: {  	[timem:s3], [sflag:s2] =	dma.local @!p0 [hbm:s0], s1  }
0xae: {  	s0 =	simm.s32 @!p0 $0x3  }
0xaf: {  	_ =	swait.ge @!p0 [sflag:s0], s1  }
0xb0: {  	s1 =	ssub.s32 @!p0 $0x0, s1;
	[sflag:s0] =	ssyncset.done @!p0 $0x0  }
0xb1: {  	[sflag:s0] =	ssyncadd.s32 @!p0 s1  }
0xb2: {  	[bflag:$0x3] =	sbarrier.arrive $0xFFFF  }
0xb3: {  	_ =	shalt  }

</sc_bundles>
